<compile_context>
chip_gen: v7x
topology: tpu7x:2x2x1
jax: 0.10.2.dev20260603
libtpu: 0.0.44.dev20260713+nightly
codegen_flags: <defaults>
</compile_context>

<pallas_src>
import functools

import jax
import jax.numpy as jnp
from jax import lax
from jax.experimental import pallas as pl
from jax.experimental.pallas import tpu as pltpu
from jax.experimental.pallas import tpu_sc as plsc

_E = 8
_D = 1024
_N = 4096
_K = 2
_A = _N * _K
_TG = 512
_G = _A // _TG + _E
_S = _G * _TG
_CT = 512
_NCK = _N // _CT
_TT = 512

_NW = 32
_RPW = _A // _NW
_CH = 32
_NCH = _RPW // _CH


def _router_body(x_ref, rk_ref, rb_ref, dest_ref, gates_ref, tmeta_ref):
    x = x_ref[...]
    logits = jnp.dot(x, rk_ref[...], preferred_element_type=jnp.float32)
    logits = logits + rb_ref[...]
    m = jnp.max(logits, axis=-1, keepdims=True)
    ex = jnp.exp(logits - m)
    probs = ex / jnp.sum(ex, axis=-1, keepdims=True)

    lane = lax.broadcasted_iota(jnp.int32, probs.shape, 1)
    p1 = jnp.max(probs, axis=-1, keepdims=True)
    i1 = jnp.min(jnp.where(probs == p1, lane, _E), axis=-1, keepdims=True)
    probs2 = jnp.where(lane == i1, -jnp.inf, probs)
    p2 = jnp.max(probs2, axis=-1, keepdims=True)
    i2 = jnp.min(jnp.where(probs2 == p2, lane, _E), axis=-1, keepdims=True)
    denom = p1 + p2
    gates_ref[...] = jnp.concatenate([p1 / denom, p2 / denom], axis=1)

    oh0 = (lane == i1).astype(jnp.float32)
    oh1 = (lane == i2).astype(jnp.float32)

    r = lax.broadcasted_iota(jnp.int32, (_CT, _CT), 0)
    c = lax.broadcasted_iota(jnp.int32, (_CT, _CT), 1)
    tril = (c < r).astype(jnp.bfloat16)
    oh01 = jnp.concatenate([oh0, oh1], axis=1)
    chunks = [oh01[i * _CT:(i + 1) * _CT] for i in range(_NCK)]
    big = jnp.concatenate(chunks, axis=1).astype(jnp.bfloat16)
    scan = jnp.dot(tril, big, preferred_element_type=jnp.float32)
    carry = jnp.zeros((1, 2 * _E), jnp.float32)
    parts = []
    for i in range(_NCK):
        parts.append(scan[:, i * 2 * _E:(i + 1) * 2 * _E] + carry)
        carry = carry + jnp.sum(chunks[i], axis=0, keepdims=True)
    ranks01 = jnp.concatenate(parts, axis=0)
    cnt0 = carry[:, :_E]
    ranks0 = ranks01[:, :_E]
    ranks1 = ranks01[:, _E:] + cnt0
    counts = cnt0 + carry[:, _E:]

    ptiles = jnp.floor((counts + (_TG - 1.0)) * (1.0 / _TG))
    rr = lax.broadcasted_iota(jnp.int32, (_E, _E), 0)
    cc = lax.broadcasted_iota(jnp.int32, (_E, _E), 1)
    triu = (rr < cc).astype(jnp.bfloat16)
    tstart = jnp.dot(ptiles.astype(jnp.bfloat16), triu,
                     preferred_element_type=jnp.float32)
    toff = tstart * float(_TG)

    d0 = jnp.sum(oh0 * (toff + ranks0), axis=1, keepdims=True)
    d1 = jnp.sum(oh1 * (toff + ranks1), axis=1, keepdims=True)
    dest_ref[...] = jnp.concatenate([d0, d1], axis=1).astype(jnp.int32)

    gi = lax.broadcasted_iota(jnp.int32, (64, _E), 0).astype(jnp.float32)
    te = jnp.sum((gi >= tstart).astype(jnp.float32), axis=1, keepdims=True)
    tmeta_ref[...] = (te - 1.0).astype(jnp.int32)


def _route(xbf, rkbf, rb):
    return pl.pallas_call(
        _router_body,
        in_specs=[
            pl.BlockSpec((_N, _D), lambda: (0, 0)),
            pl.BlockSpec((_D, _E), lambda: (0, 0)),
            pl.BlockSpec((1, _E), lambda: (0, 0)),
        ],
        out_specs=[
            pl.BlockSpec((_N, _K), lambda: (0, 0)),
            pl.BlockSpec((_N, _K), lambda: (0, 0)),
            pl.BlockSpec((64, 1), lambda: (0, 0)),
        ],
        out_shape=[
            jax.ShapeDtypeStruct((_N, _K), jnp.int32),
            jax.ShapeDtypeStruct((_N, _K), jnp.float32),
            jax.ShapeDtypeStruct((64, 1), jnp.int32),
        ],
    )(xbf, rkbf, rb)


@functools.lru_cache(maxsize=None)
def _sc_kernels():
    mesh = plsc.VectorSubcoreMesh(core_axis_name="c", subcore_axis_name="s")
    cp = pltpu.CompilerParams(use_tc_tiling_on_sc=True)

    @functools.partial(
        pl.kernel, mesh=mesh, compiler_params=cp,
        out_type=jax.ShapeDtypeStruct((_S, _D), jnp.float32),
        scratch_types=[
            pltpu.VMEM((_NCH, _CH), jnp.int32),
            pltpu.VMEM((_CH, _D), jnp.float32),
            pltpu.VMEM((_CH, _D), jnp.float32),
            pltpu.SemaphoreType.DMA,
            pltpu.SemaphoreType.DMA,
            pltpu.SemaphoreType.DMA,
            pltpu.SemaphoreType.DMA,
        ],
    )
    def sc_scatter(x_hbm, idx_hbm, xs_hbm, idx_v, buf_a, buf_b,
                   sem_a, sem_b, sem_w0, sem_w1):
        wid = lax.axis_index("s") * 2 + lax.axis_index("c")
        base = wid * _RPW
        pltpu.sync_copy(idx_hbm.at[wid], idx_v)
        bufs, sems = (buf_a, buf_b), (sem_a, sem_b)
        wsems = (sem_w0, sem_w1)

        def src(j):
            return (base + j * _CH) % _N

        rd = [None, None]
        wr = [None, None]
        rd[0] = pltpu.async_copy(x_hbm.at[pl.ds(src(0), _CH)], buf_a, sem_a)
        for j in range(_NCH):
            rd[j % 2].wait()
            if wr[j % 2] is not None:
                wr[j % 2].wait()
            if j + 1 < _NCH:
                if wr[(j + 1) % 2] is not None:
                    wr[(j + 1) % 2].wait()
                    wr[(j + 1) % 2] = None
                rd[(j + 1) % 2] = pltpu.async_copy(
                    x_hbm.at[pl.ds(src(j + 1), _CH)],
                    bufs[(j + 1) % 2], sems[(j + 1) % 2])
            wr[j % 2] = pltpu.async_copy(bufs[j % 2], xs_hbm.at[idx_v.at[j]],
                                         wsems[j % 2])
        for w in wr:
            if w is not None:
                w.wait()

    @functools.partial(
        pl.kernel, mesh=mesh, compiler_params=cp,
        out_type=jax.ShapeDtypeStruct((_A, _D), jnp.float32),
        scratch_types=[
            pltpu.VMEM((_NCH, _CH), jnp.int32),
            pltpu.VMEM((_CH, _D), jnp.float32),
            pltpu.VMEM((_CH, _D), jnp.float32),
            pltpu.SemaphoreType.DMA,
            pltpu.SemaphoreType.DMA,
            pltpu.SemaphoreType.DMA,
            pltpu.SemaphoreType.DMA,
        ],
    )
    def sc_gather(ys_hbm, idx_hbm, rows_hbm, idx_v, buf_a, buf_b,
                  sem_a, sem_b, sem_w0, sem_w1):
        wid = lax.axis_index("s") * 2 + lax.axis_index("c")
        base = wid * _RPW
        pltpu.sync_copy(idx_hbm.at[wid], idx_v)
        bufs, sems = (buf_a, buf_b), (sem_a, sem_b)
        wsems = (sem_w0, sem_w1)
        rd = [None, None]
        wr = [None, None]
        rd[0] = pltpu.async_copy(ys_hbm.at[idx_v.at[0]], buf_a, sem_a)
        for j in range(_NCH):
            rd[j % 2].wait()
            if wr[j % 2] is not None:
                wr[j % 2].wait()
            if j + 1 < _NCH:
                if wr[(j + 1) % 2] is not None:
                    wr[(j + 1) % 2].wait()
                    wr[(j + 1) % 2] = None
                rd[(j + 1) % 2] = pltpu.async_copy(
                    ys_hbm.at[idx_v.at[j + 1]],
                    bufs[(j + 1) % 2], sems[(j + 1) % 2])
            wr[j % 2] = pltpu.async_copy(bufs[j % 2],
                                         rows_hbm.at[pl.ds(base + j * _CH, _CH)],
                                         wsems[j % 2])
        for w in wr:
            if w is not None:
                w.wait()

    return sc_scatter, sc_gather


def _expert_body(te_ref, xs_ref, ek_ref, eb_ref, ys_ref):
    h = jnp.dot(xs_ref[...].astype(jnp.bfloat16), ek_ref[0],
                preferred_element_type=jnp.float32)
    h = h + eb_ref[0]
    ys_ref[...] = jax.nn.gelu(h)


def _expert_gemm(tile_expert, xs, ekbf, eb):
    grid_spec = pltpu.PrefetchScalarGridSpec(
        num_scalar_prefetch=1,
        grid=(_G,),
        in_specs=[
            pl.BlockSpec((_TG, _D), lambda g, te: (g, 0)),
            pl.BlockSpec((1, _D, _D), lambda g, te: (te[g], 0, 0)),
            pl.BlockSpec((1, 1, _D), lambda g, te: (te[g], 0, 0)),
        ],
        out_specs=pl.BlockSpec((_TG, _D), lambda g, te: (g, 0)),
    )
    return pl.pallas_call(
        _expert_body,
        grid_spec=grid_spec,
        out_shape=jax.ShapeDtypeStruct((_S, _D), jnp.float32),
        compiler_params=pltpu.CompilerParams(
            dimension_semantics=("arbitrary",),
        ),
    )(tile_expert, xs, ekbf, eb)


def _combine_body(r0_ref, r1_ref, gates_ref, wo_ref, ob_ref, out_ref):
    g = gates_ref[...]
    comb = r0_ref[...] * g[:, 0:1] + r1_ref[...] * g[:, 1:2]
    out = jnp.dot(comb.astype(jnp.bfloat16), wo_ref[...],
                  preferred_element_type=jnp.float32)
    out_ref[...] = out + ob_ref[...]


def _combine(rows, gates, wobf, ob):
    grid = (_N // _TT,)
    return pl.pallas_call(
        _combine_body,
        grid=grid,
        in_specs=[
            pl.BlockSpec((_TT, _D), lambda i: (i, 0)),
            pl.BlockSpec((_TT, _D), lambda i: (i + _N // _TT, 0)),
            pl.BlockSpec((_TT, _K), lambda i: (i, 0)),
            pl.BlockSpec((_D, _D), lambda i: (0, 0)),
            pl.BlockSpec((1, _D), lambda i: (0, 0)),
        ],
        out_specs=pl.BlockSpec((_TT, _D), lambda i: (i, 0)),
        out_shape=jax.ShapeDtypeStruct((_N, _D), jnp.float32),
        compiler_params=pltpu.CompilerParams(
            dimension_semantics=("arbitrary",),
        ),
    )(rows, rows, gates, wobf, ob)


@jax.jit
def kernel(x, router_kernel, router_bias, expert_kernels, expert_biases,
           out_kernel, out_bias):
    b, s, d = x.shape
    xf = x.reshape(b * s, d)
    xbf = xf.astype(jnp.bfloat16)
    rkbf = router_kernel.astype(jnp.bfloat16)
    ekbf = expert_kernels.astype(jnp.bfloat16)
    wobf = out_kernel.astype(jnp.bfloat16)
    rb = router_bias.reshape(1, _E)
    ob = out_bias.reshape(1, _D)
    eb3 = expert_biases.reshape(_E, 1, _D)

    dest, gates, tmeta = _route(xbf, rkbf, rb)
    idx = dest.T.reshape(_NW, _NCH, _CH)
    tile_expert = tmeta.reshape(64)[:_G]

    sc_scatter, sc_gather = _sc_kernels()
    xs = sc_scatter(xf, idx)
    ys = _expert_gemm(tile_expert, xs, ekbf, eb3)
    rows = sc_gather(ys, idx)
    out = _combine(rows, gates, wobf, ob)
    return out.reshape(b, s, d)

# --- scband reference (transcript-rebuilt; emitter-appended) ---
"""Pipeline reference for scband-tpumo-elayer-40819369181852 (READ-ONLY COPY).

The authoritative reference and input builder live on the scoring server;
editing this copy changes nothing except your own understanding.
"""

import jax, jax.numpy as jnp
import numpy as np

NUM_EXPERTS = 8
D_MODEL = 1024
EXPERT_DIM = 1024
B, S = 2, 2048
TOP_K = 2


def setup_inputs(seed: int = 0) -> dict:
    key = jax.random.key(seed)
    ks = jax.random.split(key, 6)
    x = jax.random.normal(ks[0], (B, S, D_MODEL), dtype=jnp.float32)
    sc_in = 1.0 / np.sqrt(D_MODEL)
    router_kernel = (jax.random.normal(ks[1], (D_MODEL, NUM_EXPERTS), dtype=jnp.float32) * sc_in)
    router_bias = jnp.zeros((NUM_EXPERTS,), dtype=jnp.float32)
    expert_kernels = (jax.random.normal(ks[2], (NUM_EXPERTS, D_MODEL, EXPERT_DIM), dtype=jnp.float32) * sc_in)
    expert_biases = jnp.zeros((NUM_EXPERTS, EXPERT_DIM), dtype=jnp.float32)
    out_kernel = (jax.random.normal(ks[3], (EXPERT_DIM, EXPERT_DIM), dtype=jnp.float32) * (1.0 / np.sqrt(EXPERT_DIM)))
    out_bias = jnp.zeros((EXPERT_DIM,), dtype=jnp.float32)
    return {
        "x": x,
        "router_kernel": router_kernel,
        "router_bias": router_bias,
        "expert_kernels": expert_kernels,
        "expert_biases": expert_biases,
        "out_kernel": out_kernel,
        "out_bias": out_bias,
    }


def reference(x, router_kernel, router_bias, expert_kernels, expert_biases, out_kernel, out_bias):
    # Router (TPUGEMMLinear with use_fp8=False -> plain GEMM + bias)
    router_logits = jnp.dot(x, router_kernel) + router_bias
    router_probs = jax.nn.softmax(router_logits, axis=-1)
    k = TOP_K  # hardcoded k = 2 in original forward
    top_k_probs, top_k_indices = jax.lax.top_k(router_probs, k)
    top_k_probs = top_k_probs / jnp.sum(top_k_probs, axis=-1, keepdims=True)

    combined_output = jnp.zeros_like(x)
    for expert_idx in range(NUM_EXPERTS):
        mask_k = (top_k_indices == expert_idx)                 # [B, S, k]
        gate = jnp.sum(top_k_probs * mask_k.astype(x.dtype), axis=-1)  # [B, S]
        tok_mask = jnp.any(mask_k, axis=-1)                    # [B, S]
        expert_input = jnp.where(tok_mask[..., None], x, 0.0)  # dense masked input
        expert_output = jnp.dot(expert_input, expert_kernels[expert_idx]) + expert_biases[expert_idx]
        expert_output = jax.nn.gelu(expert_output)
        combined_output = combined_output + expert_output * gate[..., None]

    output = jnp.dot(combined_output, out_kernel) + out_bias
    return output

if __name__ == "__main__":
    import jax
    _d = setup_inputs()
    print(jax.jit(kernel)(*tuple(_d.values())))

</pallas_src>

<mosaic_0001>
#map = affine_map<(d0, d1) -> (0, 0)>
#map1 = affine_map<(d0, d1) -> (0, 0, 0)>
module attributes {stable_mosaic.version = 14 : i64} {
  func.func @sc_gather(%arg0: i32, %arg1: i32, %arg2: memref<12288x1024xf32, #tpu.memory_space<hbm>>, %arg3: memref<32x8x32xi32, #tpu.memory_space<hbm>>, %arg4: memref<8192x1024xf32, #tpu.memory_space<hbm>>, %arg5: memref<8x32xi32, #tpu.memory_space<vmem>>, %arg6: memref<32x1024xf32, #tpu.memory_space<vmem>>, %arg7: memref<32x1024xf32, #tpu.memory_space<vmem>>, %arg8: memref<!tpu.dma_semaphore, #tpu.memory_space<semaphore_mem>>, %arg9: memref<!tpu.dma_semaphore, #tpu.memory_space<semaphore_mem>>, %arg10: memref<!tpu.dma_semaphore, #tpu.memory_space<semaphore_mem>>, %arg11: memref<!tpu.dma_semaphore, #tpu.memory_space<semaphore_mem>>) attributes {dimension_semantics = [#tpu.dimension_semantics<core_parallel>, #tpu.dimension_semantics<subcore_parallel>], iteration_bounds = array<i64: 2, 16>, scalar_prefetch = 0 : i64, scratch_operands = 7 : i64, tpu.core_type = #tpu.core_type<sc_vector_subcore>, window_params = [{transform_indices = #map}, {transform_indices = #map1}, {transform_indices = #map}]} {
    %mul3A = arith.constant 2 : i32
    %mul3A_0 = arith.muli %arg1, %mul3A : i32
    %add3A = arith.addi %mul3A_0, %arg0 : i32
    %mul3A_1 = arith.constant 256 : i32
    %mul3A_2 = arith.muli %add3A, %mul3A_1 : i32
    "tpu.region"() ({
      %run_scoped3A = tpu.sem_alloc : memref<!tpu.dma_semaphore, #tpu.memory_space<semaphore_mem>>
      %dma_start3A_193 = arith.constant 0 : i32
      %dma_start3A_194 = arith.constant 0 : i32
      %dma_start3A_195 = tpu.memref_slice %arg3[%add3A, %dma_start3A_193, %dma_start3A_194] : memref<32x8x32xi32, #tpu.memory_space<hbm>> -> memref<1x8x32xi32, #tpu.memory_space<hbm>>
      %dma_start3A_196 = tpu.memref_squeeze %dma_start3A_195 : memref<1x8x32xi32, #tpu.memory_space<hbm>> -> memref<8x32xi32, #tpu.memory_space<hbm>>
      %dma_start3A_197 = arith.constant 0 : i32
      %dma_start3A_198 = arith.constant 0 : i32
      %dma_start3A_199 = tpu.memref_slice %arg3[%add3A, %dma_start3A_197, %dma_start3A_198] : memref<32x8x32xi32, #tpu.memory_space<hbm>> -> memref<1x8x32xi32, #tpu.memory_space<hbm>>
      %dma_start3A_200 = tpu.memref_squeeze %dma_start3A_199 : memref<1x8x32xi32, #tpu.memory_space<hbm>> -> memref<8x32xi32, #tpu.memory_space<hbm>>
      tpu.enqueue_dma source(%dma_start3A_200 : memref<8x32xi32, #tpu.memory_space<hbm>>) target(%arg5 : memref<8x32xi32, #tpu.memory_space<vmem>>) target_semaphore(%run_scoped3A : memref<!tpu.dma_semaphore, #tpu.memory_space<semaphore_mem>>)
      %dma_wait3A_201 = arith.constant 0 : i32
      %dma_wait3A_202 = arith.constant 0 : i32
      %dma_wait3A_203 = tpu.memref_slice %arg3[%add3A, %dma_wait3A_201, %dma_wait3A_202] : memref<32x8x32xi32, #tpu.memory_space<hbm>> -> memref<1x8x32xi32, #tpu.memory_space<hbm>>
      %dma_wait3A_204 = tpu.memref_squeeze %dma_wait3A_203 : memref<1x8x32xi32, #tpu.memory_space<hbm>> -> memref<8x32xi32, #tpu.memory_space<hbm>>
      %dma_wait3A_205 = arith.constant 0 : i32
      %dma_wait3A_206 = arith.constant 0 : i32
      %dma_wait3A_207 = tpu.memref_slice %arg3[%add3A, %dma_wait3A_205, %dma_wait3A_206] : memref<32x8x32xi32, #tpu.memory_space<hbm>> -> memref<1x8x32xi32, #tpu.memory_space<hbm>>
      %dma_wait3A_208 = tpu.memref_squeeze %dma_wait3A_207 : memref<1x8x32xi32, #tpu.memory_space<hbm>> -> memref<8x32xi32, #tpu.memory_space<hbm>>
      tpu.wait_dma2 semaphore(%run_scoped3A : memref<!tpu.dma_semaphore, #tpu.memory_space<semaphore_mem>>) src(%dma_wait3A_208 : memref<8x32xi32, #tpu.memory_space<hbm>>) dst(%arg5 : memref<8x32xi32, #tpu.memory_space<vmem>>)
      tpu.yield
    }) : () -> ()
    %dma_start3A = arith.constant 0 : i32
    %dma_start3A_3 = arith.constant 0 : i32
    %dma_start3A_4 = tpu.memref_slice %arg5[%dma_start3A, %dma_start3A_3] : memref<8x32xi32, #tpu.memory_space<vmem>> -> memref<1x32xi32, #tpu.memory_space<vmem>>
    %dma_start3A_5 = tpu.memref_squeeze %dma_start3A_4 : memref<1x32xi32, #tpu.memory_space<vmem>> -> memref<32xi32, #tpu.memory_space<vmem>>
    %dma_start3A_6 = arith.constant 0 : i32
    %dma_start3A_7 = arith.constant 0 : i32
    %dma_start3A_8 = tpu.memref_slice %arg2[%dma_start3A_6, %dma_start3A_7] : memref<12288x1024xf32, #tpu.memory_space<hbm>> -> memref<12288x1024xf32, #tpu.memory_space<hbm>>
    tpu.enqueue_indirect_dma source(%dma_start3A_8 : memref<12288x1024xf32, #tpu.memory_space<hbm>>) target(%arg6 : memref<32x1024xf32, #tpu.memory_space<vmem>>) offsets(%dma_start3A_5 : memref<32xi32, #tpu.memory_space<vmem>>) semaphore(%arg8 : memref<!tpu.dma_semaphore, #tpu.memory_space<semaphore_mem>>)
    %dma_wait3A = arith.constant 0 : i32
    %dma_wait3A_9 = arith.constant 0 : i32
    %dma_wait3A_10 = tpu.memref_slice %arg5[%dma_wait3A, %dma_wait3A_9] : memref<8x32xi32, #tpu.memory_space<vmem>> -> memref<1x32xi32, #tpu.memory_space<vmem>>
    %dma_wait3A_11 = tpu.memref_squeeze %dma_wait3A_10 : memref<1x32xi32, #tpu.memory_space<vmem>> -> memref<32xi32, #tpu.memory_space<vmem>>
    %dma_wait3A_12 = arith.constant 0 : i32
    %dma_wait3A_13 = arith.constant 0 : i32
    %dma_wait3A_14 = tpu.memref_slice %arg2[%dma_wait3A_12, %dma_wait3A_13] : memref<12288x1024xf32, #tpu.memory_space<hbm>> -> memref<12288x1024xf32, #tpu.memory_space<hbm>>
    tpu.wait_indirect_dma semaphore(%arg8 : memref<!tpu.dma_semaphore, #tpu.memory_space<semaphore_mem>>) src(%dma_wait3A_14 : memref<12288x1024xf32, #tpu.memory_space<hbm>>) dst(%arg6 : memref<32x1024xf32, #tpu.memory_space<vmem>>)
    %dma_start3A_15 = arith.constant 1 : i32
    %dma_start3A_16 = arith.constant 0 : i32
    %dma_start3A_17 = tpu.memref_slice %arg5[%dma_start3A_15, %dma_start3A_16] : memref<8x32xi32, #tpu.memory_space<vmem>> -> memref<1x32xi32, #tpu.memory_space<vmem>>
    %dma_start3A_18 = tpu.memref_squeeze %dma_start3A_17 : memref<1x32xi32, #tpu.memory_space<vmem>> -> memref<32xi32, #tpu.memory_space<vmem>>
    %dma_start3A_19 = arith.constant 0 : i32
    %dma_start3A_20 = arith.constant 0 : i32
    %dma_start3A_21 = tpu.memref_slice %arg2[%dma_start3A_19, %dma_start3A_20] : memref<12288x1024xf32, #tpu.memory_space<hbm>> -> memref<12288x1024xf32, #tpu.memory_space<hbm>>
    tpu.enqueue_indirect_dma source(%dma_start3A_21 : memref<12288x1024xf32, #tpu.memory_space<hbm>>) target(%arg7 : memref<32x1024xf32, #tpu.memory_space<vmem>>) offsets(%dma_start3A_18 : memref<32xi32, #tpu.memory_space<vmem>>) semaphore(%arg9 : memref<!tpu.dma_semaphore, #tpu.memory_space<semaphore_mem>>)
    %add3A_22 = arith.constant 0 : i32
    %add3A_23 = arith.addi %mul3A_2, %add3A_22 : i32
    %dma_start3A_24 = arith.constant 0 : i32
    %dma_start3A_25 = tpu.memref_slice %arg4[%add3A_23, %dma_start3A_24] : memref<8192x1024xf32, #tpu.memory_space<hbm>> -> memref<32x1024xf32, #tpu.memory_space<hbm>>
    %dma_start3A_26 = arith.constant 0 : i32
    %dma_start3A_27 = tpu.memref_slice %arg4[%add3A_23, %dma_start3A_26] : memref<8192x1024xf32, #tpu.memory_space<hbm>> -> memref<32x1024xf32, #tpu.memory_space<hbm>>
    tpu.enqueue_dma source(%arg6 : memref<32x1024xf32, #tpu.memory_space<vmem>>) target(%dma_start3A_27 : memref<32x1024xf32, #tpu.memory_space<hbm>>) target_semaphore(%arg10 : memref<!tpu.dma_semaphore, #tpu.memory_space<semaphore_mem>>)
    %dma_wait3A_28 = arith.constant 1 : i32
    %dma_wait3A_29 = arith.constant 0 : i32
    %dma_wait3A_30 = tpu.memref_slice %arg5[%dma_wait3A_28, %dma_wait3A_29] : memref<8x32xi32, #tpu.memory_space<vmem>> -> memref<1x32xi32, #tpu.memory_space<vmem>>
    %dma_wait3A_31 = tpu.memref_squeeze %dma_wait3A_30 : memref<1x32xi32, #tpu.memory_space<vmem>> -> memref<32xi32, #tpu.memory_space<vmem>>
    %dma_wait3A_32 = arith.constant 0 : i32
    %dma_wait3A_33 = arith.constant 0 : i32
    %dma_wait3A_34 = tpu.memref_slice %arg2[%dma_wait3A_32, %dma_wait3A_33] : memref<12288x1024xf32, #tpu.memory_space<hbm>> -> memref<12288x1024xf32, #tpu.memory_space<hbm>>
    tpu.wait_indirect_dma semaphore(%arg9 : memref<!tpu.dma_semaphore, #tpu.memory_space<semaphore_mem>>) src(%dma_wait3A_34 : memref<12288x1024xf32, #tpu.memory_space<hbm>>) dst(%arg7 : memref<32x1024xf32, #tpu.memory_space<vmem>>)
    %dma_wait3A_35 = arith.constant 0 : i32
    %dma_wait3A_36 = tpu.memref_slice %arg4[%add3A_23, %dma_wait3A_35] : memref<8192x1024xf32, #tpu.memory_space<hbm>> -> memref<32x1024xf32, #tpu.memory_space<hbm>>
    %dma_wait3A_37 = arith.constant 0 : i32
    %dma_wait3A_38 = tpu.memref_slice %arg4[%add3A_23, %dma_wait3A_37] : memref<8192x1024xf32, #tpu.memory_space<hbm>> -> memref<32x1024xf32, #tpu.memory_space<hbm>>
    tpu.wait_dma2 semaphore(%arg10 : memref<!tpu.dma_semaphore, #tpu.memory_space<semaphore_mem>>) src(%arg6 : memref<32x1024xf32, #tpu.memory_space<vmem>>) dst(%dma_wait3A_38 : memref<32x1024xf32, #tpu.memory_space<hbm>>)
    %dma_start3A_39 = arith.constant 2 : i32
    %dma_start3A_40 = arith.constant 0 : i32
    %dma_start3A_41 = tpu.memref_slice %arg5[%dma_start3A_39, %dma_start3A_40] : memref<8x32xi32, #tpu.memory_space<vmem>> -> memref<1x32xi32, #tpu.memory_space<vmem>>
    %dma_start3A_42 = tpu.memref_squeeze %dma_start3A_41 : memref<1x32xi32, #tpu.memory_space<vmem>> -> memref<32xi32, #tpu.memory_space<vmem>>
    %dma_start3A_43 = arith.constant 0 : i32
    %dma_start3A_44 = arith.constant 0 : i32
    %dma_start3A_45 = tpu.memref_slice %arg2[%dma_start3A_43, %dma_start3A_44] : memref<12288x1024xf32, #tpu.memory_space<hbm>> -> memref<12288x1024xf32, #tpu.memory_space<hbm>>
    tpu.enqueue_indirect_dma source(%dma_start3A_45 : memref<12288x1024xf32, #tpu.memory_space<hbm>>) target(%arg6 : memref<32x1024xf32, #tpu.memory_space<vmem>>) offsets(%dma_start3A_42 : memref<32xi32, #tpu.memory_space<vmem>>) semaphore(%arg8 : memref<!tpu.dma_semaphore, #tpu.memory_space<semaphore_mem>>)
    %add3A_46 = arith.constant 32 : i32
    %add3A_47 = arith.addi %mul3A_2, %add3A_46 : i32
    %dma_start3A_48 = arith.constant 0 : i32
    %dma_start3A_49 = tpu.memref_slice %arg4[%add3A_47, %dma_start3A_48] : memref<8192x1024xf32, #tpu.memory_space<hbm>> -> memref<32x1024xf32, #tpu.memory_space<hbm>>
    %dma_start3A_50 = arith.constant 0 : i32
    %dma_start3A_51 = tpu.memref_slice %arg4[%add3A_47, %dma_start3A_50] : memref<8192x1024xf32, #tpu.memory_space<hbm>> -> memref<32x1024xf32, #tpu.memory_space<hbm>>
    tpu.enqueue_dma source(%arg7 : memref<32x1024xf32, #tpu.memory_space<vmem>>) target(%dma_start3A_51 : memref<32x1024xf32, #tpu.memory_space<hbm>>) target_semaphore(%arg11 : memref<!tpu.dma_semaphore, #tpu.memory_space<semaphore_mem>>)
    %dma_wait3A_52 = arith.constant 2 : i32
    %dma_wait3A_53 = arith.constant 0 : i32
    %dma_wait3A_54 = tpu.memref_slice %arg5[%dma_wait3A_52, %dma_wait3A_53] : memref<8x32xi32, #tpu.memory_space<vmem>> -> memref<1x32xi32, #tpu.memory_space<vmem>>
    %dma_wait3A_55 = tpu.memref_squeeze %dma_wait3A_54 : memref<1x32xi32, #tpu.memory_space<vmem>> -> memref<32xi32, #tpu.memory_space<vmem>>
    %dma_wait3A_56 = arith.constant 0 : i32
    %dma_wait3A_57 = arith.constant 0 : i32
    %dma_wait3A_58 = tpu.memref_slice %arg2[%dma_wait3A_56, %dma_wait3A_57] : memref<12288x1024xf32, #tpu.memory_space<hbm>> -> memref<12288x1024xf32, #tpu.memory_space<hbm>>
    tpu.wait_indirect_dma semaphore(%arg8 : memref<!tpu.dma_semaphore, #tpu.memory_space<semaphore_mem>>) src(%dma_wait3A_58 : memref<12288x1024xf32, #tpu.memory_space<hbm>>) dst(%arg6 : memref<32x1024xf32, #tpu.memory_space<vmem>>)
    %dma_wait3A_59 = arith.constant 0 : i32
    %dma_wait3A_60 = tpu.memref_slice %arg4[%add3A_47, %dma_wait3A_59] : memref<8192x1024xf32, #tpu.memory_space<hbm>> -> memref<32x1024xf32, #tpu.memory_space<hbm>>
    %dma_wait3A_61 = arith.constant 0 : i32
    %dma_wait3A_62 = tpu.memref_slice %arg4[%add3A_47, %dma_wait3A_61] : memref<8192x1024xf32, #tpu.memory_space<hbm>> -> memref<32x1024xf32, #tpu.memory_space<hbm>>
    tpu.wait_dma2 semaphore(%arg11 : memref<!tpu.dma_semaphore, #tpu.memory_space<semaphore_mem>>) src(%arg7 : memref<32x1024xf32, #tpu.memory_space<vmem>>) dst(%dma_wait3A_62 : memref<32x1024xf32, #tpu.memory_space<hbm>>)
    %dma_start3A_63 = arith.constant 3 : i32
    %dma_start3A_64 = arith.constant 0 : i32
    %dma_start3A_65 = tpu.memref_slice %arg5[%dma_start3A_63, %dma_start3A_64] : memref<8x32xi32, #tpu.memory_space<vmem>> -> memref<1x32xi32, #tpu.memory_space<vmem>>
    %dma_start3A_66 = tpu.memref_squeeze %dma_start3A_65 : memref<1x32xi32, #tpu.memory_space<vmem>> -> memref<32xi32, #tpu.memory_space<vmem>>
    %dma_start3A_67 = arith.constant 0 : i32
    %dma_start3A_68 = arith.constant 0 : i32
    %dma_start3A_69 = tpu.memref_slice %arg2[%dma_start3A_67, %dma_start3A_68] : memref<12288x1024xf32, #tpu.memory_space<hbm>> -> memref<12288x1024xf32, #tpu.memory_space<hbm>>
    tpu.enqueue_indirect_dma source(%dma_start3A_69 : memref<12288x1024xf32, #tpu.memory_space<hbm>>) target(%arg7 : memref<32x1024xf32, #tpu.memory_space<vmem>>) offsets(%dma_start3A_66 : memref<32xi32, #tpu.memory_space<vmem>>) semaphore(%arg9 : memref<!tpu.dma_semaphore, #tpu.memory_space<semaphore_mem>>)
    %add3A_70 = arith.constant 64 : i32
    %add3A_71 = arith.addi %mul3A_2, %add3A_70 : i32
    %dma_start3A_72 = arith.constant 0 : i32
    %dma_start3A_73 = tpu.memref_slice %arg4[%add3A_71, %dma_start3A_72] : memref<8192x1024xf32, #tpu.memory_space<hbm>> -> memref<32x1024xf32, #tpu.memory_space<hbm>>
    %dma_start3A_74 = arith.constant 0 : i32
    %dma_start3A_75 = tpu.memref_slice %arg4[%add3A_71, %dma_start3A_74] : memref<8192x1024xf32, #tpu.memory_space<hbm>> -> memref<32x1024xf32, #tpu.memory_space<hbm>>
    tpu.enqueue_dma source(%arg6 : memref<32x1024xf32, #tpu.memory_space<vmem>>) target(%dma_start3A_75 : memref<32x1024xf32, #tpu.memory_space<hbm>>) target_semaphore(%arg10 : memref<!tpu.dma_semaphore, #tpu.memory_space<semaphore_mem>>)
    %dma_wait3A_76 = arith.constant 3 : i32
    %dma_wait3A_77 = arith.constant 0 : i32
    %dma_wait3A_78 = tpu.memref_slice %arg5[%dma_wait3A_76, %dma_wait3A_77] : memref<8x32xi32, #tpu.memory_space<vmem>> -> memref<1x32xi32, #tpu.memory_space<vmem>>
    %dma_wait3A_79 = tpu.memref_squeeze %dma_wait3A_78 : memref<1x32xi32, #tpu.memory_space<vmem>> -> memref<32xi32, #tpu.memory_space<vmem>>
    %dma_wait3A_80 = arith.constant 0 : i32
    %dma_wait3A_81 = arith.constant 0 : i32
    %dma_wait3A_82 = tpu.memref_slice %arg2[%dma_wait3A_80, %dma_wait3A_81] : memref<12288x1024xf32, #tpu.memory_space<hbm>> -> memref<12288x1024xf32, #tpu.memory_space<hbm>>
    tpu.wait_indirect_dma semaphore(%arg9 : memref<!tpu.dma_semaphore, #tpu.memory_space<semaphore_mem>>) src(%dma_wait3A_82 : memref<12288x1024xf32, #tpu.memory_space<hbm>>) dst(%arg7 : memref<32x1024xf32, #tpu.memory_space<vmem>>)
    %dma_wait3A_83 = arith.constant 0 : i32
    %dma_wait3A_84 = tpu.memref_slice %arg4[%add3A_71, %dma_wait3A_83] : memref<8192x1024xf32, #tpu.memory_space<hbm>> -> memref<32x1024xf32, #tpu.memory_space<hbm>>
    %dma_wait3A_85 = arith.constant 0 : i32
    %dma_wait3A_86 = tpu.memref_slice %arg4[%add3A_71, %dma_wait3A_85] : memref<8192x1024xf32, #tpu.memory_space<hbm>> -> memref<32x1024xf32, #tpu.memory_space<hbm>>
    tpu.wait_dma2 semaphore(%arg10 : memref<!tpu.dma_semaphore, #tpu.memory_space<semaphore_mem>>) src(%arg6 : memref<32x1024xf32, #tpu.memory_space<vmem>>) dst(%dma_wait3A_86 : memref<32x1024xf32, #tpu.memory_space<hbm>>)
    %dma_start3A_87 = arith.constant 4 : i32
    %dma_start3A_88 = arith.constant 0 : i32
    %dma_start3A_89 = tpu.memref_slice %arg5[%dma_start3A_87, %dma_start3A_88] : memref<8x32xi32, #tpu.memory_space<vmem>> -> memref<1x32xi32, #tpu.memory_space<vmem>>
    %dma_start3A_90 = tpu.memref_squeeze %dma_start3A_89 : memref<1x32xi32, #tpu.memory_space<vmem>> -> memref<32xi32, #tpu.memory_space<vmem>>
    %dma_start3A_91 = arith.constant 0 : i32
    %dma_start3A_92 = arith.constant 0 : i32
    %dma_start3A_93 = tpu.memref_slice %arg2[%dma_start3A_91, %dma_start3A_92] : memref<12288x1024xf32, #tpu.memory_space<hbm>> -> memref<12288x1024xf32, #tpu.memory_space<hbm>>
    tpu.enqueue_indirect_dma source(%dma_start3A_93 : memref<12288x1024xf32, #tpu.memory_space<hbm>>) target(%arg6 : memref<32x1024xf32, #tpu.memory_space<vmem>>) offsets(%dma_start3A_90 : memref<32xi32, #tpu.memory_space<vmem>>) semaphore(%arg8 : memref<!tpu.dma_semaphore, #tpu.memory_space<semaphore_mem>>)
    %add3A_94 = arith.constant 96 : i32
    %add3A_95 = arith.addi %mul3A_2, %add3A_94 : i32
    %dma_start3A_96 = arith.constant 0 : i32
    %dma_start3A_97 = tpu.memref_slice %arg4[%add3A_95, %dma_start3A_96] : memref<8192x1024xf32, #tpu.memory_space<hbm>> -> memref<32x1024xf32, #tpu.memory_space<hbm>>
    %dma_start3A_98 = arith.constant 0 : i32
    %dma_start3A_99 = tpu.memref_slice %arg4[%add3A_95, %dma_start3A_98] : memref<8192x1024xf32, #tpu.memory_space<hbm>> -> memref<32x1024xf32, #tpu.memory_space<hbm>>
    tpu.enqueue_dma source(%arg7 : memref<32x1024xf32, #tpu.memory_space<vmem>>) target(%dma_start3A_99 : memref<32x1024xf32, #tpu.memory_space<hbm>>) target_semaphore(%arg11 : memref<!tpu.dma_semaphore, #tpu.memory_space<semaphore_mem>>)
    %dma_wait3A_100 = arith.constant 4 : i32
    %dma_wait3A_101 = arith.constant 0 : i32
    %dma_wait3A_102 = tpu.memref_slice %arg5[%dma_wait3A_100, %dma_wait3A_101] : memref<8x32xi32, #tpu.memory_space<vmem>> -> memref<1x32xi32, #tpu.memory_space<vmem>>
    %dma_wait3A_103 = tpu.memref_squeeze %dma_wait3A_102 : memref<1x32xi32, #tpu.memory_space<vmem>> -> memref<32xi32, #tpu.memory_space<vmem>>
    %dma_wait3A_104 = arith.constant 0 : i32
    %dma_wait3A_105 = arith.constant 0 : i32
    %dma_wait3A_106 = tpu.memref_slice %arg2[%dma_wait3A_104, %dma_wait3A_105] : memref<12288x1024xf32, #tpu.memory_space<hbm>> -> memref<12288x1024xf32, #tpu.memory_space<hbm>>
    tpu.wait_indirect_dma semaphore(%arg8 : memref<!tpu.dma_semaphore, #tpu.memory_space<semaphore_mem>>) src(%dma_wait3A_106 : memref<12288x1024xf32, #tpu.memory_space<hbm>>) dst(%arg6 : memref<32x1024xf32, #tpu.memory_space<vmem>>)
    %dma_wait3A_107 = arith.constant 0 : i32
    %dma_wait3A_108 = tpu.memref_slice %arg4[%add3A_95, %dma_wait3A_107] : memref<8192x1024xf32, #tpu.memory_space<hbm>> -> memref<32x1024xf32, #tpu.memory_space<hbm>>
    %dma_wait3A_109 = arith.constant 0 : i32
    %dma_wait3A_110 = tpu.memref_slice %arg4[%add3A_95, %dma_wait3A_109] : memref<8192x1024xf32, #tpu.memory_space<hbm>> -> memref<32x1024xf32, #tpu.memory_space<hbm>>
    tpu.wait_dma2 semaphore(%arg11 : memref<!tpu.dma_semaphore, #tpu.memory_space<semaphore_mem>>) src(%arg7 : memref<32x1024xf32, #tpu.memory_space<vmem>>) dst(%dma_wait3A_110 : memref<32x1024xf32, #tpu.memory_space<hbm>>)
    %dma_start3A_111 = arith.constant 5 : i32
    %dma_start3A_112 = arith.constant 0 : i32
    %dma_start3A_113 = tpu.memref_slice %arg5[%dma_start3A_111, %dma_start3A_112] : memref<8x32xi32, #tpu.memory_space<vmem>> -> memref<1x32xi32, #tpu.memory_space<vmem>>
    %dma_start3A_114 = tpu.memref_squeeze %dma_start3A_113 : memref<1x32xi32, #tpu.memory_space<vmem>> -> memref<32xi32, #tpu.memory_space<vmem>>
    %dma_start3A_115 = arith.constant 0 : i32
    %dma_start3A_116 = arith.constant 0 : i32
    %dma_start3A_117 = tpu.memref_slice %arg2[%dma_start3A_115, %dma_start3A_116] : memref<12288x1024xf32, #tpu.memory_space<hbm>> -> memref<12288x1024xf32, #tpu.memory_space<hbm>>
    tpu.enqueue_indirect_dma source(%dma_start3A_117 : memref<12288x1024xf32, #tpu.memory_space<hbm>>) target(%arg7 : memref<32x1024xf32, #tpu.memory_space<vmem>>) offsets(%dma_start3A_114 : memref<32xi32, #tpu.memory_space<vmem>>) semaphore(%arg9 : memref<!tpu.dma_semaphore, #tpu.memory_space<semaphore_mem>>)
    %add3A_118 = arith.constant 128 : i32
    %add3A_119 = arith.addi %mul3A_2, %add3A_118 : i32
    %dma_start3A_120 = arith.constant 0 : i32
    %dma_start3A_121 = tpu.memref_slice %arg4[%add3A_119, %dma_start3A_120] : memref<8192x1024xf32, #tpu.memory_space<hbm>> -> memref<32x1024xf32, #tpu.memory_space<hbm>>
    %dma_start3A_122 = arith.constant 0 : i32
    %dma_start3A_123 = tpu.memref_slice %arg4[%add3A_119, %dma_start3A_122] : memref<8192x1024xf32, #tpu.memory_space<hbm>> -> memref<32x1024xf32, #tpu.memory_space<hbm>>
    tpu.enqueue_dma source(%arg6 : memref<32x1024xf32, #tpu.memory_space<vmem>>) target(%dma_start3A_123 : memref<32x1024xf32, #tpu.memory_space<hbm>>) target_semaphore(%arg10 : memref<!tpu.dma_semaphore, #tpu.memory_space<semaphore_mem>>)
    %dma_wait3A_124 = arith.constant 5 : i32
    %dma_wait3A_125 = arith.constant 0 : i32
    %dma_wait3A_126 = tpu.memref_slice %arg5[%dma_wait3A_124, %dma_wait3A_125] : memref<8x32xi32, #tpu.memory_space<vmem>> -> memref<1x32xi32, #tpu.memory_space<vmem>>
    %dma_wait3A_127 = tpu.memref_squeeze %dma_wait3A_126 : memref<1x32xi32, #tpu.memory_space<vmem>> -> memref<32xi32, #tpu.memory_space<vmem>>
    %dma_wait3A_128 = arith.constant 0 : i32
    %dma_wait3A_129 = arith.constant 0 : i32
    %dma_wait3A_130 = tpu.memref_slice %arg2[%dma_wait3A_128, %dma_wait3A_129] : memref<12288x1024xf32, #tpu.memory_space<hbm>> -> memref<12288x1024xf32, #tpu.memory_space<hbm>>
    tpu.wait_indirect_dma semaphore(%arg9 : memref<!tpu.dma_semaphore, #tpu.memory_space<semaphore_mem>>) src(%dma_wait3A_130 : memref<12288x1024xf32, #tpu.memory_space<hbm>>) dst(%arg7 : memref<32x1024xf32, #tpu.memory_space<vmem>>)
    %dma_wait3A_131 = arith.constant 0 : i32
    %dma_wait3A_132 = tpu.memref_slice %arg4[%add3A_119, %dma_wait3A_131] : memref<8192x1024xf32, #tpu.memory_space<hbm>> -> memref<32x1024xf32, #tpu.memory_space<hbm>>
    %dma_wait3A_133 = arith.constant 0 : i32
    %dma_wait3A_134 = tpu.memref_slice %arg4[%add3A_119, %dma_wait3A_133] : memref<8192x1024xf32, #tpu.memory_space<hbm>> -> memref<32x1024xf32, #tpu.memory_space<hbm>>
    tpu.wait_dma2 semaphore(%arg10 : memref<!tpu.dma_semaphore, #tpu.memory_space<semaphore_mem>>) src(%arg6 : memref<32x1024xf32, #tpu.memory_space<vmem>>) dst(%dma_wait3A_134 : memref<32x1024xf32, #tpu.memory_space<hbm>>)
    %dma_start3A_135 = arith.constant 6 : i32
    %dma_start3A_136 = arith.constant 0 : i32
    %dma_start3A_137 = tpu.memref_slice %arg5[%dma_start3A_135, %dma_start3A_136] : memref<8x32xi32, #tpu.memory_space<vmem>> -> memref<1x32xi32, #tpu.memory_space<vmem>>
    %dma_start3A_138 = tpu.memref_squeeze %dma_start3A_137 : memref<1x32xi32, #tpu.memory_space<vmem>> -> memref<32xi32, #tpu.memory_space<vmem>>
    %dma_start3A_139 = arith.constant 0 : i32
    %dma_start3A_140 = arith.constant 0 : i32
    %dma_start3A_141 = tpu.memref_slice %arg2[%dma_start3A_139, %dma_start3A_140] : memref<12288x1024xf32, #tpu.memory_space<hbm>> -> memref<12288x1024xf32, #tpu.memory_space<hbm>>
    tpu.enqueue_indirect_dma source(%dma_start3A_141 : memref<12288x1024xf32, #tpu.memory_space<hbm>>) target(%arg6 : memref<32x1024xf32, #tpu.memory_space<vmem>>) offsets(%dma_start3A_138 : memref<32xi32, #tpu.memory_space<vmem>>) semaphore(%arg8 : memref<!tpu.dma_semaphore, #tpu.memory_space<semaphore_mem>>)
    %add3A_142 = arith.constant 160 : i32
    %add3A_143 = arith.addi %mul3A_2, %add3A_142 : i32
    %dma_start3A_144 = arith.constant 0 : i32
    %dma_start3A_145 = tpu.memref_slice %arg4[%add3A_143, %dma_start3A_144] : memref<8192x1024xf32, #tpu.memory_space<hbm>> -> memref<32x1024xf32, #tpu.memory_space<hbm>>
    %dma_start3A_146 = arith.constant 0 : i32
    %dma_start3A_147 = tpu.memref_slice %arg4[%add3A_143, %dma_start3A_146] : memref<8192x1024xf32, #tpu.memory_space<hbm>> -> memref<32x1024xf32, #tpu.memory_space<hbm>>
    tpu.enqueue_dma source(%arg7 : memref<32x1024xf32, #tpu.memory_space<vmem>>) target(%dma_start3A_147 : memref<32x1024xf32, #tpu.memory_space<hbm>>) target_semaphore(%arg11 : memref<!tpu.dma_semaphore, #tpu.memory_space<semaphore_mem>>)
    %dma_wait3A_148 = arith.constant 6 : i32
    %dma_wait3A_149 = arith.constant 0 : i32
    %dma_wait3A_150 = tpu.memref_slice %arg5[%dma_wait3A_148, %dma_wait3A_149] : memref<8x32xi32, #tpu.memory_space<vmem>> -> memref<1x32xi32, #tpu.memory_space<vmem>>
    %dma_wait3A_151 = tpu.memref_squeeze %dma_wait3A_150 : memref<1x32xi32, #tpu.memory_space<vmem>> -> memref<32xi32, #tpu.memory_space<vmem>>
    %dma_wait3A_152 = arith.constant 0 : i32
    %dma_wait3A_153 = arith.constant 0 : i32
    %dma_wait3A_154 = tpu.memref_slice %arg2[%dma_wait3A_152, %dma_wait3A_153] : memref<12288x1024xf32, #tpu.memory_space<hbm>> -> memref<12288x1024xf32, #tpu.memory_space<hbm>>
    tpu.wait_indirect_dma semaphore(%arg8 : memref<!tpu.dma_semaphore, #tpu.memory_space<semaphore_mem>>) src(%dma_wait3A_154 : memref<12288x1024xf32, #tpu.memory_space<hbm>>) dst(%arg6 : memref<32x1024xf32, #tpu.memory_space<vmem>>)
    %dma_wait3A_155 = arith.constant 0 : i32
    %dma_wait3A_156 = tpu.memref_slice %arg4[%add3A_143, %dma_wait3A_155] : memref<8192x1024xf32, #tpu.memory_space<hbm>> -> memref<32x1024xf32, #tpu.memory_space<hbm>>
    %dma_wait3A_157 = arith.constant 0 : i32
    %dma_wait3A_158 = tpu.memref_slice %arg4[%add3A_143, %dma_wait3A_157] : memref<8192x1024xf32, #tpu.memory_space<hbm>> -> memref<32x1024xf32, #tpu.memory_space<hbm>>
    tpu.wait_dma2 semaphore(%arg11 : memref<!tpu.dma_semaphore, #tpu.memory_space<semaphore_mem>>) src(%arg7 : memref<32x1024xf32, #tpu.memory_space<vmem>>) dst(%dma_wait3A_158 : memref<32x1024xf32, #tpu.memory_space<hbm>>)
    %dma_start3A_159 = arith.constant 7 : i32
    %dma_start3A_160 = arith.constant 0 : i32
    %dma_start3A_161 = tpu.memref_slice %arg5[%dma_start3A_159, %dma_start3A_160] : memref<8x32xi32, #tpu.memory_space<vmem>> -> memref<1x32xi32, #tpu.memory_space<vmem>>
    %dma_start3A_162 = tpu.memref_squeeze %dma_start3A_161 : memref<1x32xi32, #tpu.memory_space<vmem>> -> memref<32xi32, #tpu.memory_space<vmem>>
    %dma_start3A_163 = arith.constant 0 : i32
    %dma_start3A_164 = arith.constant 0 : i32
    %dma_start3A_165 = tpu.memref_slice %arg2[%dma_start3A_163, %dma_start3A_164] : memref<12288x1024xf32, #tpu.memory_space<hbm>> -> memref<12288x1024xf32, #tpu.memory_space<hbm>>
    tpu.enqueue_indirect_dma source(%dma_start3A_165 : memref<12288x1024xf32, #tpu.memory_space<hbm>>) target(%arg7 : memref<32x1024xf32, #tpu.memory_space<vmem>>) offsets(%dma_start3A_162 : memref<32xi32, #tpu.memory_space<vmem>>) semaphore(%arg9 : memref<!tpu.dma_semaphore, #tpu.memory_space<semaphore_mem>>)
    %add3A_166 = arith.constant 192 : i32
    %add3A_167 = arith.addi %mul3A_2, %add3A_166 : i32
    %dma_start3A_168 = arith.constant 0 : i32
    %dma_start3A_169 = tpu.memref_slice %arg4[%add3A_167, %dma_start3A_168] : memref<8192x1024xf32, #tpu.memory_space<hbm>> -> memref<32x1024xf32, #tpu.memory_space<hbm>>
    %dma_start3A_170 = arith.constant 0 : i32
    %dma_start3A_171 = tpu.memref_slice %arg4[%add3A_167, %dma_start3A_170] : memref<8192x1024xf32, #tpu.memory_space<hbm>> -> memref<32x1024xf32, #tpu.memory_space<hbm>>
    tpu.enqueue_dma source(%arg6 : memref<32x1024xf32, #tpu.memory_space<vmem>>) target(%dma_start3A_171 : memref<32x1024xf32, #tpu.memory_space<hbm>>) target_semaphore(%arg10 : memref<!tpu.dma_semaphore, #tpu.memory_space<semaphore_mem>>)
    %dma_wait3A_172 = arith.constant 7 : i32
    %dma_wait3A_173 = arith.constant 0 : i32
    %dma_wait3A_174 = tpu.memref_slice %arg5[%dma_wait3A_172, %dma_wait3A_173] : memref<8x32xi32, #tpu.memory_space<vmem>> -> memref<1x32xi32, #tpu.memory_space<vmem>>
    %dma_wait3A_175 = tpu.memref_squeeze %dma_wait3A_174 : memref<1x32xi32, #tpu.memory_space<vmem>> -> memref<32xi32, #tpu.memory_space<vmem>>
    %dma_wait3A_176 = arith.constant 0 : i32
    %dma_wait3A_177 = arith.constant 0 : i32
    %dma_wait3A_178 = tpu.memref_slice %arg2[%dma_wait3A_176, %dma_wait3A_177] : memref<12288x1024xf32, #tpu.memory_space<hbm>> -> memref<12288x1024xf32, #tpu.memory_space<hbm>>
    tpu.wait_indirect_dma semaphore(%arg9 : memref<!tpu.dma_semaphore, #tpu.memory_space<semaphore_mem>>) src(%dma_wait3A_178 : memref<12288x1024xf32, #tpu.memory_space<hbm>>) dst(%arg7 : memref<32x1024xf32, #tpu.memory_space<vmem>>)
    %add3A_179 = arith.constant 224 : i32
    %add3A_180 = arith.addi %mul3A_2, %add3A_179 : i32
    %dma_start3A_181 = arith.constant 0 : i32
    %dma_start3A_182 = tpu.memref_slice %arg4[%add3A_180, %dma_start3A_181] : memref<8192x1024xf32, #tpu.memory_space<hbm>> -> memref<32x1024xf32, #tpu.memory_space<hbm>>
    %dma_start3A_183 = arith.constant 0 : i32
    %dma_start3A_184 = tpu.memref_slice %arg4[%add3A_180, %dma_start3A_183] : memref<8192x1024xf32, #tpu.memory_space<hbm>> -> memref<32x1024xf32, #tpu.memory_space<hbm>>
    tpu.enqueue_dma source(%arg7 : memref<32x1024xf32, #tpu.memory_space<vmem>>) target(%dma_start3A_184 : memref<32x1024xf32, #tpu.memory_space<hbm>>) target_semaphore(%arg11 : memref<!tpu.dma_semaphore, #tpu.memory_space<semaphore_mem>>)
    %dma_wait3A_185 = arith.constant 0 : i32
    %dma_wait3A_186 = tpu.memref_slice %arg4[%add3A_167, %dma_wait3A_185] : memref<8192x1024xf32, #tpu.memory_space<hbm>> -> memref<32x1024xf32, #tpu.memory_space<hbm>>
    %dma_wait3A_187 = arith.constant 0 : i32
    %dma_wait3A_188 = tpu.memref_slice %arg4[%add3A_167, %dma_wait3A_187] : memref<8192x1024xf32, #tpu.memory_space<hbm>> -> memref<32x1024xf32, #tpu.memory_space<hbm>>
    tpu.wait_dma2 semaphore(%arg10 : memref<!tpu.dma_semaphore, #tpu.memory_space<semaphore_mem>>) src(%arg6 : memref<32x1024xf32, #tpu.memory_space<vmem>>) dst(%dma_wait3A_188 : memref<32x1024xf32, #tpu.memory_space<hbm>>)
    %dma_wait3A_189 = arith.constant 0 : i32
    %dma_wait3A_190 = tpu.memref_slice %arg4[%add3A_180, %dma_wait3A_189] : memref<8192x1024xf32, #tpu.memory_space<hbm>> -> memref<32x1024xf32, #tpu.memory_space<hbm>>
    %dma_wait3A_191 = arith.constant 0 : i32
    %dma_wait3A_192 = tpu.memref_slice %arg4[%add3A_180, %dma_wait3A_191] : memref<8192x1024xf32, #tpu.memory_space<hbm>> -> memref<32x1024xf32, #tpu.memory_space<hbm>>
    tpu.wait_dma2 semaphore(%arg11 : memref<!tpu.dma_semaphore, #tpu.memory_space<semaphore_mem>>) src(%arg7 : memref<32x1024xf32, #tpu.memory_space<vmem>>) dst(%dma_wait3A_192 : memref<32x1024xf32, #tpu.memory_space<hbm>>)
    return
  }
}

#map = affine_map<(d0, d1) -> (0, 0)>
#map1 = affine_map<(d0, d1) -> (0, 0, 0)>
module attributes {stable_mosaic.version = 14 : i64} {
  func.func @sc_scatter(%arg0: i32, %arg1: i32, %arg2: memref<4096x1024xf32, #tpu.memory_space<hbm>>, %arg3: memref<32x8x32xi32, #tpu.memory_space<hbm>>, %arg4: memref<12288x1024xf32, #tpu.memory_space<hbm>>, %arg5: memref<8x32xi32, #tpu.memory_space<vmem>>, %arg6: memref<32x1024xf32, #tpu.memory_space<vmem>>, %arg7: memref<32x1024xf32, #tpu.memory_space<vmem>>, %arg8: memref<!tpu.dma_semaphore, #tpu.memory_space<semaphore_mem>>, %arg9: memref<!tpu.dma_semaphore, #tpu.memory_space<semaphore_mem>>, %arg10: memref<!tpu.dma_semaphore, #tpu.memory_space<semaphore_mem>>, %arg11: memref<!tpu.dma_semaphore, #tpu.memory_space<semaphore_mem>>) attributes {dimension_semantics = [#tpu.dimension_semantics<core_parallel>, #tpu.dimension_semantics<subcore_parallel>], iteration_bounds = array<i64: 2, 16>, scalar_prefetch = 0 : i64, scratch_operands = 7 : i64, tpu.core_type = #tpu.core_type<sc_vector_subcore>, window_params = [{transform_indices = #map}, {transform_indices = #map1}, {transform_indices = #map}]} {
    %mul3A = arith.constant 2 : i32
    %mul3A_0 = arith.muli %arg1, %mul3A : i32
    %add3A = arith.addi %mul3A_0, %arg0 : i32
    %mul3A_1 = arith.constant 256 : i32
    %mul3A_2 = arith.muli %add3A, %mul3A_1 : i32
    "tpu.region"() ({
      %run_scoped3A = tpu.sem_alloc : memref<!tpu.dma_semaphore, #tpu.memory_space<semaphore_mem>>
      %dma_start3A_314 = arith.constant 0 : i32
      %dma_start3A_315 = arith.constant 0 : i32
      %dma_start3A_316 = tpu.memref_slice %arg3[%add3A, %dma_start3A_314, %dma_start3A_315] : memref<32x8x32xi32, #tpu.memory_space<hbm>> -> memref<1x8x32xi32, #tpu.memory_space<hbm>>
      %dma_start3A_317 = tpu.memref_squeeze %dma_start3A_316 : memref<1x8x32xi32, #tpu.memory_space<hbm>> -> memref<8x32xi32, #tpu.memory_space<hbm>>
      %dma_start3A_318 = arith.constant 0 : i32
      %dma_start3A_319 = arith.constant 0 : i32
      %dma_start3A_320 = tpu.memref_slice %arg3[%add3A, %dma_start3A_318, %dma_start3A_319] : memref<32x8x32xi32, #tpu.memory_space<hbm>> -> memref<1x8x32xi32, #tpu.memory_space<hbm>>
      %dma_start3A_321 = tpu.memref_squeeze %dma_start3A_320 : memref<1x8x32xi32, #tpu.memory_space<hbm>> -> memref<8x32xi32, #tpu.memory_space<hbm>>
      tpu.enqueue_dma source(%dma_start3A_321 : memref<8x32xi32, #tpu.memory_space<hbm>>) target(%arg5 : memref<8x32xi32, #tpu.memory_space<vmem>>) target_semaphore(%run_scoped3A : memref<!tpu.dma_semaphore, #tpu.memory_space<semaphore_mem>>)
      %dma_wait3A_322 = arith.constant 0 : i32
      %dma_wait3A_323 = arith.constant 0 : i32
      %dma_wait3A_324 = tpu.memref_slice %arg3[%add3A, %dma_wait3A_322, %dma_wait3A_323] : memref<32x8x32xi32, #tpu.memory_space<hbm>> -> memref<1x8x32xi32, #tpu.memory_space<hbm>>
      %dma_wait3A_325 = tpu.memref_squeeze %dma_wait3A_324 : memref<1x8x32xi32, #tpu.memory_space<hbm>> -> memref<8x32xi32, #tpu.memory_space<hbm>>
      %dma_wait3A_326 = arith.constant 0 : i32
      %dma_wait3A_327 = arith.constant 0 : i32
      %dma_wait3A_328 = tpu.memref_slice %arg3[%add3A, %dma_wait3A_326, %dma_wait3A_327] : memref<32x8x32xi32, #tpu.memory_space<hbm>> -> memref<1x8x32xi32, #tpu.memory_space<hbm>>
      %dma_wait3A_329 = tpu.memref_squeeze %dma_wait3A_328 : memref<1x8x32xi32, #tpu.memory_space<hbm>> -> memref<8x32xi32, #tpu.memory_space<hbm>>
      tpu.wait_dma2 semaphore(%run_scoped3A : memref<!tpu.dma_semaphore, #tpu.memory_space<semaphore_mem>>) src(%dma_wait3A_329 : memref<8x32xi32, #tpu.memory_space<hbm>>) dst(%arg5 : memref<8x32xi32, #tpu.memory_space<vmem>>)
      tpu.yield
    }) : () -> ()
    %add3A_3 = arith.constant 0 : i32
    %add3A_4 = arith.addi %mul3A_2, %add3A_3 : i32
    %jit3A = arith.constant 4096 : i32
    %eq3A = arith.constant 0 : i32
    %eq3A_5 = arith.cmpi eq, %jit3A, %eq3A : i32
    %jit3A_6 = arith.constant 1 : i32
    %select_n3A = arith.select %eq3A_5, %jit3A_6, %jit3A : i32
    %rem3A = arith.remsi %add3A_4, %select_n3A : i32
    %ne3A = arith.constant 0 : i32
    %ne3A_7 = arith.cmpi ne, %rem3A, %ne3A : i32
    %lt3A = arith.constant 0 : i32
    %lt3A_8 = arith.cmpi slt, %rem3A, %lt3A : i32
    %lt3A_9 = arith.constant 0 : i32
    %lt3A_10 = arith.cmpi slt, %select_n3A, %lt3A_9 : i32
    %ne3A_11 = arith.xori %lt3A_8, %lt3A_10 : i1
    %and3A = arith.andi %ne3A_11, %ne3A_7 : i1
    %add3A_12 = arith.addi %rem3A, %select_n3A : i32
    %select_n3A_13 = arith.select %and3A, %add3A_12, %rem3A : i32
    %dma_start3A = arith.constant 0 : i32
    %dma_start3A_14 = tpu.memref_slice %arg2[%select_n3A_13, %dma_start3A] : memref<4096x1024xf32, #tpu.memory_space<hbm>> -> memref<32x1024xf32, #tpu.memory_space<hbm>>
    %dma_start3A_15 = arith.constant 0 : i32
    %dma_start3A_16 = tpu.memref_slice %arg2[%select_n3A_13, %dma_start3A_15] : memref<4096x1024xf32, #tpu.memory_space<hbm>> -> memref<32x1024xf32, #tpu.memory_space<hbm>>
    tpu.enqueue_dma source(%dma_start3A_16 : memref<32x1024xf32, #tpu.memory_space<hbm>>) target(%arg6 : memref<32x1024xf32, #tpu.memory_space<vmem>>) target_semaphore(%arg8 : memref<!tpu.dma_semaphore, #tpu.memory_space<semaphore_mem>>)
    %dma_wait3A = arith.constant 0 : i32
    %dma_wait3A_17 = tpu.memref_slice %arg2[%select_n3A_13, %dma_wait3A] : memref<4096x1024xf32, #tpu.memory_space<hbm>> -> memref<32x1024xf32, #tpu.memory_space<hbm>>
    %dma_wait3A_18 = arith.constant 0 : i32
    %dma_wait3A_19 = tpu.memref_slice %arg2[%select_n3A_13, %dma_wait3A_18] : memref<4096x1024xf32, #tpu.memory_space<hbm>> -> memref<32x1024xf32, #tpu.memory_space<hbm>>
    tpu.wait_dma2 semaphore(%arg8 : memref<!tpu.dma_semaphore, #tpu.memory_space<semaphore_mem>>) src(%dma_wait3A_19 : memref<32x1024xf32, #tpu.memory_space<hbm>>) dst(%arg6 : memref<32x1024xf32, #tpu.memory_space<vmem>>)
    %add3A_20 = arith.constant 32 : i32
    %add3A_21 = arith.addi %mul3A_2, %add3A_20 : i32
    %jit3A_22 = arith.constant 4096 : i32
    %eq3A_23 = arith.constant 0 : i32
    %eq3A_24 = arith.cmpi eq, %jit3A_22, %eq3A_23 : i32
    %jit3A_25 = arith.constant 1 : i32
    %select_n3A_26 = arith.select %eq3A_24, %jit3A_25, %jit3A_22 : i32
    %rem3A_27 = arith.remsi %add3A_21, %select_n3A_26 : i32
    %ne3A_28 = arith.constant 0 : i32
    %ne3A_29 = arith.cmpi ne, %rem3A_27, %ne3A_28 : i32
    %lt3A_30 = arith.constant 0 : i32
    %lt3A_31 = arith.cmpi slt, %rem3A_27, %lt3A_30 : i32
    %lt3A_32 = arith.constant 0 : i32
    %lt3A_33 = arith.cmpi slt, %select_n3A_26, %lt3A_32 : i32
    %ne3A_34 = arith.xori %lt3A_31, %lt3A_33 : i1
    %and3A_35 = arith.andi %ne3A_34, %ne3A_29 : i1
    %add3A_36 = arith.addi %rem3A_27, %select_n3A_26 : i32
    %select_n3A_37 = arith.select %and3A_35, %add3A_36, %rem3A_27 : i32
    %dma_start3A_38 = arith.constant 0 : i32
    %dma_start3A_39 = tpu.memref_slice %arg2[%select_n3A_37, %dma_start3A_38] : memref<4096x1024xf32, #tpu.memory_space<hbm>> -> memref<32x1024xf32, #tpu.memory_space<hbm>>
    %dma_start3A_40 = arith.constant 0 : i32
    %dma_start3A_41 = tpu.memref_slice %arg2[%select_n3A_37, %dma_start3A_40] : memref<4096x1024xf32, #tpu.memory_space<hbm>> -> memref<32x1024xf32, #tpu.memory_space<hbm>>
    tpu.enqueue_dma source(%dma_start3A_41 : memref<32x1024xf32, #tpu.memory_space<hbm>>) target(%arg7 : memref<32x1024xf32, #tpu.memory_space<vmem>>) target_semaphore(%arg9 : memref<!tpu.dma_semaphore, #tpu.memory_space<semaphore_mem>>)
    %dma_start3A_42 = arith.constant 0 : i32
    %dma_start3A_43 = arith.constant 0 : i32
    %dma_start3A_44 = tpu.memref_slice %arg5[%dma_start3A_42, %dma_start3A_43] : memref<8x32xi32, #tpu.memory_space<vmem>> -> memref<1x32xi32, #tpu.memory_space<vmem>>
    %dma_start3A_45 = tpu.memref_squeeze %dma_start3A_44 : memref<1x32xi32, #tpu.memory_space<vmem>> -> memref<32xi32, #tpu.memory_space<vmem>>
    %dma_start3A_46 = arith.constant 0 : i32
    %dma_start3A_47 = arith.constant 0 : i32
    %dma_start3A_48 = tpu.memref_slice %arg4[%dma_start3A_46, %dma_start3A_47] : memref<12288x1024xf32, #tpu.memory_space<hbm>> -> memref<12288x1024xf32, #tpu.memory_space<hbm>>
    tpu.enqueue_indirect_dma source(%arg6 : memref<32x1024xf32, #tpu.memory_space<vmem>>) target(%dma_start3A_48 : memref<12288x1024xf32, #tpu.memory_space<hbm>>) offsets(%dma_start3A_45 : memref<32xi32, #tpu.memory_space<vmem>>) semaphore(%arg10 : memref<!tpu.dma_semaphore, #tpu.memory_space<semaphore_mem>>)
    %dma_wait3A_49 = arith.constant 0 : i32
    %dma_wait3A_50 = tpu.memref_slice %arg2[%select_n3A_37, %dma_wait3A_49] : memref<4096x1024xf32, #tpu.memory_space<hbm>> -> memref<32x1024xf32, #tpu.memory_space<hbm>>
    %dma_wait3A_51 = arith.constant 0 : i32
    %dma_wait3A_52 = tpu.memref_slice %arg2[%select_n3A_37, %dma_wait3A_51] : memref<4096x1024xf32, #tpu.memory_space<hbm>> -> memref<32x1024xf32, #tpu.memory_space<hbm>>
    tpu.wait_dma2 semaphore(%arg9 : memref<!tpu.dma_semaphore, #tpu.memory_space<semaphore_mem>>) src(%dma_wait3A_52 : memref<32x1024xf32, #tpu.memory_space<hbm>>) dst(%arg7 : memref<32x1024xf32, #tpu.memory_space<vmem>>)
    %dma_wait3A_53 = arith.constant 0 : i32
    %dma_wait3A_54 = arith.constant 0 : i32
    %dma_wait3A_55 = tpu.memref_slice %arg5[%dma_wait3A_53, %dma_wait3A_54] : memref<8x32xi32, #tpu.memory_space<vmem>> -> memref<1x32xi32, #tpu.memory_space<vmem>>
    %dma_wait3A_56 = tpu.memref_squeeze %dma_wait3A_55 : memref<1x32xi32, #tpu.memory_space<vmem>> -> memref<32xi32, #tpu.memory_space<vmem>>
    %dma_wait3A_57 = arith.constant 0 : i32
    %dma_wait3A_58 = arith.constant 0 : i32
    %dma_wait3A_59 = tpu.memref_slice %arg4[%dma_wait3A_57, %dma_wait3A_58] : memref<12288x1024xf32, #tpu.memory_space<hbm>> -> memref<12288x1024xf32, #tpu.memory_space<hbm>>
    tpu.wait_indirect_dma semaphore(%arg10 : memref<!tpu.dma_semaphore, #tpu.memory_space<semaphore_mem>>) src(%arg6 : memref<32x1024xf32, #tpu.memory_space<vmem>>) dst(%dma_wait3A_59 : memref<12288x1024xf32, #tpu.memory_space<hbm>>)
    %add3A_60 = arith.constant 64 : i32
    %add3A_61 = arith.addi %mul3A_2, %add3A_60 : i32
    %jit3A_62 = arith.constant 4096 : i32
    %eq3A_63 = arith.constant 0 : i32
    %eq3A_64 = arith.cmpi eq, %jit3A_62, %eq3A_63 : i32
    %jit3A_65 = arith.constant 1 : i32
    %select_n3A_66 = arith.select %eq3A_64, %jit3A_65, %jit3A_62 : i32
    %rem3A_67 = arith.remsi %add3A_61, %select_n3A_66 : i32
    %ne3A_68 = arith.constant 0 : i32
    %ne3A_69 = arith.cmpi ne, %rem3A_67, %ne3A_68 : i32
    %lt3A_70 = arith.constant 0 : i32
    %lt3A_71 = arith.cmpi slt, %rem3A_67, %lt3A_70 : i32
    %lt3A_72 = arith.constant 0 : i32
    %lt3A_73 = arith.cmpi slt, %select_n3A_66, %lt3A_72 : i32
    %ne3A_74 = arith.xori %lt3A_71, %lt3A_73 : i1
    %and3A_75 = arith.andi %ne3A_74, %ne3A_69 : i1
    %add3A_76 = arith.addi %rem3A_67, %select_n3A_66 : i32
    %select_n3A_77 = arith.select %and3A_75, %add3A_76, %rem3A_67 : i32
    %dma_start3A_78 = arith.constant 0 : i32
    %dma_start3A_79 = tpu.memref_slice %arg2[%select_n3A_77, %dma_start3A_78] : memref<4096x1024xf32, #tpu.memory_space<hbm>> -> memref<32x1024xf32, #tpu.memory_space<hbm>>
    %dma_start3A_80 = arith.constant 0 : i32
    %dma_start3A_81 = tpu.memref_slice %arg2[%select_n3A_77, %dma_start3A_80] : memref<4096x1024xf32, #tpu.memory_space<hbm>> -> memref<32x1024xf32, #tpu.memory_space<hbm>>
    tpu.enqueue_dma source(%dma_start3A_81 : memref<32x1024xf32, #tpu.memory_space<hbm>>) target(%arg6 : memref<32x1024xf32, #tpu.memory_space<vmem>>) target_semaphore(%arg8 : memref<!tpu.dma_semaphore, #tpu.memory_space<semaphore_mem>>)
    %dma_start3A_82 = arith.constant 1 : i32
    %dma_start3A_83 = arith.constant 0 : i32
    %dma_start3A_84 = tpu.memref_slice %arg5[%dma_start3A_82, %dma_start3A_83] : memref<8x32xi32, #tpu.memory_space<vmem>> -> memref<1x32xi32, #tpu.memory_space<vmem>>
    %dma_start3A_85 = tpu.memref_squeeze %dma_start3A_84 : memref<1x32xi32, #tpu.memory_space<vmem>> -> memref<32xi32, #tpu.memory_space<vmem>>
    %dma_start3A_86 = arith.constant 0 : i32
    %dma_start3A_87 = arith.constant 0 : i32
    %dma_start3A_88 = tpu.memref_slice %arg4[%dma_start3A_86, %dma_start3A_87] : memref<12288x1024xf32, #tpu.memory_space<hbm>> -> memref<12288x1024xf32, #tpu.memory_space<hbm>>
    tpu.enqueue_indirect_dma source(%arg7 : memref<32x1024xf32, #tpu.memory_space<vmem>>) target(%dma_start3A_88 : memref<12288x1024xf32, #tpu.memory_space<hbm>>) offsets(%dma_start3A_85 : memref<32xi32, #tpu.memory_space<vmem>>) semaphore(%arg11 : memref<!tpu.dma_semaphore, #tpu.memory_space<semaphore_mem>>)
    %dma_wait3A_89 = arith.constant 0 : i32
    %dma_wait3A_90 = tpu.memref_slice %arg2[%select_n3A_77, %dma_wait3A_89] : memref<4096x1024xf32, #tpu.memory_space<hbm>> -> memref<32x1024xf32, #tpu.memory_space<hbm>>
    %dma_wait3A_91 = arith.constant 0 : i32
    %dma_wait3A_92 = tpu.memref_slice %arg2[%select_n3A_77, %dma_wait3A_91] : memref<4096x1024xf32, #tpu.memory_space<hbm>> -> memref<32x1024xf32, #tpu.memory_space<hbm>>
    tpu.wait_dma2 semaphore(%arg8 : memref<!tpu.dma_semaphore, #tpu.memory_space<semaphore_mem>>) src(%dma_wait3A_92 : memref<32x1024xf32, #tpu.memory_space<hbm>>) dst(%arg6 : memref<32x1024xf32, #tpu.memory_space<vmem>>)
    %dma_wait3A_93 = arith.constant 1 : i32
    %dma_wait3A_94 = arith.constant 0 : i32
    %dma_wait3A_95 = tpu.memref_slice %arg5[%dma_wait3A_93, %dma_wait3A_94] : memref<8x32xi32, #tpu.memory_space<vmem>> -> memref<1x32xi32, #tpu.memory_space<vmem>>
    %dma_wait3A_96 = tpu.memref_squeeze %dma_wait3A_95 : memref<1x32xi32, #tpu.memory_space<vmem>> -> memref<32xi32, #tpu.memory_space<vmem>>
    %dma_wait3A_97 = arith.constant 0 : i32
    %dma_wait3A_98 = arith.constant 0 : i32
    %dma_wait3A_99 = tpu.memref_slice %arg4[%dma_wait3A_97, %dma_wait3A_98] : memref<12288x1024xf32, #tpu.memory_space<hbm>> -> memref<12288x1024xf32, #tpu.memory_space<hbm>>
    tpu.wait_indirect_dma semaphore(%arg11 : memref<!tpu.dma_semaphore, #tpu.memory_space<semaphore_mem>>) src(%arg7 : memref<32x1024xf32, #tpu.memory_space<vmem>>) dst(%dma_wait3A_99 : memref<12288x1024xf32, #tpu.memory_space<hbm>>)
    %add3A_100 = arith.constant 96 : i32
    %add3A_101 = arith.addi %mul3A_2, %add3A_100 : i32
    %jit3A_102 = arith.constant 4096 : i32
    %eq3A_103 = arith.constant 0 : i32
    %eq3A_104 = arith.cmpi eq, %jit3A_102, %eq3A_103 : i32
    %jit3A_105 = arith.constant 1 : i32
    %select_n3A_106 = arith.select %eq3A_104, %jit3A_105, %jit3A_102 : i32
    %rem3A_107 = arith.remsi %add3A_101, %select_n3A_106 : i32
    %ne3A_108 = arith.constant 0 : i32
    %ne3A_109 = arith.cmpi ne, %rem3A_107, %ne3A_108 : i32
    %lt3A_110 = arith.constant 0 : i32
    %lt3A_111 = arith.cmpi slt, %rem3A_107, %lt3A_110 : i32
    %lt3A_112 = arith.constant 0 : i32
    %lt3A_113 = arith.cmpi slt, %select_n3A_106, %lt3A_112 : i32
    %ne3A_114 = arith.xori %lt3A_111, %lt3A_113 : i1
    %and3A_115 = arith.andi %ne3A_114, %ne3A_109 : i1
    %add3A_116 = arith.addi %rem3A_107, %select_n3A_106 : i32
    %select_n3A_117 = arith.select %and3A_115, %add3A_116, %rem3A_107 : i32
    %dma_start3A_118 = arith.constant 0 : i32
    %dma_start3A_119 = tpu.memref_slice %arg2[%select_n3A_117, %dma_start3A_118] : memref<4096x1024xf32, #tpu.memory_space<hbm>> -> memref<32x1024xf32, #tpu.memory_space<hbm>>
    %dma_start3A_120 = arith.constant 0 : i32
    %dma_start3A_121 = tpu.memref_slice %arg2[%select_n3A_117, %dma_start3A_120] : memref<4096x1024xf32, #tpu.memory_space<hbm>> -> memref<32x1024xf32, #tpu.memory_space<hbm>>
    tpu.enqueue_dma source(%dma_start3A_121 : memref<32x1024xf32, #tpu.memory_space<hbm>>) target(%arg7 : memref<32x1024xf32, #tpu.memory_space<vmem>>) target_semaphore(%arg9 : memref<!tpu.dma_semaphore, #tpu.memory_space<semaphore_mem>>)
    %dma_start3A_122 = arith.constant 2 : i32
    %dma_start3A_123 = arith.constant 0 : i32
    %dma_start3A_124 = tpu.memref_slice %arg5[%dma_start3A_122, %dma_start3A_123] : memref<8x32xi32, #tpu.memory_space<vmem>> -> memref<1x32xi32, #tpu.memory_space<vmem>>
    %dma_start3A_125 = tpu.memref_squeeze %dma_start3A_124 : memref<1x32xi32, #tpu.memory_space<vmem>> -> memref<32xi32, #tpu.memory_space<vmem>>
    %dma_start3A_126 = arith.constant 0 : i32
    %dma_start3A_127 = arith.constant 0 : i32
    %dma_start3A_128 = tpu.memref_slice %arg4[%dma_start3A_126, %dma_start3A_127] : memref<12288x1024xf32, #tpu.memory_space<hbm>> -> memref<12288x1024xf32, #tpu.memory_space<hbm>>
    tpu.enqueue_indirect_dma source(%arg6 : memref<32x1024xf32, #tpu.memory_space<vmem>>) target(%dma_start3A_128 : memref<12288x1024xf32, #tpu.memory_space<hbm>>) offsets(%dma_start3A_125 : memref<32xi32, #tpu.memory_space<vmem>>) semaphore(%arg10 : memref<!tpu.dma_semaphore, #tpu.memory_space<semaphore_mem>>)
    %dma_wait3A_129 = arith.constant 0 : i32
    %dma_wait3A_130 = tpu.memref_slice %arg2[%select_n3A_117, %dma_wait3A_129] : memref<4096x1024xf32, #tpu.memory_space<hbm>> -> memref<32x1024xf32, #tpu.memory_space<hbm>>
    %dma_wait3A_131 = arith.constant 0 : i32
    %dma_wait3A_132 = tpu.memref_slice %arg2[%select_n3A_117, %dma_wait3A_131] : memref<4096x1024xf32, #tpu.memory_space<hbm>> -> memref<32x1024xf32, #tpu.memory_space<hbm>>
    tpu.wait_dma2 semaphore(%arg9 : memref<!tpu.dma_semaphore, #tpu.memory_space<semaphore_mem>>) src(%dma_wait3A_132 : memref<32x1024xf32, #tpu.memory_space<hbm>>) dst(%arg7 : memref<32x1024xf32, #tpu.memory_space<vmem>>)
    %dma_wait3A_133 = arith.constant 2 : i32
    %dma_wait3A_134 = arith.constant 0 : i32
    %dma_wait3A_135 = tpu.memref_slice %arg5[%dma_wait3A_133, %dma_wait3A_134] : memref<8x32xi32, #tpu.memory_space<vmem>> -> memref<1x32xi32, #tpu.memory_space<vmem>>
    %dma_wait3A_136 = tpu.memref_squeeze %dma_wait3A_135 : memref<1x32xi32, #tpu.memory_space<vmem>> -> memref<32xi32, #tpu.memory_space<vmem>>
    %dma_wait3A_137 = arith.constant 0 : i32
    %dma_wait3A_138 = arith.constant 0 : i32
    %dma_wait3A_139 = tpu.memref_slice %arg4[%dma_wait3A_137, %dma_wait3A_138] : memref<12288x1024xf32, #tpu.memory_space<hbm>> -> memref<12288x1024xf32, #tpu.memory_space<hbm>>
    tpu.wait_indirect_dma semaphore(%arg10 : memref<!tpu.dma_semaphore, #tpu.memory_space<semaphore_mem>>) src(%arg6 : memref<32x1024xf32, #tpu.memory_space<vmem>>) dst(%dma_wait3A_139 : memref<12288x1024xf32, #tpu.memory_space<hbm>>)
    %add3A_140 = arith.constant 128 : i32
    %add3A_141 = arith.addi %mul3A_2, %add3A_140 : i32
    %jit3A_142 = arith.constant 4096 : i32
    %eq3A_143 = arith.constant 0 : i32
    %eq3A_144 = arith.cmpi eq, %jit3A_142, %eq3A_143 : i32
    %jit3A_145 = arith.constant 1 : i32
    %select_n3A_146 = arith.select %eq3A_144, %jit3A_145, %jit3A_142 : i32
    %rem3A_147 = arith.remsi %add3A_141, %select_n3A_146 : i32
    %ne3A_148 = arith.constant 0 : i32
    %ne3A_149 = arith.cmpi ne, %rem3A_147, %ne3A_148 : i32
    %lt3A_150 = arith.constant 0 : i32
    %lt3A_151 = arith.cmpi slt, %rem3A_147, %lt3A_150 : i32
    %lt3A_152 = arith.constant 0 : i32
    %lt3A_153 = arith.cmpi slt, %select_n3A_146, %lt3A_152 : i32
    %ne3A_154 = arith.xori %lt3A_151, %lt3A_153 : i1
    %and3A_155 = arith.andi %ne3A_154, %ne3A_149 : i1
    %add3A_156 = arith.addi %rem3A_147, %select_n3A_146 : i32
    %select_n3A_157 = arith.select %and3A_155, %add3A_156, %rem3A_147 : i32
    %dma_start3A_158 = arith.constant 0 : i32
    %dma_start3A_159 = tpu.memref_slice %arg2[%select_n3A_157, %dma_start3A_158] : memref<4096x1024xf32, #tpu.memory_space<hbm>> -> memref<32x1024xf32, #tpu.memory_space<hbm>>
    %dma_start3A_160 = arith.constant 0 : i32
    %dma_start3A_161 = tpu.memref_slice %arg2[%select_n3A_157, %dma_start3A_160] : memref<4096x1024xf32, #tpu.memory_space<hbm>> -> memref<32x1024xf32, #tpu.memory_space<hbm>>
    tpu.enqueue_dma source(%dma_start3A_161 : memref<32x1024xf32, #tpu.memory_space<hbm>>) target(%arg6 : memref<32x1024xf32, #tpu.memory_space<vmem>>) target_semaphore(%arg8 : memref<!tpu.dma_semaphore, #tpu.memory_space<semaphore_mem>>)
    %dma_start3A_162 = arith.constant 3 : i32
    %dma_start3A_163 = arith.constant 0 : i32
    %dma_start3A_164 = tpu.memref_slice %arg5[%dma_start3A_162, %dma_start3A_163] : memref<8x32xi32, #tpu.memory_space<vmem>> -> memref<1x32xi32, #tpu.memory_space<vmem>>
    %dma_start3A_165 = tpu.memref_squeeze %dma_start3A_164 : memref<1x32xi32, #tpu.memory_space<vmem>> -> memref<32xi32, #tpu.memory_space<vmem>>
    %dma_start3A_166 = arith.constant 0 : i32
    %dma_start3A_167 = arith.constant 0 : i32
    %dma_start3A_168 = tpu.memref_slice %arg4[%dma_start3A_166, %dma_start3A_167] : memref<12288x1024xf32, #tpu.memory_space<hbm>> -> memref<12288x1024xf32, #tpu.memory_space<hbm>>
    tpu.enqueue_indirect_dma source(%arg7 : memref<32x1024xf32, #tpu.memory_space<vmem>>) target(%dma_start3A_168 : memref<12288x1024xf32, #tpu.memory_space<hbm>>) offsets(%dma_start3A_165 : memref<32xi32, #tpu.memory_space<vmem>>) semaphore(%arg11 : memref<!tpu.dma_semaphore, #tpu.memory_space<semaphore_mem>>)
    %dma_wait3A_169 = arith.constant 0 : i32
    %dma_wait3A_170 = tpu.memref_slice %arg2[%select_n3A_157, %dma_wait3A_169] : memref<4096x1024xf32, #tpu.memory_space<hbm>> -> memref<32x1024xf32, #tpu.memory_space<hbm>>
    %dma_wait3A_171 = arith.constant 0 : i32
    %dma_wait3A_172 = tpu.memref_slice %arg2[%select_n3A_157, %dma_wait3A_171] : memref<4096x1024xf32, #tpu.memory_space<hbm>> -> memref<32x1024xf32, #tpu.memory_space<hbm>>
    tpu.wait_dma2 semaphore(%arg8 : memref<!tpu.dma_semaphore, #tpu.memory_space<semaphore_mem>>) src(%dma_wait3A_172 : memref<32x1024xf32, #tpu.memory_space<hbm>>) dst(%arg6 : memref<32x1024xf32, #tpu.memory_space<vmem>>)
    %dma_wait3A_173 = arith.constant 3 : i32
    %dma_wait3A_174 = arith.constant 0 : i32
    %dma_wait3A_175 = tpu.memref_slice %arg5[%dma_wait3A_173, %dma_wait3A_174] : memref<8x32xi32, #tpu.memory_space<vmem>> -> memref<1x32xi32, #tpu.memory_space<vmem>>
    %dma_wait3A_176 = tpu.memref_squeeze %dma_wait3A_175 : memref<1x32xi32, #tpu.memory_space<vmem>> -> memref<32xi32, #tpu.memory_space<vmem>>
    %dma_wait3A_177 = arith.constant 0 : i32
    %dma_wait3A_178 = arith.constant 0 : i32
    %dma_wait3A_179 = tpu.memref_slice %arg4[%dma_wait3A_177, %dma_wait3A_178] : memref<12288x1024xf32, #tpu.memory_space<hbm>> -> memref<12288x1024xf32, #tpu.memory_space<hbm>>
    tpu.wait_indirect_dma semaphore(%arg11 : memref<!tpu.dma_semaphore, #tpu.memory_space<semaphore_mem>>) src(%arg7 : memref<32x1024xf32, #tpu.memory_space<vmem>>) dst(%dma_wait3A_179 : memref<12288x1024xf32, #tpu.memory_space<hbm>>)
    %add3A_180 = arith.constant 160 : i32
    %add3A_181 = arith.addi %mul3A_2, %add3A_180 : i32
    %jit3A_182 = arith.constant 4096 : i32
    %eq3A_183 = arith.constant 0 : i32
    %eq3A_184 = arith.cmpi eq, %jit3A_182, %eq3A_183 : i32
    %jit3A_185 = arith.constant 1 : i32
    %select_n3A_186 = arith.select %eq3A_184, %jit3A_185, %jit3A_182 : i32
    %rem3A_187 = arith.remsi %add3A_181, %select_n3A_186 : i32
    %ne3A_188 = arith.constant 0 : i32
    %ne3A_189 = arith.cmpi ne, %rem3A_187, %ne3A_188 : i32
    %lt3A_190 = arith.constant 0 : i32
    %lt3A_191 = arith.cmpi slt, %rem3A_187, %lt3A_190 : i32
    %lt3A_192 = arith.constant 0 : i32
    %lt3A_193 = arith.cmpi slt, %select_n3A_186, %lt3A_192 : i32
    %ne3A_194 = arith.xori %lt3A_191, %lt3A_193 : i1
    %and3A_195 = arith.andi %ne3A_194, %ne3A_189 : i1
    %add3A_196 = arith.addi %rem3A_187, %select_n3A_186 : i32
    %select_n3A_197 = arith.select %and3A_195, %add3A_196, %rem3A_187 : i32
    %dma_start3A_198 = arith.constant 0 : i32
    %dma_start3A_199 = tpu.memref_slice %arg2[%select_n3A_197, %dma_start3A_198] : memref<4096x1024xf32, #tpu.memory_space<hbm>> -> memref<32x1024xf32, #tpu.memory_space<hbm>>
    %dma_start3A_200 = arith.constant 0 : i32
    %dma_start3A_201 = tpu.memref_slice %arg2[%select_n3A_197, %dma_start3A_200] : memref<4096x1024xf32, #tpu.memory_space<hbm>> -> memref<32x1024xf32, #tpu.memory_space<hbm>>
    tpu.enqueue_dma source(%dma_start3A_201 : memref<32x1024xf32, #tpu.memory_space<hbm>>) target(%arg7 : memref<32x1024xf32, #tpu.memory_space<vmem>>) target_semaphore(%arg9 : memref<!tpu.dma_semaphore, #tpu.memory_space<semaphore_mem>>)
    %dma_start3A_202 = arith.constant 4 : i32
    %dma_start3A_203 = arith.constant 0 : i32
    %dma_start3A_204 = tpu.memref_slice %arg5[%dma_start3A_202, %dma_start3A_203] : memref<8x32xi32, #tpu.memory_space<vmem>> -> memref<1x32xi32, #tpu.memory_space<vmem>>
    %dma_start3A_205 = tpu.memref_squeeze %dma_start3A_204 : memref<1x32xi32, #tpu.memory_space<vmem>> -> memref<32xi32, #tpu.memory_space<vmem>>
    %dma_start3A_206 = arith.constant 0 : i32
    %dma_start3A_207 = arith.constant 0 : i32
    %dma_start3A_208 = tpu.memref_slice %arg4[%dma_start3A_206, %dma_start3A_207] : memref<12288x1024xf32, #tpu.memory_space<hbm>> -> memref<12288x1024xf32, #tpu.memory_space<hbm>>
    tpu.enqueue_indirect_dma source(%arg6 : memref<32x1024xf32, #tpu.memory_space<vmem>>) target(%dma_start3A_208 : memref<12288x1024xf32, #tpu.memory_space<hbm>>) offsets(%dma_start3A_205 : memref<32xi32, #tpu.memory_space<vmem>>) semaphore(%arg10 : memref<!tpu.dma_semaphore, #tpu.memory_space<semaphore_mem>>)
    %dma_wait3A_209 = arith.constant 0 : i32
    %dma_wait3A_210 = tpu.memref_slice %arg2[%select_n3A_197, %dma_wait3A_209] : memref<4096x1024xf32, #tpu.memory_space<hbm>> -> memref<32x1024xf32, #tpu.memory_space<hbm>>
    %dma_wait3A_211 = arith.constant 0 : i32
    %dma_wait3A_212 = tpu.memref_slice %arg2[%select_n3A_197, %dma_wait3A_211] : memref<4096x1024xf32, #tpu.memory_space<hbm>> -> memref<32x1024xf32, #tpu.memory_space<hbm>>
    tpu.wait_dma2 semaphore(%arg9 : memref<!tpu.dma_semaphore, #tpu.memory_space<semaphore_mem>>) src(%dma_wait3A_212 : memref<32x1024xf32, #tpu.memory_space<hbm>>) dst(%arg7 : memref<32x1024xf32, #tpu.memory_space<vmem>>)
    %dma_wait3A_213 = arith.constant 4 : i32
    %dma_wait3A_214 = arith.constant 0 : i32
    %dma_wait3A_215 = tpu.memref_slice %arg5[%dma_wait3A_213, %dma_wait3A_214] : memref<8x32xi32, #tpu.memory_space<vmem>> -> memref<1x32xi32, #tpu.memory_space<vmem>>
    %dma_wait3A_216 = tpu.memref_squeeze %dma_wait3A_215 : memref<1x32xi32, #tpu.memory_space<vmem>> -> memref<32xi32, #tpu.memory_space<vmem>>
    %dma_wait3A_217 = arith.constant 0 : i32
    %dma_wait3A_218 = arith.constant 0 : i32
    %dma_wait3A_219 = tpu.memref_slice %arg4[%dma_wait3A_217, %dma_wait3A_218] : memref<12288x1024xf32, #tpu.memory_space<hbm>> -> memref<12288x1024xf32, #tpu.memory_space<hbm>>
    tpu.wait_indirect_dma semaphore(%arg10 : memref<!tpu.dma_semaphore, #tpu.memory_space<semaphore_mem>>) src(%arg6 : memref<32x1024xf32, #tpu.memory_space<vmem>>) dst(%dma_wait3A_219 : memref<12288x1024xf32, #tpu.memory_space<hbm>>)
    %add3A_220 = arith.constant 192 : i32
    %add3A_221 = arith.addi %mul3A_2, %add3A_220 : i32
    %jit3A_222 = arith.constant 4096 : i32
    %eq3A_223 = arith.constant 0 : i32
    %eq3A_224 = arith.cmpi eq, %jit3A_222, %eq3A_223 : i32
    %jit3A_225 = arith.constant 1 : i32
    %select_n3A_226 = arith.select %eq3A_224, %jit3A_225, %jit3A_222 : i32
    %rem3A_227 = arith.remsi %add3A_221, %select_n3A_226 : i32
    %ne3A_228 = arith.constant 0 : i32
    %ne3A_229 = arith.cmpi ne, %rem3A_227, %ne3A_228 : i32
    %lt3A_230 = arith.constant 0 : i32
    %lt3A_231 = arith.cmpi slt, %rem3A_227, %lt3A_230 : i32
    %lt3A_232 = arith.constant 0 : i32
    %lt3A_233 = arith.cmpi slt, %select_n3A_226, %lt3A_232 : i32
    %ne3A_234 = arith.xori %lt3A_231, %lt3A_233 : i1
    %and3A_235 = arith.andi %ne3A_234, %ne3A_229 : i1
    %add3A_236 = arith.addi %rem3A_227, %select_n3A_226 : i32
    %select_n3A_237 = arith.select %and3A_235, %add3A_236, %rem3A_227 : i32
    %dma_start3A_238 = arith.constant 0 : i32
    %dma_start3A_239 = tpu.memref_slice %arg2[%select_n3A_237, %dma_start3A_238] : memref<4096x1024xf32, #tpu.memory_space<hbm>> -> memref<32x1024xf32, #tpu.memory_space<hbm>>
    %dma_start3A_240 = arith.constant 0 : i32
    %dma_start3A_241 = tpu.memref_slice %arg2[%select_n3A_237, %dma_start3A_240] : memref<4096x1024xf32, #tpu.memory_space<hbm>> -> memref<32x1024xf32, #tpu.memory_space<hbm>>
    tpu.enqueue_dma source(%dma_start3A_241 : memref<32x1024xf32, #tpu.memory_space<hbm>>) target(%arg6 : memref<32x1024xf32, #tpu.memory_space<vmem>>) target_semaphore(%arg8 : memref<!tpu.dma_semaphore, #tpu.memory_space<semaphore_mem>>)
    %dma_start3A_242 = arith.constant 5 : i32
    %dma_start3A_243 = arith.constant 0 : i32
    %dma_start3A_244 = tpu.memref_slice %arg5[%dma_start3A_242, %dma_start3A_243] : memref<8x32xi32, #tpu.memory_space<vmem>> -> memref<1x32xi32, #tpu.memory_space<vmem>>
    %dma_start3A_245 = tpu.memref_squeeze %dma_start3A_244 : memref<1x32xi32, #tpu.memory_space<vmem>> -> memref<32xi32, #tpu.memory_space<vmem>>
    %dma_start3A_246 = arith.constant 0 : i32
    %dma_start3A_247 = arith.constant 0 : i32
    %dma_start3A_248 = tpu.memref_slice %arg4[%dma_start3A_246, %dma_start3A_247] : memref<12288x1024xf32, #tpu.memory_space<hbm>> -> memref<12288x1024xf32, #tpu.memory_space<hbm>>
    tpu.enqueue_indirect_dma source(%arg7 : memref<32x1024xf32, #tpu.memory_space<vmem>>) target(%dma_start3A_248 : memref<12288x1024xf32, #tpu.memory_space<hbm>>) offsets(%dma_start3A_245 : memref<32xi32, #tpu.memory_space<vmem>>) semaphore(%arg11 : memref<!tpu.dma_semaphore, #tpu.memory_space<semaphore_mem>>)
    %dma_wait3A_249 = arith.constant 0 : i32
    %dma_wait3A_250 = tpu.memref_slice %arg2[%select_n3A_237, %dma_wait3A_249] : memref<4096x1024xf32, #tpu.memory_space<hbm>> -> memref<32x1024xf32, #tpu.memory_space<hbm>>
    %dma_wait3A_251 = arith.constant 0 : i32
    %dma_wait3A_252 = tpu.memref_slice %arg2[%select_n3A_237, %dma_wait3A_251] : memref<4096x1024xf32, #tpu.memory_space<hbm>> -> memref<32x1024xf32, #tpu.memory_space<hbm>>
    tpu.wait_dma2 semaphore(%arg8 : memref<!tpu.dma_semaphore, #tpu.memory_space<semaphore_mem>>) src(%dma_wait3A_252 : memref<32x1024xf32, #tpu.memory_space<hbm>>) dst(%arg6 : memref<32x1024xf32, #tpu.memory_space<vmem>>)
    %dma_wait3A_253 = arith.constant 5 : i32
    %dma_wait3A_254 = arith.constant 0 : i32
    %dma_wait3A_255 = tpu.memref_slice %arg5[%dma_wait3A_253, %dma_wait3A_254] : memref<8x32xi32, #tpu.memory_space<vmem>> -> memref<1x32xi32, #tpu.memory_space<vmem>>
    %dma_wait3A_256 = tpu.memref_squeeze %dma_wait3A_255 : memref<1x32xi32, #tpu.memory_space<vmem>> -> memref<32xi32, #tpu.memory_space<vmem>>
    %dma_wait3A_257 = arith.constant 0 : i32
    %dma_wait3A_258 = arith.constant 0 : i32
    %dma_wait3A_259 = tpu.memref_slice %arg4[%dma_wait3A_257, %dma_wait3A_258] : memref<12288x1024xf32, #tpu.memory_space<hbm>> -> memref<12288x1024xf32, #tpu.memory_space<hbm>>
    tpu.wait_indirect_dma semaphore(%arg11 : memref<!tpu.dma_semaphore, #tpu.memory_space<semaphore_mem>>) src(%arg7 : memref<32x1024xf32, #tpu.memory_space<vmem>>) dst(%dma_wait3A_259 : memref<12288x1024xf32, #tpu.memory_space<hbm>>)
    %add3A_260 = arith.constant 224 : i32
    %add3A_261 = arith.addi %mul3A_2, %add3A_260 : i32
    %jit3A_262 = arith.constant 4096 : i32
    %eq3A_263 = arith.constant 0 : i32
    %eq3A_264 = arith.cmpi eq, %jit3A_262, %eq3A_263 : i32
    %jit3A_265 = arith.constant 1 : i32
    %select_n3A_266 = arith.select %eq3A_264, %jit3A_265, %jit3A_262 : i32
    %rem3A_267 = arith.remsi %add3A_261, %select_n3A_266 : i32
    %ne3A_268 = arith.constant 0 : i32
    %ne3A_269 = arith.cmpi ne, %rem3A_267, %ne3A_268 : i32
    %lt3A_270 = arith.constant 0 : i32
    %lt3A_271 = arith.cmpi slt, %rem3A_267, %lt3A_270 : i32
    %lt3A_272 = arith.constant 0 : i32
    %lt3A_273 = arith.cmpi slt, %select_n3A_266, %lt3A_272 : i32
    %ne3A_274 = arith.xori %lt3A_271, %lt3A_273 : i1
    %and3A_275 = arith.andi %ne3A_274, %ne3A_269 : i1
    %add3A_276 = arith.addi %rem3A_267, %select_n3A_266 : i32
    %select_n3A_277 = arith.select %and3A_275, %add3A_276, %rem3A_267 : i32
    %dma_start3A_278 = arith.constant 0 : i32
    %dma_start3A_279 = tpu.memref_slice %arg2[%select_n3A_277, %dma_start3A_278] : memref<4096x1024xf32, #tpu.memory_space<hbm>> -> memref<32x1024xf32, #tpu.memory_space<hbm>>
    %dma_start3A_280 = arith.constant 0 : i32
    %dma_start3A_281 = tpu.memref_slice %arg2[%select_n3A_277, %dma_start3A_280] : memref<4096x1024xf32, #tpu.memory_space<hbm>> -> memref<32x1024xf32, #tpu.memory_space<hbm>>
    tpu.enqueue_dma source(%dma_start3A_281 : memref<32x1024xf32, #tpu.memory_space<hbm>>) target(%arg7 : memref<32x1024xf32, #tpu.memory_space<vmem>>) target_semaphore(%arg9 : memref<!tpu.dma_semaphore, #tpu.memory_space<semaphore_mem>>)
    %dma_start3A_282 = arith.constant 6 : i32
    %dma_start3A_283 = arith.constant 0 : i32
    %dma_start3A_284 = tpu.memref_slice %arg5[%dma_start3A_282, %dma_start3A_283] : memref<8x32xi32, #tpu.memory_space<vmem>> -> memref<1x32xi32, #tpu.memory_space<vmem>>
    %dma_start3A_285 = tpu.memref_squeeze %dma_start3A_284 : memref<1x32xi32, #tpu.memory_space<vmem>> -> memref<32xi32, #tpu.memory_space<vmem>>
    %dma_start3A_286 = arith.constant 0 : i32
    %dma_start3A_287 = arith.constant 0 : i32
    %dma_start3A_288 = tpu.memref_slice %arg4[%dma_start3A_286, %dma_start3A_287] : memref<12288x1024xf32, #tpu.memory_space<hbm>> -> memref<12288x1024xf32, #tpu.memory_space<hbm>>
    tpu.enqueue_indirect_dma source(%arg6 : memref<32x1024xf32, #tpu.memory_space<vmem>>) target(%dma_start3A_288 : memref<12288x1024xf32, #tpu.memory_space<hbm>>) offsets(%dma_start3A_285 : memref<32xi32, #tpu.memory_space<vmem>>) semaphore(%arg10 : memref<!tpu.dma_semaphore, #tpu.memory_space<semaphore_mem>>)
    %dma_wait3A_289 = arith.constant 0 : i32
    %dma_wait3A_290 = tpu.memref_slice %arg2[%select_n3A_277, %dma_wait3A_289] : memref<4096x1024xf32, #tpu.memory_space<hbm>> -> memref<32x1024xf32, #tpu.memory_space<hbm>>
    %dma_wait3A_291 = arith.constant 0 : i32
    %dma_wait3A_292 = tpu.memref_slice %arg2[%select_n3A_277, %dma_wait3A_291] : memref<4096x1024xf32, #tpu.memory_space<hbm>> -> memref<32x1024xf32, #tpu.memory_space<hbm>>
    tpu.wait_dma2 semaphore(%arg9 : memref<!tpu.dma_semaphore, #tpu.memory_space<semaphore_mem>>) src(%dma_wait3A_292 : memref<32x1024xf32, #tpu.memory_space<hbm>>) dst(%arg7 : memref<32x1024xf32, #tpu.memory_space<vmem>>)
    %dma_start3A_293 = arith.constant 7 : i32
    %dma_start3A_294 = arith.constant 0 : i32
    %dma_start3A_295 = tpu.memref_slice %arg5[%dma_start3A_293, %dma_start3A_294] : memref<8x32xi32, #tpu.memory_space<vmem>> -> memref<1x32xi32, #tpu.memory_space<vmem>>
    %dma_start3A_296 = tpu.memref_squeeze %dma_start3A_295 : memref<1x32xi32, #tpu.memory_space<vmem>> -> memref<32xi32, #tpu.memory_space<vmem>>
    %dma_start3A_297 = arith.constant 0 : i32
    %dma_start3A_298 = arith.constant 0 : i32
    %dma_start3A_299 = tpu.memref_slice %arg4[%dma_start3A_297, %dma_start3A_298] : memref<12288x1024xf32, #tpu.memory_space<hbm>> -> memref<12288x1024xf32, #tpu.memory_space<hbm>>
    tpu.enqueue_indirect_dma source(%arg7 : memref<32x1024xf32, #tpu.memory_space<vmem>>) target(%dma_start3A_299 : memref<12288x1024xf32, #tpu.memory_space<hbm>>) offsets(%dma_start3A_296 : memref<32xi32, #tpu.memory_space<vmem>>) semaphore(%arg11 : memref<!tpu.dma_semaphore, #tpu.memory_space<semaphore_mem>>)
    %dma_wait3A_300 = arith.constant 6 : i32
    %dma_wait3A_301 = arith.constant 0 : i32
    %dma_wait3A_302 = tpu.memref_slice %arg5[%dma_wait3A_300, %dma_wait3A_301] : memref<8x32xi32, #tpu.memory_space<vmem>> -> memref<1x32xi32, #tpu.memory_space<vmem>>
    %dma_wait3A_303 = tpu.memref_squeeze %dma_wait3A_302 : memref<1x32xi32, #tpu.memory_space<vmem>> -> memref<32xi32, #tpu.memory_space<vmem>>
    %dma_wait3A_304 = arith.constant 0 : i32
    %dma_wait3A_305 = arith.constant 0 : i32
    %dma_wait3A_306 = tpu.memref_slice %arg4[%dma_wait3A_304, %dma_wait3A_305] : memref<12288x1024xf32, #tpu.memory_space<hbm>> -> memref<12288x1024xf32, #tpu.memory_space<hbm>>
    tpu.wait_indirect_dma semaphore(%arg10 : memref<!tpu.dma_semaphore, #tpu.memory_space<semaphore_mem>>) src(%arg6 : memref<32x1024xf32, #tpu.memory_space<vmem>>) dst(%dma_wait3A_306 : memref<12288x1024xf32, #tpu.memory_space<hbm>>)
    %dma_wait3A_307 = arith.constant 7 : i32
    %dma_wait3A_308 = arith.constant 0 : i32
    %dma_wait3A_309 = tpu.memref_slice %arg5[%dma_wait3A_307, %dma_wait3A_308] : memref<8x32xi32, #tpu.memory_space<vmem>> -> memref<1x32xi32, #tpu.memory_space<vmem>>
    %dma_wait3A_310 = tpu.memref_squeeze %dma_wait3A_309 : memref<1x32xi32, #tpu.memory_space<vmem>> -> memref<32xi32, #tpu.memory_space<vmem>>
    %dma_wait3A_311 = arith.constant 0 : i32
    %dma_wait3A_312 = arith.constant 0 : i32
    %dma_wait3A_313 = tpu.memref_slice %arg4[%dma_wait3A_311, %dma_wait3A_312] : memref<12288x1024xf32, #tpu.memory_space<hbm>> -> memref<12288x1024xf32, #tpu.memory_space<hbm>>
    tpu.wait_indirect_dma semaphore(%arg11 : memref<!tpu.dma_semaphore, #tpu.memory_space<semaphore_mem>>) src(%arg7 : memref<32x1024xf32, #tpu.memory_space<vmem>>) dst(%dma_wait3A_313 : memref<12288x1024xf32, #tpu.memory_space<hbm>>)
    return
  }
}

module attributes {stable_mosaic.version = 14 : i64} {
  func.func @_router_body(%arg0: memref<4096x1024xbf16, #tpu.memory_space<vmem>>, %arg1: memref<1024x8xbf16, #tpu.memory_space<vmem>>, %arg2: memref<1x8xf32, #tpu.memory_space<vmem>>, %arg3: memref<4096x2xi32, #tpu.memory_space<vmem>>, %arg4: memref<4096x2xf32, #tpu.memory_space<vmem>>, %arg5: memref<64x1xi32, #tpu.memory_space<vmem>>) attributes {dimension_semantics = [], scalar_prefetch = 0 : i64, scratch_operands = 0 : i64, tpu.core_type = #tpu.core_type<tc>} {
    %get3A = arith.constant 0 : index
    %get3A_0 = arith.constant 0 : index
    %get3A_1 = vector.load %arg0[%get3A, %get3A_0] : memref<4096x1024xbf16, #tpu.memory_space<vmem>>, vector<4096x1024xbf16>
    %get3A_2 = arith.constant 0 : index
    %get3A_3 = arith.constant 0 : index
    %get3A_4 = vector.load %arg1[%get3A_2, %get3A_3] : memref<1024x8xbf16, #tpu.memory_space<vmem>>, vector<1024x8xbf16>
    %dot_general3A = arith.constant dense<0.000000e+00> : vector<4096x8xf32>
    %dot_general3A_5 = tpu.matmul %get3A_1, %get3A_4, %dot_general3A {dimension_numbers = #tpu.dot_dimension_numbers<[1], [0], [0], [1], [0, 0, 1, 1], [], []>, transpose_lhs_hint = false} : vector<4096x1024xbf16>, vector<1024x8xbf16>, vector<4096x8xf32> -> vector<4096x8xf32>
    %get3A_6 = arith.constant 0 : index
    %get3A_7 = arith.constant 0 : index
    %get3A_8 = vector.load %arg2[%get3A_6, %get3A_7] : memref<1x8xf32, #tpu.memory_space<vmem>>, vector<1x8xf32>
    %add3A = vector.broadcast %get3A_8 : vector<1x8xf32> to vector<4096x8xf32>
    %add3A_9 = arith.addf %dot_general3A_5, %add3A : vector<4096x8xf32>
    %reduce_max3A = arith.constant dense<0xFF800000> : vector<4096xf32>
    %reduce_max3A_10 = vector.multi_reduction <maximumf>, %add3A_9, %reduce_max3A [1] : vector<4096x8xf32> to vector<4096xf32>
    %broadcast_in_dim3A = vector.shape_cast %reduce_max3A_10 : vector<4096xf32> to vector<4096x1xf32>
    %sub3A = vector.broadcast %broadcast_in_dim3A : vector<4096x1xf32> to vector<4096x8xf32>
    %sub3A_11 = arith.subf %add3A_9, %sub3A : vector<4096x8xf32>
    %exp3A = math.exp %sub3A_11 : vector<4096x8xf32>
    %reduce_sum3A = arith.constant dense<0.000000e+00> : vector<4096xf32>
    %reduce_sum3A_12 = vector.multi_reduction <add>, %exp3A, %reduce_sum3A [1] : vector<4096x8xf32> to vector<4096xf32>
    %broadcast_in_dim3A_13 = vector.shape_cast %reduce_sum3A_12 : vector<4096xf32> to vector<4096x1xf32>
    %div3A = vector.broadcast %broadcast_in_dim3A_13 : vector<4096x1xf32> to vector<4096x8xf32>
    %div3A_14 = arith.divf %exp3A, %div3A : vector<4096x8xf32>
    %iota3A = tpu.iota {dimensions = array<i32: 1>} : vector<4096x8xi32>
    %reduce_max3A_15 = arith.constant dense<0xFF800000> : vector<4096xf32>
    %reduce_max3A_16 = vector.multi_reduction <maximumf>, %div3A_14, %reduce_max3A_15 [1] : vector<4096x8xf32> to vector<4096xf32>
    %broadcast_in_dim3A_17 = vector.shape_cast %reduce_max3A_16 : vector<4096xf32> to vector<4096x1xf32>
    %eq3A = vector.broadcast %broadcast_in_dim3A_17 : vector<4096x1xf32> to vector<4096x8xf32>
    %eq3A_18 = arith.cmpf oeq, %div3A_14, %eq3A : vector<4096x8xf32>
    %jit3A = arith.constant 8 : i32
    %broadcast_in_dim3A_19 = vector.broadcast %jit3A : i32 to vector<4096x8xi32>
    %select_n3A = arith.select %eq3A_18, %iota3A, %broadcast_in_dim3A_19 : vector<4096x8xi1>, vector<4096x8xi32>
    %reduce_min3A = arith.constant dense<2147483647> : vector<4096xi32>
    %reduce_min3A_20 = vector.multi_reduction <minsi>, %select_n3A, %reduce_min3A [1] : vector<4096x8xi32> to vector<4096xi32>
    %broadcast_in_dim3A_21 = vector.shape_cast %reduce_min3A_20 : vector<4096xi32> to vector<4096x1xi32>
    %eq3A_22 = vector.broadcast %broadcast_in_dim3A_21 : vector<4096x1xi32> to vector<4096x8xi32>
    %eq3A_23 = arith.cmpi eq, %iota3A, %eq3A_22 : vector<4096x8xi32>
    %jit3A_24 = arith.constant 0xFF800000 : f32
    %broadcast_in_dim3A_25 = vector.broadcast %jit3A_24 : f32 to vector<4096x8xf32>
    %select_n3A_26 = arith.select %eq3A_23, %broadcast_in_dim3A_25, %div3A_14 : vector<4096x8xi1>, vector<4096x8xf32>
    %reduce_max3A_27 = arith.constant dense<0xFF800000> : vector<4096xf32>
    %reduce_max3A_28 = vector.multi_reduction <maximumf>, %select_n3A_26, %reduce_max3A_27 [1] : vector<4096x8xf32> to vector<4096xf32>
    %broadcast_in_dim3A_29 = vector.shape_cast %reduce_max3A_28 : vector<4096xf32> to vector<4096x1xf32>
    %eq3A_30 = vector.broadcast %broadcast_in_dim3A_29 : vector<4096x1xf32> to vector<4096x8xf32>
    %eq3A_31 = arith.cmpf oeq, %select_n3A_26, %eq3A_30 : vector<4096x8xf32>
    %jit3A_32 = arith.constant 8 : i32
    %broadcast_in_dim3A_33 = vector.broadcast %jit3A_32 : i32 to vector<4096x8xi32>
    %select_n3A_34 = arith.select %eq3A_31, %iota3A, %broadcast_in_dim3A_33 : vector<4096x8xi1>, vector<4096x8xi32>
    %reduce_min3A_35 = arith.constant dense<2147483647> : vector<4096xi32>
    %reduce_min3A_36 = vector.multi_reduction <minsi>, %select_n3A_34, %reduce_min3A_35 [1] : vector<4096x8xi32> to vector<4096xi32>
    %broadcast_in_dim3A_37 = vector.shape_cast %reduce_min3A_36 : vector<4096xi32> to vector<4096x1xi32>
    %add3A_38 = arith.addf %broadcast_in_dim3A_17, %broadcast_in_dim3A_29 : vector<4096x1xf32>
    %div3A_39 = arith.divf %broadcast_in_dim3A_17, %add3A_38 : vector<4096x1xf32>
    %div3A_40 = arith.divf %broadcast_in_dim3A_29, %add3A_38 : vector<4096x1xf32>
    %concatenate3A = tpu.concatenate %div3A_39, %div3A_40 in 1 : vector<4096x1xf32>, vector<4096x1xf32> -> vector<4096x2xf32>
    %swap3A = arith.constant 0 : index
    %swap3A_41 = arith.constant 0 : index
    %swap3A_42 = vector.load %arg4[%swap3A, %swap3A_41] : memref<4096x2xf32, #tpu.memory_space<vmem>>, vector<4096x2xf32>
    tpu.vector_store %arg4[%swap3A, %swap3A_41], %concatenate3A {strides = array<i32>} : memref<4096x2xf32, #tpu.memory_space<vmem>>, vector<4096x2xf32>,
    %eq3A_43 = vector.broadcast %broadcast_in_dim3A_21 : vector<4096x1xi32> to vector<4096x8xi32>
    %eq3A_44 = arith.cmpi eq, %iota3A, %eq3A_43 : vector<4096x8xi32>
    %convert_element_type3A = arith.extui %eq3A_44 : vector<4096x8xi1> to vector<4096x8xi32>
    %convert_element_type3A_45 = arith.sitofp %convert_element_type3A : vector<4096x8xi32> to vector<4096x8xf32>
    %eq3A_46 = vector.broadcast %broadcast_in_dim3A_37 : vector<4096x1xi32> to vector<4096x8xi32>
    %eq3A_47 = arith.cmpi eq, %iota3A, %eq3A_46 : vector<4096x8xi32>
    %convert_element_type3A_48 = arith.extui %eq3A_47 : vector<4096x8xi1> to vector<4096x8xi32>
    %convert_element_type3A_49 = arith.sitofp %convert_element_type3A_48 : vector<4096x8xi32> to vector<4096x8xf32>
    %iota3A_50 = tpu.iota {dimensions = array<i32: 0>} : vector<512x512xi32>
    %iota3A_51 = tpu.iota {dimensions = array<i32: 1>} : vector<512x512xi32>
    %lt3A = arith.cmpi slt, %iota3A_51, %iota3A_50 : vector<512x512xi32>
    %convert_element_type3A_52 = arith.extui %lt3A : vector<512x512xi1> to vector<512x512xi32>
    %convert_element_type3A_53 = arith.sitofp %convert_element_type3A_52 : vector<512x512xi32> to vector<512x512xf32>
    %convert_element_type3A_54 = arith.truncf %convert_element_type3A_53 : vector<512x512xf32> to vector<512x512xbf16>
    %concatenate3A_55 = tpu.concatenate %convert_element_type3A_45, %convert_element_type3A_49 in 1 : vector<4096x8xf32>, vector<4096x8xf32> -> vector<4096x16xf32>
    %slice3A = vector.extract_strided_slice %concatenate3A_55 {offsets = [0, 0], sizes = [512, 16], strides = [1, 1]} : vector<4096x16xf32> to vector<512x16xf32>
    %slice3A_56 = vector.extract_strided_slice %concatenate3A_55 {offsets = [512, 0], sizes = [512, 16], strides = [1, 1]} : vector<4096x16xf32> to vector<512x16xf32>
    %slice3A_57 = vector.extract_strided_slice %concatenate3A_55 {offsets = [1024, 0], sizes = [512, 16], strides = [1, 1]} : vector<4096x16xf32> to vector<512x16xf32>
    %slice3A_58 = vector.extract_strided_slice %concatenate3A_55 {offsets = [1536, 0], sizes = [512, 16], strides = [1, 1]} : vector<4096x16xf32> to vector<512x16xf32>
    %slice3A_59 = vector.extract_strided_slice %concatenate3A_55 {offsets = [2048, 0], sizes = [512, 16], strides = [1, 1]} : vector<4096x16xf32> to vector<512x16xf32>
    %slice3A_60 = vector.extract_strided_slice %concatenate3A_55 {offsets = [2560, 0], sizes = [512, 16], strides = [1, 1]} : vector<4096x16xf32> to vector<512x16xf32>
    %slice3A_61 = vector.extract_strided_slice %concatenate3A_55 {offsets = [3072, 0], sizes = [512, 16], strides = [1, 1]} : vector<4096x16xf32> to vector<512x16xf32>
    %slice3A_62 = vector.extract_strided_slice %concatenate3A_55 {offsets = [3584, 0], sizes = [512, 16], strides = [1, 1]} : vector<4096x16xf32> to vector<512x16xf32>
    %concatenate3A_63 = tpu.concatenate %slice3A, %slice3A_56, %slice3A_57, %slice3A_58, %slice3A_59, %slice3A_60, %slice3A_61, %slice3A_62 in 1 : vector<512x16xf32>, vector<512x16xf32>, vector<512x16xf32>, vector<512x16xf32>, vector<512x16xf32>, vector<512x16xf32>, vector<512x16xf32>, vector<512x16xf32> -> vector<512x128xf32>
    %convert_element_type3A_64 = arith.truncf %concatenate3A_63 : vector<512x128xf32> to vector<512x128xbf16>
    %dot_general3A_65 = arith.constant dense<0.000000e+00> : vector<512x128xf32>
    %dot_general3A_66 = tpu.matmul %convert_element_type3A_54, %convert_element_type3A_64, %dot_general3A_65 {dimension_numbers = #tpu.dot_dimension_numbers<[1], [0], [0], [1], [0, 0, 1, 1], [], []>, transpose_lhs_hint = false} : vector<512x512xbf16>, vector<512x128xbf16>, vector<512x128xf32> -> vector<512x128xf32>
    %broadcast_in_dim3A_67 = arith.constant 0.000000e+00 : f32
    %broadcast_in_dim3A_68 = vector.broadcast %broadcast_in_dim3A_67 : f32 to vector<1x16xf32>
    %slice3A_69 = vector.extract_strided_slice %dot_general3A_66 {offsets = [0, 0], sizes = [512, 16], strides = [1, 1]} : vector<512x128xf32> to vector<512x16xf32>
    %add3A_70 = vector.broadcast %broadcast_in_dim3A_68 : vector<1x16xf32> to vector<512x16xf32>
    %add3A_71 = arith.addf %slice3A_69, %add3A_70 : vector<512x16xf32>
    %reduce_sum3A_72 = arith.constant dense<0.000000e+00> : vector<16xf32>
    %reduce_sum3A_73 = vector.multi_reduction <add>, %slice3A, %reduce_sum3A_72 [0] : vector<512x16xf32> to vector<16xf32>
    %broadcast_in_dim3A_74 = vector.shape_cast %reduce_sum3A_73 : vector<16xf32> to vector<1x16xf32>
    %add3A_75 = arith.addf %broadcast_in_dim3A_68, %broadcast_in_dim3A_74 : vector<1x16xf32>
    %slice3A_76 = vector.extract_strided_slice %dot_general3A_66 {offsets = [0, 16], sizes = [512, 16], strides = [1, 1]} : vector<512x128xf32> to vector<512x16xf32>
    %add3A_77 = vector.broadcast %add3A_75 : vector<1x16xf32> to vector<512x16xf32>
    %add3A_78 = arith.addf %slice3A_76, %add3A_77 : vector<512x16xf32>
    %reduce_sum3A_79 = arith.constant dense<0.000000e+00> : vector<16xf32>
    %reduce_sum3A_80 = vector.multi_reduction <add>, %slice3A_56, %reduce_sum3A_79 [0] : vector<512x16xf32> to vector<16xf32>
    %broadcast_in_dim3A_81 = vector.shape_cast %reduce_sum3A_80 : vector<16xf32> to vector<1x16xf32>
    %add3A_82 = arith.addf %add3A_75, %broadcast_in_dim3A_81 : vector<1x16xf32>
    %slice3A_83 = vector.extract_strided_slice %dot_general3A_66 {offsets = [0, 32], sizes = [512, 16], strides = [1, 1]} : vector<512x128xf32> to vector<512x16xf32>
    %add3A_84 = vector.broadcast %add3A_82 : vector<1x16xf32> to vector<512x16xf32>
    %add3A_85 = arith.addf %slice3A_83, %add3A_84 : vector<512x16xf32>
    %reduce_sum3A_86 = arith.constant dense<0.000000e+00> : vector<16xf32>
    %reduce_sum3A_87 = vector.multi_reduction <add>, %slice3A_57, %reduce_sum3A_86 [0] : vector<512x16xf32> to vector<16xf32>
    %broadcast_in_dim3A_88 = vector.shape_cast %reduce_sum3A_87 : vector<16xf32> to vector<1x16xf32>
    %add3A_89 = arith.addf %add3A_82, %broadcast_in_dim3A_88 : vector<1x16xf32>
    %slice3A_90 = vector.extract_strided_slice %dot_general3A_66 {offsets = [0, 48], sizes = [512, 16], strides = [1, 1]} : vector<512x128xf32> to vector<512x16xf32>
    %add3A_91 = vector.broadcast %add3A_89 : vector<1x16xf32> to vector<512x16xf32>
    %add3A_92 = arith.addf %slice3A_90, %add3A_91 : vector<512x16xf32>
    %reduce_sum3A_93 = arith.constant dense<0.000000e+00> : vector<16xf32>
    %reduce_sum3A_94 = vector.multi_reduction <add>, %slice3A_58, %reduce_sum3A_93 [0] : vector<512x16xf32> to vector<16xf32>
    %broadcast_in_dim3A_95 = vector.shape_cast %reduce_sum3A_94 : vector<16xf32> to vector<1x16xf32>
    %add3A_96 = arith.addf %add3A_89, %broadcast_in_dim3A_95 : vector<1x16xf32>
    %slice3A_97 = vector.extract_strided_slice %dot_general3A_66 {offsets = [0, 64], sizes = [512, 16], strides = [1, 1]} : vector<512x128xf32> to vector<512x16xf32>
    %add3A_98 = vector.broadcast %add3A_96 : vector<1x16xf32> to vector<512x16xf32>
    %add3A_99 = arith.addf %slice3A_97, %add3A_98 : vector<512x16xf32>
    %reduce_sum3A_100 = arith.constant dense<0.000000e+00> : vector<16xf32>
    %reduce_sum3A_101 = vector.multi_reduction <add>, %slice3A_59, %reduce_sum3A_100 [0] : vector<512x16xf32> to vector<16xf32>
    %broadcast_in_dim3A_102 = vector.shape_cast %reduce_sum3A_101 : vector<16xf32> to vector<1x16xf32>
    %add3A_103 = arith.addf %add3A_96, %broadcast_in_dim3A_102 : vector<1x16xf32>
    %slice3A_104 = vector.extract_strided_slice %dot_general3A_66 {offsets = [0, 80], sizes = [512, 16], strides = [1, 1]} : vector<512x128xf32> to vector<512x16xf32>
    %add3A_105 = vector.broadcast %add3A_103 : vector<1x16xf32> to vector<512x16xf32>
    %add3A_106 = arith.addf %slice3A_104, %add3A_105 : vector<512x16xf32>
    %reduce_sum3A_107 = arith.constant dense<0.000000e+00> : vector<16xf32>
    %reduce_sum3A_108 = vector.multi_reduction <add>, %slice3A_60, %reduce_sum3A_107 [0] : vector<512x16xf32> to vector<16xf32>
    %broadcast_in_dim3A_109 = vector.shape_cast %reduce_sum3A_108 : vector<16xf32> to vector<1x16xf32>
    %add3A_110 = arith.addf %add3A_103, %broadcast_in_dim3A_109 : vector<1x16xf32>
    %slice3A_111 = vector.extract_strided_slice %dot_general3A_66 {offsets = [0, 96], sizes = [512, 16], strides = [1, 1]} : vector<512x128xf32> to vector<512x16xf32>
    %add3A_112 = vector.broadcast %add3A_110 : vector<1x16xf32> to vector<512x16xf32>
    %add3A_113 = arith.addf %slice3A_111, %add3A_112 : vector<512x16xf32>
    %reduce_sum3A_114 = arith.constant dense<0.000000e+00> : vector<16xf32>
    %reduce_sum3A_115 = vector.multi_reduction <add>, %slice3A_61, %reduce_sum3A_114 [0] : vector<512x16xf32> to vector<16xf32>
    %broadcast_in_dim3A_116 = vector.shape_cast %reduce_sum3A_115 : vector<16xf32> to vector<1x16xf32>
    %add3A_117 = arith.addf %add3A_110, %broadcast_in_dim3A_116 : vector<1x16xf32>
    %slice3A_118 = vector.extract_strided_slice %dot_general3A_66 {offsets = [0, 112], sizes = [512, 16], strides = [1, 1]} : vector<512x128xf32> to vector<512x16xf32>
    %add3A_119 = vector.broadcast %add3A_117 : vector<1x16xf32> to vector<512x16xf32>
    %add3A_120 = arith.addf %slice3A_118, %add3A_119 : vector<512x16xf32>
    %reduce_sum3A_121 = arith.constant dense<0.000000e+00> : vector<16xf32>
    %reduce_sum3A_122 = vector.multi_reduction <add>, %slice3A_62, %reduce_sum3A_121 [0] : vector<512x16xf32> to vector<16xf32>
    %broadcast_in_dim3A_123 = vector.shape_cast %reduce_sum3A_122 : vector<16xf32> to vector<1x16xf32>
    %add3A_124 = arith.addf %add3A_117, %broadcast_in_dim3A_123 : vector<1x16xf32>
    %concatenate3A_125 = tpu.concatenate %add3A_71, %add3A_78, %add3A_85, %add3A_92, %add3A_99, %add3A_106, %add3A_113, %add3A_120 in 0 : vector<512x16xf32>, vector<512x16xf32>, vector<512x16xf32>, vector<512x16xf32>, vector<512x16xf32>, vector<512x16xf32>, vector<512x16xf32>, vector<512x16xf32> -> vector<4096x16xf32>
    %slice3A_126 = vector.extract_strided_slice %add3A_124 {offsets = [0, 0], sizes = [1, 8], strides = [1, 1]} : vector<1x16xf32> to vector<1x8xf32>
    %slice3A_127 = vector.extract_strided_slice %concatenate3A_125 {offsets = [0, 0], sizes = [4096, 8], strides = [1, 1]} : vector<4096x16xf32> to vector<4096x8xf32>
    %slice3A_128 = vector.extract_strided_slice %concatenate3A_125 {offsets = [0, 8], sizes = [4096, 8], strides = [1, 1]} : vector<4096x16xf32> to vector<4096x8xf32>
    %add3A_129 = vector.broadcast %slice3A_126 : vector<1x8xf32> to vector<4096x8xf32>
    %add3A_130 = arith.addf %slice3A_128, %add3A_129 : vector<4096x8xf32>
    %slice3A_131 = vector.extract_strided_slice %add3A_124 {offsets = [0, 8], sizes = [1, 8], strides = [1, 1]} : vector<1x16xf32> to vector<1x8xf32>
    %add3A_132 = arith.addf %slice3A_126, %slice3A_131 : vector<1x8xf32>
    %add3A_133 = arith.constant 5.110000e+02 : f32
    %add3A_134 = vector.broadcast %add3A_133 : f32 to vector<1x8xf32>
    %add3A_135 = arith.addf %add3A_132, %add3A_134 : vector<1x8xf32>
    %mul3A = arith.constant 0.001953125 : f32
    %mul3A_136 = vector.broadcast %mul3A : f32 to vector<1x8xf32>
    %mul3A_137 = arith.mulf %add3A_135, %mul3A_136 : vector<1x8xf32>
    %floor3A = math.floor %mul3A_137 : vector<1x8xf32>
    %iota3A_138 = tpu.iota {dimensions = array<i32: 0>} : vector<8x8xi32>
    %iota3A_139 = tpu.iota {dimensions = array<i32: 1>} : vector<8x8xi32>
    %lt3A_140 = arith.cmpi slt, %iota3A_138, %iota3A_139 : vector<8x8xi32>
    %convert_element_type3A_141 = arith.extui %lt3A_140 : vector<8x8xi1> to vector<8x8xi32>
    %convert_element_type3A_142 = arith.sitofp %convert_element_type3A_141 : vector<8x8xi32> to vector<8x8xf32>
    %convert_element_type3A_143 = arith.truncf %convert_element_type3A_142 : vector<8x8xf32> to vector<8x8xbf16>
    %convert_element_type3A_144 = arith.truncf %floor3A : vector<1x8xf32> to vector<1x8xbf16>
    %dot_general3A_145 = arith.constant dense<0.000000e+00> : vector<1x8xf32>
    %dot_general3A_146 = tpu.matmul %convert_element_type3A_144, %convert_element_type3A_143, %dot_general3A_145 {dimension_numbers = #tpu.dot_dimension_numbers<[1], [0], [0], [1], [0, 0, 1, 1], [], []>, transpose_lhs_hint = false} : vector<1x8xbf16>, vector<8x8xbf16>, vector<1x8xf32> -> vector<1x8xf32>
    %mul3A_147 = arith.constant 5.120000e+02 : f32
    %mul3A_148 = vector.broadcast %mul3A_147 : f32 to vector<1x8xf32>
    %mul3A_149 = arith.mulf %dot_general3A_146, %mul3A_148 : vector<1x8xf32>
    %add3A_150 = vector.broadcast %mul3A_149 : vector<1x8xf32> to vector<4096x8xf32>
    %add3A_151 = arith.addf %add3A_150, %slice3A_127 : vector<4096x8xf32>
    %mul3A_152 = arith.mulf %convert_element_type3A_45, %add3A_151 : vector<4096x8xf32>
    %reduce_sum3A_153 = arith.constant dense<0.000000e+00> : vector<4096xf32>
    %reduce_sum3A_154 = vector.multi_reduction <add>, %mul3A_152, %reduce_sum3A_153 [1] : vector<4096x8xf32> to vector<4096xf32>
    %broadcast_in_dim3A_155 = vector.shape_cast %reduce_sum3A_154 : vector<4096xf32> to vector<4096x1xf32>
    %add3A_156 = vector.broadcast %mul3A_149 : vector<1x8xf32> to vector<4096x8xf32>
    %add3A_157 = arith.addf %add3A_156, %add3A_130 : vector<4096x8xf32>
    %mul3A_158 = arith.mulf %convert_element_type3A_49, %add3A_157 : vector<4096x8xf32>
    %reduce_sum3A_159 = arith.constant dense<0.000000e+00> : vector<4096xf32>
    %reduce_sum3A_160 = vector.multi_reduction <add>, %mul3A_158, %reduce_sum3A_159 [1] : vector<4096x8xf32> to vector<4096xf32>
    %broadcast_in_dim3A_161 = vector.shape_cast %reduce_sum3A_160 : vector<4096xf32> to vector<4096x1xf32>
    %concatenate3A_162 = tpu.concatenate %broadcast_in_dim3A_155, %broadcast_in_dim3A_161 in 1 : vector<4096x1xf32>, vector<4096x1xf32> -> vector<4096x2xf32>
    %convert_element_type3A_163 = arith.fptosi %concatenate3A_162 : vector<4096x2xf32> to vector<4096x2xi32>
    %swap3A_164 = arith.constant 0 : index
    %swap3A_165 = arith.constant 0 : index
    %swap3A_166 = vector.load %arg3[%swap3A_164, %swap3A_165] : memref<4096x2xi32, #tpu.memory_space<vmem>>, vector<4096x2xi32>
    tpu.vector_store %arg3[%swap3A_164, %swap3A_165], %convert_element_type3A_163 {strides = array<i32>} : memref<4096x2xi32, #tpu.memory_space<vmem>>, vector<4096x2xi32>,
    %iota3A_167 = tpu.iota {dimensions = array<i32: 0>} : vector<64x8xi32>
    %convert_element_type3A_168 = arith.sitofp %iota3A_167 : vector<64x8xi32> to vector<64x8xf32>
    %ge3A = vector.broadcast %dot_general3A_146 : vector<1x8xf32> to vector<64x8xf32>
    %ge3A_169 = arith.cmpf oge, %convert_element_type3A_168, %ge3A : vector<64x8xf32>
    %convert_element_type3A_170 = arith.extui %ge3A_169 : vector<64x8xi1> to vector<64x8xi32>
    %convert_element_type3A_171 = arith.sitofp %convert_element_type3A_170 : vector<64x8xi32> to vector<64x8xf32>
    %reduce_sum3A_172 = arith.constant dense<0.000000e+00> : vector<64xf32>
    %reduce_sum3A_173 = vector.multi_reduction <add>, %convert_element_type3A_171, %reduce_sum3A_172 [1] : vector<64x8xf32> to vector<64xf32>
    %broadcast_in_dim3A_174 = vector.shape_cast %reduce_sum3A_173 : vector<64xf32> to vector<64x1xf32>
    %sub3A_175 = arith.constant 1.000000e+00 : f32
    %sub3A_176 = vector.broadcast %sub3A_175 : f32 to vector<64x1xf32>
    %sub3A_177 = arith.subf %broadcast_in_dim3A_174, %sub3A_176 : vector<64x1xf32>
    %convert_element_type3A_178 = arith.fptosi %sub3A_177 : vector<64x1xf32> to vector<64x1xi32>
    %swap3A_179 = arith.constant 0 : index
    %swap3A_180 = arith.constant 0 : index
    %swap3A_181 = vector.load %arg5[%swap3A_179, %swap3A_180] : memref<64x1xi32, #tpu.memory_space<vmem>>, vector<64x1xi32>
    tpu.vector_store %arg5[%swap3A_179, %swap3A_180], %convert_element_type3A_178 {strides = array<i32>} : memref<64x1xi32, #tpu.memory_space<vmem>>, vector<64x1xi32>,
    return
  }
}

module attributes {stable_mosaic.version = 14 : i64} {
  func.func @_expert_body(%arg0: i32, %arg1: memref<24xi32, #tpu.memory_space<smem>>, %arg2: memref<512x1024xf32, #tpu.memory_space<vmem>>, %arg3: memref<1x1024x1024xbf16, #tpu.memory_space<vmem>>, %arg4: memref<1x1x1024xf32, #tpu.memory_space<vmem>>, %arg5: memref<512x1024xf32, #tpu.memory_space<vmem>>) attributes {dimension_semantics = [#tpu.dimension_semantics<arbitrary>], iteration_bounds = array<i64: 24>, scalar_prefetch = 1 : i64, scratch_operands = 0 : i64, tpu.core_type = #tpu.core_type<tc>, window_params = [{transform_indices = @transform_0, window_bounds = array<i64: 512, 1024>}, {transform_indices = @transform_1, window_bounds = array<i64: 1, 1024, 1024>}, {transform_indices = @transform_2, window_bounds = array<i64: 1, 1, 1024>}, {transform_indices = @transform_3, window_bounds = array<i64: 512, 1024>}]} {
    %get3A = arith.constant 0 : index
    %get3A_0 = arith.constant 0 : index
    %get3A_1 = vector.load %arg2[%get3A, %get3A_0] : memref<512x1024xf32, #tpu.memory_space<vmem>>, vector<512x1024xf32>
    %convert_element_type3A = arith.truncf %get3A_1 : vector<512x1024xf32> to vector<512x1024xbf16>
    %get3A_2 = arith.constant 0 : index
    %get3A_3 = arith.constant 0 : index
    %get3A_4 = arith.constant 0 : index
    %get3A_5 = vector.load %arg3[%get3A_2, %get3A_3, %get3A_4] : memref<1x1024x1024xbf16, #tpu.memory_space<vmem>>, vector<1x1024x1024xbf16>
    %get3A_6 = vector.shape_cast %get3A_5 : vector<1x1024x1024xbf16> to vector<1024x1024xbf16>
    %dot_general3A = arith.constant dense<0.000000e+00> : vector<512x1024xf32>
    %dot_general3A_7 = tpu.matmul %convert_element_type3A, %get3A_6, %dot_general3A {dimension_numbers = #tpu.dot_dimension_numbers<[1], [0], [0], [1], [0, 0, 1, 1], [], []>, transpose_lhs_hint = false} : vector<512x1024xbf16>, vector<1024x1024xbf16>, vector<512x1024xf32> -> vector<512x1024xf32>
    %get3A_8 = arith.constant 0 : index
    %get3A_9 = arith.constant 0 : index
    %get3A_10 = arith.constant 0 : index
    %get3A_11 = vector.load %arg4[%get3A_8, %get3A_9, %get3A_10] : memref<1x1x1024xf32, #tpu.memory_space<vmem>>, vector<1x1x1024xf32>
    %get3A_12 = vector.shape_cast %get3A_11 : vector<1x1x1024xf32> to vector<1x1024xf32>
    %add3A = vector.broadcast %get3A_12 : vector<1x1024xf32> to vector<512x1024xf32>
    %add3A_13 = arith.addf %dot_general3A_7, %add3A : vector<512x1024xf32>
    %integer_pow3A = arith.mulf %add3A_13, %add3A_13 : vector<512x1024xf32>
    %integer_pow3A_14 = arith.mulf %add3A_13, %integer_pow3A : vector<512x1024xf32>
    %mul3A = arith.constant 4.471500e-02 : f32
    %mul3A_15 = vector.broadcast %mul3A : f32 to vector<512x1024xf32>
    %mul3A_16 = arith.mulf %mul3A_15, %integer_pow3A_14 : vector<512x1024xf32>
    %add3A_17 = arith.addf %add3A_13, %mul3A_16 : vector<512x1024xf32>
    %mul3A_18 = arith.constant 0.797884583 : f32
    %mul3A_19 = vector.broadcast %mul3A_18 : f32 to vector<512x1024xf32>
    %mul3A_20 = arith.mulf %mul3A_19, %add3A_17 : vector<512x1024xf32>
    %tanh3A = math.tanh %mul3A_20 : vector<512x1024xf32>
    %add3A_21 = arith.constant 1.000000e+00 : f32
    %add3A_22 = vector.broadcast %add3A_21 : f32 to vector<512x1024xf32>
    %add3A_23 = arith.addf %add3A_22, %tanh3A : vector<512x1024xf32>
    %mul3A_24 = arith.constant 5.000000e-01 : f32
    %mul3A_25 = vector.broadcast %mul3A_24 : f32 to vector<512x1024xf32>
    %mul3A_26 = arith.mulf %mul3A_25, %add3A_23 : vector<512x1024xf32>
    %mul3A_27 = arith.mulf %add3A_13, %mul3A_26 : vector<512x1024xf32>
    %swap3A = arith.constant 0 : index
    %swap3A_28 = arith.constant 0 : index
    %swap3A_29 = vector.load %arg5[%swap3A, %swap3A_28] : memref<512x1024xf32, #tpu.memory_space<vmem>>, vector<512x1024xf32>
    tpu.vector_store %arg5[%swap3A, %swap3A_28], %mul3A_27 {strides = array<i32>} : memref<512x1024xf32, #tpu.memory_space<vmem>>, vector<512x1024xf32>,
    return
  }
  func.func @transform_0(%arg0: i32, %arg1: memref<24xi32, #tpu.memory_space<smem>>) -> (i32, i32) {
    %c0_i32 = arith.constant 0 : i32
    %c0_i32_0 = arith.constant 0 : i32
    return %arg0, %c0_i32 : i32, i32
  }
  func.func @transform_1(%arg0: i32, %arg1: memref<24xi32, #tpu.memory_space<smem>>) -> (i32, i32, i32) {
    %get3A = arith.index_cast %arg0 : i32 to index
    %get3A_0 = memref.load %arg1[%get3A] : memref<24xi32, #tpu.memory_space<smem>>
    %c0_i32 = arith.constant 0 : i32
    %c0_i32_1 = arith.constant 0 : i32
    %c0_i32_2 = arith.constant 0 : i32
    return %get3A_0, %c0_i32, %c0_i32_1 : i32, i32, i32
  }
  func.func @transform_2(%arg0: i32, %arg1: memref<24xi32, #tpu.memory_space<smem>>) -> (i32, i32, i32) {
    %get3A = arith.index_cast %arg0 : i32 to index
    %get3A_0 = memref.load %arg1[%get3A] : memref<24xi32, #tpu.memory_space<smem>>
    %c0_i32 = arith.constant 0 : i32
    %c0_i32_1 = arith.constant 0 : i32
    %c0_i32_2 = arith.constant 0 : i32
    return %get3A_0, %c0_i32, %c0_i32_1 : i32, i32, i32
  }
  func.func @transform_3(%arg0: i32, %arg1: memref<24xi32, #tpu.memory_space<smem>>) -> (i32, i32) {
    %c0_i32 = arith.constant 0 : i32
    %c0_i32_0 = arith.constant 0 : i32
    return %arg0, %c0_i32 : i32, i32
  }
}

module attributes {stable_mosaic.version = 14 : i64} {
  func.func @_combine_body(%arg0: i32, %arg1: memref<512x1024xf32, #tpu.memory_space<vmem>>, %arg2: memref<512x1024xf32, #tpu.memory_space<vmem>>, %arg3: memref<512x2xf32, #tpu.memory_space<vmem>>, %arg4: memref<1024x1024xbf16, #tpu.memory_space<vmem>>, %arg5: memref<1x1024xf32, #tpu.memory_space<vmem>>, %arg6: memref<512x1024xf32, #tpu.memory_space<vmem>>) attributes {dimension_semantics = [#tpu.dimension_semantics<arbitrary>], iteration_bounds = array<i64: 8>, scalar_prefetch = 0 : i64, scratch_operands = 0 : i64, tpu.core_type = #tpu.core_type<tc>, window_params = [{transform_indices = @transform_0, window_bounds = array<i64: 512, 1024>}, {transform_indices = @transform_1, window_bounds = array<i64: 512, 1024>}, {transform_indices = @transform_2, window_bounds = array<i64: 512, 2>}, {pipeline_mode = #tpu.pipeline_mode<synchronous>, transform_indices = @transform_3, window_bounds = array<i64: 1024, 1024>}, {pipeline_mode = #tpu.pipeline_mode<synchronous>, transform_indices = @transform_4, window_bounds = array<i64: 1, 1024>}, {transform_indices = @transform_5, window_bounds = array<i64: 512, 1024>}]} {
    %get3A = arith.constant 0 : index
    %get3A_0 = arith.constant 0 : index
    %get3A_1 = vector.load %arg3[%get3A, %get3A_0] : memref<512x2xf32, #tpu.memory_space<vmem>>, vector<512x2xf32>
    %get3A_2 = arith.constant 0 : index
    %get3A_3 = arith.constant 0 : index
    %get3A_4 = vector.load %arg1[%get3A_2, %get3A_3] : memref<512x1024xf32, #tpu.memory_space<vmem>>, vector<512x1024xf32>
    %slice3A = vector.extract_strided_slice %get3A_1 {offsets = [0, 0], sizes = [512, 1], strides = [1, 1]} : vector<512x2xf32> to vector<512x1xf32>
    %mul3A = vector.broadcast %slice3A : vector<512x1xf32> to vector<512x1024xf32>
    %mul3A_5 = arith.mulf %get3A_4, %mul3A : vector<512x1024xf32>
    %get3A_6 = arith.constant 0 : index
    %get3A_7 = arith.constant 0 : index
    %get3A_8 = vector.load %arg2[%get3A_6, %get3A_7] : memref<512x1024xf32, #tpu.memory_space<vmem>>, vector<512x1024xf32>
    %slice3A_9 = vector.extract_strided_slice %get3A_1 {offsets = [0, 1], sizes = [512, 1], strides = [1, 1]} : vector<512x2xf32> to vector<512x1xf32>
    %mul3A_10 = vector.broadcast %slice3A_9 : vector<512x1xf32> to vector<512x1024xf32>
    %mul3A_11 = arith.mulf %get3A_8, %mul3A_10 : vector<512x1024xf32>
    %add3A = arith.addf %mul3A_5, %mul3A_11 : vector<512x1024xf32>
    %convert_element_type3A = arith.truncf %add3A : vector<512x1024xf32> to vector<512x1024xbf16>
    %get3A_12 = arith.constant 0 : index
    %get3A_13 = arith.constant 0 : index
    %get3A_14 = vector.load %arg4[%get3A_12, %get3A_13] : memref<1024x1024xbf16, #tpu.memory_space<vmem>>, vector<1024x1024xbf16>
    %dot_general3A = arith.constant dense<0.000000e+00> : vector<512x1024xf32>
    %dot_general3A_15 = tpu.matmul %convert_element_type3A, %get3A_14, %dot_general3A {dimension_numbers = #tpu.dot_dimension_numbers<[1], [0], [0], [1], [0, 0, 1, 1], [], []>, transpose_lhs_hint = false} : vector<512x1024xbf16>, vector<1024x1024xbf16>, vector<512x1024xf32> -> vector<512x1024xf32>
    %get3A_16 = arith.constant 0 : index
    %get3A_17 = arith.constant 0 : index
    %get3A_18 = vector.load %arg5[%get3A_16, %get3A_17] : memref<1x1024xf32, #tpu.memory_space<vmem>>, vector<1x1024xf32>
    %add3A_19 = vector.broadcast %get3A_18 : vector<1x1024xf32> to vector<512x1024xf32>
    %add3A_20 = arith.addf %dot_general3A_15, %add3A_19 : vector<512x1024xf32>
    %swap3A = arith.constant 0 : index
    %swap3A_21 = arith.constant 0 : index
    %swap3A_22 = vector.load %arg6[%swap3A, %swap3A_21] : memref<512x1024xf32, #tpu.memory_space<vmem>>, vector<512x1024xf32>
    tpu.vector_store %arg6[%swap3A, %swap3A_21], %add3A_20 {strides = array<i32>} : memref<512x1024xf32, #tpu.memory_space<vmem>>, vector<512x1024xf32>,
    return
  }
  func.func @transform_0(%arg0: i32) -> (i32, i32) {
    %c0_i32 = arith.constant 0 : i32
    %c0_i32_0 = arith.constant 0 : i32
    return %arg0, %c0_i32 : i32, i32
  }
  func.func @transform_1(%arg0: i32) -> (i32, i32) {
    %add3A = arith.constant 8 : i32
    %add3A_0 = arith.addi %arg0, %add3A : i32
    %c0_i32 = arith.constant 0 : i32
    %c0_i32_1 = arith.constant 0 : i32
    return %add3A_0, %c0_i32 : i32, i32
  }
  func.func @transform_2(%arg0: i32) -> (i32, i32) {
    %c0_i32 = arith.constant 0 : i32
    %c0_i32_0 = arith.constant 0 : i32
    return %arg0, %c0_i32 : i32, i32
  }
  func.func @transform_3(%arg0: i32) -> (i32, i32) {
    %c0_i32 = arith.constant 0 : i32
    %c0_i32_0 = arith.constant 0 : i32
    %c0_i32_1 = arith.constant 0 : i32
    return %c0_i32, %c0_i32_0 : i32, i32
  }
  func.func @transform_4(%arg0: i32) -> (i32, i32) {
    %c0_i32 = arith.constant 0 : i32
    %c0_i32_0 = arith.constant 0 : i32
    %c0_i32_1 = arith.constant 0 : i32
    return %c0_i32, %c0_i32_0 : i32, i32
  }
  func.func @transform_5(%arg0: i32) -> (i32, i32) {
    %c0_i32 = arith.constant 0 : i32
    %c0_i32_0 = arith.constant 0 : i32
    return %arg0, %c0_i32 : i32, i32
  }
}

</mosaic_0001>

<sc_bundles>
// kernel: kernel.10.cloned.1.call-start
scs
__scs_entry_jumppad:
0x0: {  	(pc) =	sbr.rel $0x88, $3  }
0x1: {  	(tag) =	ssettag $0x0;
	lr =	simm.s32 $0x1  }
0x2: {  	[smem:$0x3F9A] =	sst lr;
	_ =	strace $0xD0000000  }
0x3: {  	_ = 	snop  }
0x4: {  	_ = 	snop  }
0x5: {  	_ = 	snop  }
0x6: {  	_ = 	snop  }
0x7: {  	_ = 	snop  }
__scs_overlays_trampoline_lowered:
0x8: {  	[smem:$0x3FA9] =	sst s0  }
0x9: {  	[smem:$0x3FAA] =	sst s1  }
0xa: {  	[smem:$0x3FAB] =	sst s2  }
0xb: {  	[smem:$0x3FAC] =	sst s3  }
0xc: {  	[smem:$0x3FAD] =	sst s4  }
0xd: {  	[smem:$0x3FAE] =	sst s5  }
0xe: {  	[smem:$0x3FAF] =	sst s6  }
0xf: {  	[smem:$0x3FB0] =	sst s7  }
0x10: {  	[smem:$0x3FB1] =	sst s8  }
0x11: {  	[smem:$0x3FB2] =	sst s9;
	s0 =	simm.s32 @!p0 $0x0  }
0x12: {  	s1 =	sld [smem:$0x3F98];
	s0 =	simm.s32 @p0 $0x1  }
0x13: {  	[smem:$0x3FB3] =	sst s0;
	s0 =	simm.s32 @!p1 $0x0  }
0x14: {  	s2 =	sld [smem:$0x3F97];
	s0 =	simm.s32 @p1 $0x1  }
0x15: {  	[smem:$0x3FB4] =	sst s0;
	s0 =	simm.s32 @!p2 $0x0  }
0x16: {  	s3 =	sld [smem:$0x3FDB];
	s0 =	simm.s32 @p2 $0x1  }
0x17: {  	s4 =	simm.s32 $0x1BF5;
	[smem:$0x3FB6] =	sst s0  }
0x18: {  	s0 =	sld [smem:$0x3F99];
	_ =	swait.ge [sflag:s4], $0x0  }
0x19: {  	s7 =	sld [smem:$0x3F9A]  }
0x1a: {  	s8 =	sadd.s32 $0xFFFFE003, lr  }
0x1b: {  	s9 =	sadd.s32 $0xFFFFFEF7, lr;
	s5 =	simm.s32 $0xFFFFFFFF;
	p2 =	slt.u32 s8, $0xFFFFF086  }
0x1c: {  	p1 =	slt.u32 s9, $0xF7A;
	s5 =	simm.s32 @!p2 $0x0  }
0x1d: {  	s5 =	simm.s32 @p1 $0x1;
	p0 =	seq.s32 s7, s2  }
0x1e: {  	s7 =	smul.u32 @!p0 $0xF7A, s2;
	p2 =	seq.s32 @!p0 s5, $0x0  }
0x1f: {  	s9 =	smul.u32 $0xF7A, s1;
	s8 =	simm.s32 @!p0 $0x1BF5;
	p2 =	por !p2, p0  }
0x20: {  	[sflag:s8] =	ssyncset.s32 @!p0 $0xFFFFF086;
	s6 =	sadd.s32 @!p0 s3, s7;
	s7 =	simm.s32 @!p0 $0x108  }
0x21: {  	s3 =	sadd.s32 s3, s9;
	s6 =	sadd.s32 @!p0 $0x88, s6;
	s7 =	simm.s32 @p2 $0x1082  }
0x22: {  	[simem:s7], [sflag:s8] =	dma.local @!p0 [hbm:s6], $0xF7A  }
0x23: {  	s9 =	sor.u32 $0xD0000000, s2;
	s6 =	simm.s32 $0x108;
	_ =	swait.ge @!p0 [sflag:s8], $0x0  }
0x24: {  	s3 =	sadd.s32 $0x88, s3;
	s6 =	simm.s32 @!p1 $0x1082;
	[sflag:s4] =	ssyncset.s32 $0xFFFFF086  }
0x25: {  	[simem:s6], [sflag:s4] =	dma.local [hbm:s3], $0xF7A  }
0x26: {  	[smem:$0x3F9A] =	sst s1;
	(tag) =	ssettag s2;
	_ =	strace s9  }
0x27: {  	s1 =	sld [smem:$0x3FAA]  }
0x28: {  	s2 =	sld [smem:$0x3FAB]  }
0x29: {  	s4 =	sld [smem:$0x3FAD]  }
0x2a: {  	p0 =	seq.s32 s5, $0x0;
	s5 =	sld [smem:$0x3FAE]  }
0x2b: {  	s6 =	sld [smem:$0x3FAF]  }
0x2c: {  	s7 =	sld [smem:$0x3FB0]  }
0x2d: {  	s3 =	simm.s32 $0x108;
	s8 =	sld [smem:$0x3FB1]  }
0x2e: {  	s3 =	simm.s32 @!p0 $0x1082;
	s9 =	sld [smem:$0x3FB2]  }
0x2f: {  	lr =	sadd.s32 s0, s3;
	s0 =	sld [smem:$0x3FA9]  }
0x30: {  	s3 =	sld [smem:$0x3FAC]  }
0x31: {  	[smem:$0x3FB5] =	sst s10  }
0x32: {  	s10 =	sld [smem:$0x3FB3];
	_ =	sdelay $0x3  }
0x33: {  	p0 =	seq.s32 s10, $0x1;
	s10 =	sld [smem:$0x3FB5];
	_ =	sdelay $0x3  }
0x34: {  	[smem:$0x3FB5] =	sst s10  }
0x35: {  	s10 =	sld [smem:$0x3FB4];
	_ =	sdelay $0x3  }
0x36: {  	p1 =	seq.s32 s10, $0x1;
	s10 =	sld [smem:$0x3FB5];
	_ =	sdelay $0x3  }
0x37: {  	[smem:$0x3FB5] =	sst s10  }
0x38: {  	s10 =	sld [smem:$0x3FB6]  }
0x39: {  	_ = 	snop;
	(pc) =	sbr.ind lr, $3  }
0x3a: {  	_ = 	snop  }
0x3b: {  	_ = 	snop  }
0x3c: {  	p2 =	seq.s32 s10, $0x1;
	s10 =	sld [smem:$0x3FB5]  }
0x3d: {  	_ =	shalt  }
0x3e: {  	_ =	shalt  }
0x3f: {  	_ =	shalt  }
0x40: {  	_ =	shalt  }
0x41: {  	_ =	shalt  }
0x42: {  	_ =	shalt  }
0x43: {  	_ =	shalt  }
0x44: {  	_ =	shalt  }
0x45: {  	_ =	shalt  }
0x46: {  	_ =	shalt  }
0x47: {  	_ =	shalt  }
0x48: {  	_ =	shalt  }
0x49: {  	_ =	shalt  }
0x4a: {  	_ =	shalt  }
0x4b: {  	_ =	shalt  }
0x4c: {  	_ =	shalt  }
0x4d: {  	_ =	shalt  }
0x4e: {  	_ =	shalt  }
0x4f: {  	_ =	shalt  }
0x50: {  	_ =	shalt  }
0x51: {  	_ =	shalt  }
0x52: {  	_ =	shalt  }
0x53: {  	_ =	shalt  }
0x54: {  	_ =	shalt  }
0x55: {  	_ =	shalt  }
0x56: {  	_ =	shalt  }
0x57: {  	_ =	shalt  }
0x58: {  	_ =	shalt  }
0x59: {  	_ =	shalt  }
0x5a: {  	_ =	shalt  }
0x5b: {  	_ =	shalt  }
0x5c: {  	_ =	shalt  }
0x5d: {  	_ =	shalt  }
0x5e: {  	_ =	shalt  }
0x5f: {  	_ =	shalt  }
0x60: {  	_ =	shalt  }
0x61: {  	_ =	shalt  }
0x62: {  	_ =	shalt  }
0x63: {  	_ =	shalt  }
0x64: {  	_ =	shalt  }
0x65: {  	_ =	shalt  }
0x66: {  	_ =	shalt  }
0x67: {  	_ =	shalt  }
0x68: {  	_ =	shalt  }
0x69: {  	_ =	shalt  }
0x6a: {  	_ =	shalt  }
0x6b: {  	_ =	shalt  }
0x6c: {  	_ =	shalt  }
0x6d: {  	_ =	shalt  }
0x6e: {  	_ =	shalt  }
0x6f: {  	_ =	shalt  }
0x70: {  	_ =	shalt  }
0x71: {  	_ =	shalt  }
0x72: {  	_ =	shalt  }
0x73: {  	_ =	shalt  }
0x74: {  	_ =	shalt  }
0x75: {  	_ =	shalt  }
0x76: {  	_ =	shalt  }
0x77: {  	_ =	shalt  }
0x78: {  	_ =	shalt  }
0x79: {  	_ =	shalt  }
0x7a: {  	_ =	shalt  }
0x7b: {  	_ =	shalt  }
0x7c: {  	_ =	shalt  }
0x7d: {  	_ =	shalt  }
0x7e: {  	_ =	shalt  }
0x7f: {  	_ =	shalt  }
0x80: {  	_ =	shalt  }
0x81: {  	_ =	shalt  }
0x82: {  	_ =	shalt  }
0x83: {  	_ =	shalt  }
0x84: {  	_ =	shalt  }
0x85: {  	_ =	shalt  }
0x86: {  	_ =	shalt  }
0x87: {  	_ =	shalt  }
.Lfunc_end0:
.L_simem_size_0:
called_computation.1_lowered:
.L_overlay_start_0:
0x88: {  	s2 =	sld [smem:$0x3FD9]  }
0x89: {  	s3 =	sld [smem:$0x3FFE];
	_ =	sdelay $0x1  }
0x8a: {  	s1 =	srdreg.scid  }
0x8b: {  	s0 =	sand.u32 $0x1, s1  }
0x8c: {  	s16 =	sshll.u32 s0, $0xA;
	s2 =	sadd.s32 s3, s2  }
0x8d: {  	s2 =	sadd.s32 s2, s16  }
0x8e: {  	[smem:$0x3FC1] =	sst s2  }
0x8f: {  	_ = 	snop  }
0x90: {  	(tm) =	ssettm $0x1  }
0x91: {  	s17 =	sld [smem:$0x3FFB];
	_ =	sdelay $0x3  }
0x92: {  	_ =	strace s17  }
0x93: {  	s2 =	sld [smem:$0x3FFC];
	_ =	sdelay $0x3  }
0x94: {  	_ =	strace s2  }
0x95: {  	s2 =	sld [smem:$0x3FFD];
	_ =	sdelay $0x3  }
0x96: {  	_ =	strace s2  }
0x97: {  	_ =	strace $0x8FFFFFFF  }
0x98: {  	s18 =	sld [smem:$0x3FDB];
	_ =	sdelay $0x1  }
0x99: {  	s19 =	simm.s32 $_scs_section_size  }
0x9a: {  	s4 =	simm.s32 $_size__tile_overlayer_lowered;
	s5 =	simm.s32 $_tile_overlayer_lowered  }
0x9b: {  	s22 =	simm.s32 $0x1BFF;
	s21 =	sshll.u32 s5, $0x1;
	s2 =	sadd.s32 s19, s18  }
0x9c: {  	s6 =	simm.s32 $0x0;
	s20 =	sshll.u32 s4, $0x1;
	s4 =	sadd.s32 s21, s2  }
0x9d: {  	[timem:s6], [sflag:s22] =	dma.local [hbm:s4], s20  }
0x9e: {  	_ =	swait.ge [sflag:s22], s20  }
0x9f: {  	s3 =	ssub.s32 $0x0, s20;
	[sflag:s22] =	ssyncset.done $0x0  }
0xa0: {  	[sflag:s22] =	ssyncadd.s32 s3;
	_ =	sdelay $0x1  }
0xa1: {  	s23 =	simm.s32 $0x1B8B  }
0xa2: {  	_ =	swait.ge [sflag:s23], $0x1  }
0xa3: {  	[sflag:s23] =	ssyncset.done $0x0  }
0xa4: {  	s25 =	simm.s32 $0x1B8E;
	s24 =	sld [smem:$0x3FFE];
	[sflag:s23] =	ssyncadd.s32 $0xFFFFFFFF  }
0xa5: {  	s26 =	simm.s32 $execute0_lowered;
	[smem:$0x3FD2] =	sst s25  }
0xa6: {  	s4 =	sshll.u32 s26, $0x1;
	_ =	strace $0x80000049;
	[dreg:$0x1] =	wrdreg $0xFFFFFFFF  }
0xa7: {  	s28 =	simm.s32 $_size_execute0_lowered;
	s2 =	sadd.s32 s2, s4;
	[dreg:$0x0] =	wrdreg $0x0  }
0xa8: {  	s4 =	sshll.u32 s28, $0x1;
	[dreg:$0x2] =	wrdreg s2  }
0xa9: {  	[dreg:$0x3] =	wrdreg s4  }
0xaa: {  	[dreg:$0x4] =	wrdreg $0xC0  }
0xab: {  	_ =	task [dreg:s6], $0x5FFFF  }
0xac: {  	[dreg:$0x1] =	wrdreg $0xFFFFFFFF  }
0xad: {  	[dreg:$0x0] =	wrdreg $0x60  }
0xae: {  	[dreg:$0x2] =	wrdreg s24  }
0xaf: {  	[dreg:$0x3] =	wrdreg $0x9  }
0xb0: {  	_ =	task.clear_ibuf [dreg:s6], $0x4FFFF;
	_ =	strace $0x90000049  }
0xb1: {  	s29 =	simm.s32 $0x9;
	_ =	strace $0x8000004B  }
0xb2: {  	_ =	swait.ge [sflag:s29], $0x1  }
0xb3: {  	[sflag:s29] =	ssyncadd.s32 $0xFFFFFFFF  }
0xb4: {  	_ =	strace $0x9000004B  }
0xb5: {  	_ =	sfence  }
0xb6: {  	s30 =	sld [smem:$0x0];
	_ =	sdelay $0x2  }
0xb7: {  	s31 =	sshll.u32 s1, $0xD;
	s1 =	sshrl.u32 s1, $0x2  }
0xb8: {  	s3 =	sand.u32 $0x4000, s31;
	s1 =	sadd.s32 s1, s30  }
0xb9: {  	s0 =	sor.u32 s3, s0;
	s1 =	sshll.u32 s1, $0x11  }
0xba: {  	s0 =	sor.u32 s1, s0  }
0xbb: {  	s0 =	sadd.s32 $0x8F2B, s0  }
0xbc: {  	[sflag:s0] =	ssyncadd.remote.s32 $0x1  }
0xbd: {  	_ =	sfence.sel $0xFFFF  }
0xbe: {  	[dreg:$0x0] =	wrdreg $0xFFFFFFFF;
	(pc) =	sbr.abs _section_cstart, $3  }
0xbf: {  	[dreg:$0x1] =	wrdreg $0xFFFFFFFF  }
0xc0: {  	_ =	task.clear_ibuf [dreg:s6], $0x2FFFF;
	_ =	strace $0x9FFFFFFF  }
0xc1: {  	(tm) =	ssettm $0x7FFFFFFF  }
tec
execute0_lowered:
.L_overlay_start_1:
0x0: {  	(tag) =	ssettag $0x1  }
0x1: {  	s0 =	srdreg.scid;
	s1 =	stileid.u32  }
0x2: {  	s6 =	rddreg [dreg:$0x0];
	s0 =	sand.u32 $0x1, s0;
	s1 =	sshll.u32 s1, $0x1  }
0x3: {  	s2 =	simm.s32 $0x0;
	s25 =	simm.s32 $0x1;
	s1 =	sor.u32 s0, s1  }
0x4: {  	s18 =	simm.s32 $0x2;
	s19 =	simm.s32 $0x3;
	s3 =	sshll.u32 s1, $0x7  }
0x5: {  	s20 =	simm.s32 $0x4;
	s1 =	sshll.u32 s1, $0xF;
	s3 =	sadd.s32 s3, s6  }
0x6: {  	[smem:$0x7FF] =	sst s2;
	s1 =	sadd.s32 s1, s6;
	s3 =	sadd.s32 $0x1400, s3  }
0x7: {  	_ =	strace $0x8000004A;
	s4 =	sadd.s32 $0x2400, s1;
	[dreg:$0x2] =	wrdreg s3  }
0x8: {  	s0 =	ssub.s32 $0x2, s0;
	s26 =	sadd.s32 $0x3400, s1;
	[dreg:$0x3] =	wrdreg s4  }
0x9: {  	s5 =	sshrl.u32 s0, $0x1;
	s28 =	sadd.s32 $0x4400, s1;
	[dreg:$0x4] =	wrdreg s26  }
0xa: {  	s0 =	ssub.s32 s0, s5;
	s29 =	sadd.s32 $0x5400, s1;
	[dreg:$0x5] =	wrdreg s28  }
0xb: {  	s5 =	sadd.s32 $0x182600, s6;
	s30 =	sadd.s32 $0x6400, s1;
	[dreg:$0x6] =	wrdreg s29  }
0xc: {  	s7 =	sadd.s32 $0x7400, s1;
	s31 =	sadd.s32 $0x8400, s1;
	[dreg:$0x7] =	wrdreg s30  }
0xd: {  	v2 =	vlaneseq.u32;
	s1 =	sadd.s32 $0x9400, s1;
	s3 =	sadd.s32 $0x182400, s6;
	[dreg:$0x8] =	wrdreg s7  }
0xe: {  	vm0 =	vmmov $0xffff;
	v1 =	vshrl.u32 v2, $0x3;
	s4 =	sadd.s32 $0x182500, s6;
	s6 =	sadd.s32 $0x182700, s6;
	[dreg:$0x9] =	wrdreg s31  }
0xf: {  	v0 =	vand.u32 $0x7, v2;
	v2 =	vor.u32 $0x8, v2;
	v1 =	vmul.u32 $0x8, v1;
	[dreg:$0xa] =	wrdreg s1;
	s7 =	smax.u32 s0, $0x1;
	s1 =	simm.s32 $0x8400  }
.LBB2_1:
0x10: {  	s21 =	rddreg [dreg:$0x2];
	s8 =	simm.s32 $0x5  }
0x11: {  	[tilespmem:s2], [sflag:$0x5] =	stream.linear.gather [hbm4b:s21+s2], $0x400, $0x38;
	[tilespmem:$0x10400] =	vst v63  }
0x12: {  	_ =	swait.ge [sflag:s8], $0x400  }
0x13: {  	[sflag:s8] =	ssyncset.done $0x0  }
0x14: {  	[sflag:s8] =	ssyncadd.s32 $0xFFFFFC00  }
0x15: {  	v3 =	vld [tilespmem:$0x0];
	_ =	sdelay $0x4  }
0x16: {  	v4 =	vshll.u32 v3, $0x3  }
0x17: {  	v3 =	vand.u32 $0x7, v3;
	v4 =	vand.u32 $0xFFFFFFC0, v4  }
0x18: {  	v3 =	vor.u32 v3, v4  }
0x19: {  	v4 =	vperm.xlane v3, v0;
	_ =	sdelay $0x1  }
0x1a: {  	v4 =	vadd.s32 v1, v4;
	_ =	sdelay $0x3  }
0x1b: {  	s0 =	simm.s32 $0x400  }
0x1c: {  	[tilespmem:s0], [sflag:$0x1] =	stream.indirect_vreg.gather [hbm4b:s3+s2], $0x80, v4, vm0, $0xb8;
	[tilespmem:$0x10400] =	vst v63  }
0x1d: {  	s9 =	simm.s32 $0xC00;
	v3 =	vperm.xlane v3, v2  }
0x1e: {  	[tilespmem:s9], [sflag:$0x1] =	stream.indirect_vreg.gather [hbm4b:s4+s2], $0x80, v4, vm0, $0xb8;
	[tilespmem:$0x10400] =	vst v63  }
0x1f: {  	s10 =	simm.s32 $0x1400;
	v3 =	vadd.s32 v1, v3  }
0x20: {  	[tilespmem:s10], [sflag:$0x1] =	stream.indirect_vreg.gather [hbm4b:s5+s2], $0x80, v4, vm0, $0xb8;
	[tilespmem:$0x10400] =	vst v63  }
0x21: {  	s11 =	simm.s32 $0x1C00  }
0x22: {  	[tilespmem:s11], [sflag:$0x1] =	stream.indirect_vreg.gather [hbm4b:s6+s2], $0x80, v4, vm0, $0xb8;
	[tilespmem:$0x10400] =	vst v63  }
0x23: {  	s12 =	simm.s32 $0x2400  }
0x24: {  	[tilespmem:s12], [sflag:$0x1] =	stream.indirect_vreg.gather [hbm4b:s3+s2], $0x80, v3, vm0, $0xb8;
	[tilespmem:$0x10400] =	vst v63  }
0x25: {  	s13 =	simm.s32 $0x2C00  }
0x26: {  	[tilespmem:s13], [sflag:$0x1] =	stream.indirect_vreg.gather [hbm4b:s4+s2], $0x80, v3, vm0, $0xb8;
	[tilespmem:$0x10400] =	vst v63  }
0x27: {  	s15 =	simm.s32 $0x3400  }
0x28: {  	[tilespmem:s15], [sflag:$0x1] =	stream.indirect_vreg.gather [hbm4b:s5+s2], $0x80, v3, vm0, $0xb8;
	[tilespmem:$0x10400] =	vst v63  }
0x29: {  	s16 =	simm.s32 $0x3C00  }
0x2a: {  	[tilespmem:s16], [sflag:$0x1] =	stream.indirect_vreg.gather [hbm4b:s6+s2], $0x80, v3, vm0, $0xb8;
	[tilespmem:$0x10400] =	vst v63  }
0x2b: {  	v3 =	vld [tilespmem:$0x10];
	_ =	sdelay $0x4  }
0x2c: {  	v49 =	vshll.u32 v3, $0x3  }
0x2d: {  	v3 =	vand.u32 $0x7, v3;
	v4 =	vand.u32 $0xFFFFFFC0, v49  }
0x2e: {  	v3 =	vor.u32 v3, v4  }
0x2f: {  	v4 =	vperm.xlane v3, v0;
	_ =	sdelay $0x1  }
0x30: {  	v4 =	vadd.s32 v1, v4;
	_ =	sdelay $0x3  }
0x31: {  	s17 =	simm.s32 $0x4400  }
0x32: {  	[tilespmem:s17], [sflag:$0x1] =	stream.indirect_vreg.gather [hbm4b:s3+s2], $0x80, v4, vm0, $0xb8;
	[tilespmem:$0x10400] =	vst v63  }
0x33: {  	s21 =	simm.s32 $0x4C00;
	v3 =	vperm.xlane v3, v2  }
0x34: {  	[tilespmem:s21], [sflag:$0x1] =	stream.indirect_vreg.gather [hbm4b:s4+s2], $0x80, v4, vm0, $0xb8;
	[tilespmem:$0x10400] =	vst v63  }
0x35: {  	s23 =	simm.s32 $0x5400;
	v3 =	vadd.s32 v1, v3  }
0x36: {  	[tilespmem:s23], [sflag:$0x1] =	stream.indirect_vreg.gather [hbm4b:s5+s2], $0x80, v4, vm0, $0xb8;
	[tilespmem:$0x10400] =	vst v63  }
0x37: {  	s24 =	simm.s32 $0x5C00  }
0x38: {  	[tilespmem:s24], [sflag:$0x1] =	stream.indirect_vreg.gather [hbm4b:s6+s2], $0x80, v4, vm0, $0xb8;
	[tilespmem:$0x10400] =	vst v63  }
0x39: {  	s26 =	simm.s32 $0x6400  }
0x3a: {  	[tilespmem:s26], [sflag:$0x1] =	stream.indirect_vreg.gather [hbm4b:s3+s2], $0x80, v3, vm0, $0xb8;
	[tilespmem:$0x10400] =	vst v63  }
0x3b: {  	s28 =	simm.s32 $0x6C00  }
0x3c: {  	[tilespmem:s28], [sflag:$0x1] =	stream.indirect_vreg.gather [hbm4b:s4+s2], $0x80, v3, vm0, $0xb8;
	[tilespmem:$0x10400] =	vst v63  }
0x3d: {  	s29 =	simm.s32 $0x7400  }
0x3e: {  	[tilespmem:s29], [sflag:$0x1] =	stream.indirect_vreg.gather [hbm4b:s5+s2], $0x80, v3, vm0, $0xb8;
	[tilespmem:$0x10400] =	vst v63  }
0x3f: {  	s30 =	simm.s32 $0x7C00  }
0x40: {  	[tilespmem:s30], [sflag:$0x1] =	stream.indirect_vreg.gather [hbm4b:s6+s2], $0x80, v3, vm0, $0xb8;
	[tilespmem:$0x10400] =	vst v63  }
0x41: {  	_ =	swait.ge [sflag:s25], $0x8000  }
0x42: {  	[sflag:s25] =	ssyncset.done $0x0  }
0x43: {  	[sflag:s25] =	ssyncadd.s32 $0xFFFF8000  }
0x44: {  	v3 =	vld [tilespmem:$0x80];
	_ =	sdelay $0x4  }
0x45: {  	v50 =	vshll.u32 v3, $0x3  }
0x46: {  	v3 =	vand.u32 $0x7, v3;
	v4 =	vand.u32 $0xFFFFFFC0, v50  }
0x47: {  	v3 =	vor.u32 v3, v4  }
0x48: {  	v4 =	vperm.xlane v3, v0;
	_ =	sdelay $0x1  }
0x49: {  	v4 =	vadd.s32 v1, v4;
	_ =	sdelay $0x4  }
0x4a: {  	[tilespmem:s1], [sflag:$0x2] =	stream.indirect_vreg.gather [hbm4b:s3+s2], $0x80, v4, vm0, $0xb8;
	[tilespmem:$0x10400] =	vst v63  }
0x4b: {  	s15 =	simm.s32 $0x8C00;
	v3 =	vperm.xlane v3, v2  }
0x4c: {  	[tilespmem:s15], [sflag:$0x2] =	stream.indirect_vreg.gather [hbm4b:s4+s2], $0x80, v4, vm0, $0xb8;
	[tilespmem:$0x10400] =	vst v63  }
0x4d: {  	s31 =	simm.s32 $0x9400;
	v3 =	vadd.s32 v1, v3  }
0x4e: {  	[tilespmem:s31], [sflag:$0x2] =	stream.indirect_vreg.gather [hbm4b:s5+s2], $0x80, v4, vm0, $0xb8;
	[tilespmem:$0x10400] =	vst v63  }
0x4f: {  	s8 =	simm.s32 $0x9C00  }
0x50: {  	[tilespmem:s8], [sflag:$0x2] =	stream.indirect_vreg.gather [hbm4b:s6+s2], $0x80, v4, vm0, $0xb8;
	[tilespmem:$0x10400] =	vst v63  }
0x51: {  	s9 =	simm.s32 $0xA400  }
0x52: {  	[tilespmem:s9], [sflag:$0x2] =	stream.indirect_vreg.gather [hbm4b:s3+s2], $0x80, v3, vm0, $0xb8;
	[tilespmem:$0x10400] =	vst v63  }
0x53: {  	s10 =	simm.s32 $0xAC00  }
0x54: {  	[tilespmem:s10], [sflag:$0x2] =	stream.indirect_vreg.gather [hbm4b:s4+s2], $0x80, v3, vm0, $0xb8;
	[tilespmem:$0x10400] =	vst v63  }
0x55: {  	s15 =	simm.s32 $0xB400  }
0x56: {  	[tilespmem:s15], [sflag:$0x2] =	stream.indirect_vreg.gather [hbm4b:s5+s2], $0x80, v3, vm0, $0xb8;
	[tilespmem:$0x10400] =	vst v63  }
0x57: {  	s23 =	simm.s32 $0xBC00  }
0x58: {  	[tilespmem:s23], [sflag:$0x2] =	stream.indirect_vreg.gather [hbm4b:s6+s2], $0x80, v3, vm0, $0xb8;
	[tilespmem:$0x10400] =	vst v63  }
0x59: {  	v3 =	vld [tilespmem:$0x90];
	_ =	sdelay $0x4  }
0x5a: {  	v51 =	vshll.u32 v3, $0x3  }
0x5b: {  	v3 =	vand.u32 $0x7, v3;
	v4 =	vand.u32 $0xFFFFFFC0, v51  }
0x5c: {  	v3 =	vor.u32 v3, v4  }
0x5d: {  	v4 =	vperm.xlane v3, v0;
	_ =	sdelay $0x1  }
0x5e: {  	v4 =	vadd.s32 v1, v4;
	_ =	sdelay $0x3  }
0x5f: {  	s24 =	simm.s32 $0xC400  }
0x60: {  	[tilespmem:s24], [sflag:$0x2] =	stream.indirect_vreg.gather [hbm4b:s3+s2], $0x80, v4, vm0, $0xb8;
	[tilespmem:$0x10400] =	vst v63  }
0x61: {  	s28 =	simm.s32 $0xCC00;
	v3 =	vperm.xlane v3, v2  }
0x62: {  	[tilespmem:s28], [sflag:$0x2] =	stream.indirect_vreg.gather [hbm4b:s4+s2], $0x80, v4, vm0, $0xb8;
	[tilespmem:$0x10400] =	vst v63  }
0x63: {  	s29 =	simm.s32 $0xD400;
	v3 =	vadd.s32 v1, v3  }
0x64: {  	[tilespmem:s29], [sflag:$0x2] =	stream.indirect_vreg.gather [hbm4b:s5+s2], $0x80, v4, vm0, $0xb8;
	[tilespmem:$0x10400] =	vst v63  }
0x65: {  	s30 =	simm.s32 $0xDC00  }
0x66: {  	[tilespmem:s30], [sflag:$0x2] =	stream.indirect_vreg.gather [hbm4b:s6+s2], $0x80, v4, vm0, $0xb8;
	[tilespmem:$0x10400] =	vst v63  }
0x67: {  	s31 =	simm.s32 $0xE400  }
0x68: {  	[tilespmem:s31], [sflag:$0x2] =	stream.indirect_vreg.gather [hbm4b:s3+s2], $0x80, v3, vm0, $0xb8;
	[tilespmem:$0x10400] =	vst v63  }
0x69: {  	s15 =	simm.s32 $0xEC00  }
0x6a: {  	[tilespmem:s15], [sflag:$0x2] =	stream.indirect_vreg.gather [hbm4b:s4+s2], $0x80, v3, vm0, $0xb8;
	[tilespmem:$0x10400] =	vst v63  }
0x6b: {  	s23 =	simm.s32 $0xF400  }
0x6c: {  	[tilespmem:s23], [sflag:$0x2] =	stream.indirect_vreg.gather [hbm4b:s5+s2], $0x80, v3, vm0, $0xb8;
	[tilespmem:$0x10400] =	vst v63  }
0x6d: {  	s28 =	simm.s32 $0xFC00  }
0x6e: {  	[tilespmem:s28], [sflag:$0x2] =	stream.indirect_vreg.gather [hbm4b:s6+s2], $0x80, v3, vm0, $0xb8;
	[tilespmem:$0x10400] =	vst v63  }
0x6f: {  	s22 =	simm.s32 $0x400;
	s24 =	rddreg [dreg:$0x3]  }
0x70: {  	[hbm4b:s24+s2] =	stream.linear.scatter [tilespmem:s22], [sflag:$0x3], $0x8000, $0x38;
	[tilespmem:$0x10400] =	vst v63  }
0x71: {  	_ =	swait.ge [sflag:s18], $0x8000  }
0x72: {  	[sflag:s18] =	ssyncset.done $0x0  }
0x73: {  	[sflag:s18] =	ssyncadd.s32 $0xFFFF8000  }
0x74: {  	_ =	swait.ge [sflag:s19], $0x8000  }
0x75: {  	[sflag:s19] =	ssyncset.done $0x0  }
0x76: {  	[sflag:s19] =	ssyncadd.s32 $0xFFFF8000  }
0x77: {  	v3 =	vld [tilespmem:$0x100];
	_ =	sdelay $0x4  }
0x78: {  	v52 =	vshll.u32 v3, $0x3  }
0x79: {  	v3 =	vand.u32 $0x7, v3;
	v4 =	vand.u32 $0xFFFFFFC0, v52  }
0x7a: {  	v3 =	vor.u32 v3, v4  }
0x7b: {  	v4 =	vperm.xlane v3, v0;
	_ =	sdelay $0x1  }
0x7c: {  	v4 =	vadd.s32 v1, v4;
	_ =	sdelay $0x4  }
0x7d: {  	[tilespmem:s22], [sflag:$0x1] =	stream.indirect_vreg.gather [hbm4b:s3+s2], $0x80, v4, vm0, $0xb8;
	[tilespmem:$0x10400] =	vst v63  }
0x7e: {  	v3 =	vperm.xlane v3, v2;
	s22 =	simm.s32 $0xC00  }
0x7f: {  	[tilespmem:s22], [sflag:$0x1] =	stream.indirect_vreg.gather [hbm4b:s4+s2], $0x80, v4, vm0, $0xb8;
	[tilespmem:$0x10400] =	vst v63  }
0x80: {  	s14 =	simm.s32 $0x1400;
	v3 =	vadd.s32 v1, v3  }
0x81: {  	[tilespmem:s14], [sflag:$0x1] =	stream.indirect_vreg.gather [hbm4b:s5+s2], $0x80, v4, vm0, $0xb8;
	[tilespmem:$0x10400] =	vst v63  }
0x82: {  	s24 =	simm.s32 $0x1C00  }
0x83: {  	[tilespmem:s24], [sflag:$0x1] =	stream.indirect_vreg.gather [hbm4b:s6+s2], $0x80, v4, vm0, $0xb8;
	[tilespmem:$0x10400] =	vst v63  }
0x84: {  	s23 =	simm.s32 $0x2400  }
0x85: {  	[tilespmem:s23], [sflag:$0x1] =	stream.indirect_vreg.gather [hbm4b:s3+s2], $0x80, v3, vm0, $0xb8;
	[tilespmem:$0x10400] =	vst v63  }
0x86: {  	s28 =	simm.s32 $0x2C00  }
0x87: {  	[tilespmem:s28], [sflag:$0x1] =	stream.indirect_vreg.gather [hbm4b:s4+s2], $0x80, v3, vm0, $0xb8;
	[tilespmem:$0x10400] =	vst v63  }
0x88: {  	s30 =	simm.s32 $0x3400  }
0x89: {  	[tilespmem:s30], [sflag:$0x1] =	stream.indirect_vreg.gather [hbm4b:s5+s2], $0x80, v3, vm0, $0xb8;
	[tilespmem:$0x10400] =	vst v63  }
0x8a: {  	s31 =	simm.s32 $0x3C00  }
0x8b: {  	[tilespmem:s31], [sflag:$0x1] =	stream.indirect_vreg.gather [hbm4b:s6+s2], $0x80, v3, vm0, $0xb8;
	[tilespmem:$0x10400] =	vst v63  }
0x8c: {  	v3 =	vld [tilespmem:$0x110];
	_ =	sdelay $0x4  }
0x8d: {  	v53 =	vshll.u32 v3, $0x3  }
0x8e: {  	v3 =	vand.u32 $0x7, v3;
	v4 =	vand.u32 $0xFFFFFFC0, v53  }
0x8f: {  	v3 =	vor.u32 v3, v4  }
0x90: {  	v4 =	vperm.xlane v3, v0;
	_ =	sdelay $0x1  }
0x91: {  	v4 =	vadd.s32 v1, v4;
	_ =	sdelay $0x3  }
0x92: {  	s17 =	simm.s32 $0x4400  }
0x93: {  	[tilespmem:s17], [sflag:$0x1] =	stream.indirect_vreg.gather [hbm4b:s3+s2], $0x80, v4, vm0, $0xb8;
	[tilespmem:$0x10400] =	vst v63  }
0x94: {  	s16 =	simm.s32 $0x4C00;
	v3 =	vperm.xlane v3, v2  }
0x95: {  	[tilespmem:s16], [sflag:$0x1] =	stream.indirect_vreg.gather [hbm4b:s4+s2], $0x80, v4, vm0, $0xb8;
	[tilespmem:$0x10400] =	vst v63  }
0x96: {  	s13 =	simm.s32 $0x5400;
	v3 =	vadd.s32 v1, v3  }
0x97: {  	[tilespmem:s13], [sflag:$0x1] =	stream.indirect_vreg.gather [hbm4b:s5+s2], $0x80, v4, vm0, $0xb8;
	[tilespmem:$0x10400] =	vst v63  }
0x98: {  	s13 =	simm.s32 $0x5C00  }
0x99: {  	[tilespmem:s13], [sflag:$0x1] =	stream.indirect_vreg.gather [hbm4b:s6+s2], $0x80, v4, vm0, $0xb8;
	[tilespmem:$0x10400] =	vst v63  }
0x9a: {  	s14 =	simm.s32 $0x6400  }
0x9b: {  	[tilespmem:s14], [sflag:$0x1] =	stream.indirect_vreg.gather [hbm4b:s3+s2], $0x80, v3, vm0, $0xb8;
	[tilespmem:$0x10400] =	vst v63  }
0x9c: {  	s16 =	simm.s32 $0x6C00  }
0x9d: {  	[tilespmem:s16], [sflag:$0x1] =	stream.indirect_vreg.gather [hbm4b:s4+s2], $0x80, v3, vm0, $0xb8;
	[tilespmem:$0x10400] =	vst v63  }
0x9e: {  	s17 =	simm.s32 $0x7400  }
0x9f: {  	[tilespmem:s17], [sflag:$0x1] =	stream.indirect_vreg.gather [hbm4b:s5+s2], $0x80, v3, vm0, $0xb8;
	[tilespmem:$0x10400] =	vst v63  }
0xa0: {  	s12 =	simm.s32 $0x7C00  }
0xa1: {  	[tilespmem:s12], [sflag:$0x1] =	stream.indirect_vreg.gather [hbm4b:s6+s2], $0x80, v3, vm0, $0xb8;
	[tilespmem:$0x10400] =	vst v63  }
0xa2: {  	s29 =	rddreg [dreg:$0x4]  }
0xa3: {  	[hbm4b:s29+s2] =	stream.linear.scatter [tilespmem:s1], [sflag:$0x4], $0x8000, $0x38;
	[tilespmem:$0x10400] =	vst v63  }
0xa4: {  	_ =	swait.ge [sflag:s25], $0x8000  }
0xa5: {  	[sflag:s25] =	ssyncset.done $0x0  }
0xa6: {  	[sflag:s25] =	ssyncadd.s32 $0xFFFF8000  }
0xa7: {  	_ =	swait.ge [sflag:s20], $0x8000  }
0xa8: {  	[sflag:s20] =	ssyncset.done $0x0  }
0xa9: {  	[sflag:s20] =	ssyncadd.s32 $0xFFFF8000  }
0xaa: {  	v3 =	vld [tilespmem:$0x180];
	_ =	sdelay $0x4  }
0xab: {  	v54 =	vshll.u32 v3, $0x3  }
0xac: {  	v3 =	vand.u32 $0x7, v3;
	v4 =	vand.u32 $0xFFFFFFC0, v54  }
0xad: {  	v3 =	vor.u32 v3, v4  }
0xae: {  	v4 =	vperm.xlane v3, v0;
	_ =	sdelay $0x1  }
0xaf: {  	v4 =	vadd.s32 v1, v4;
	_ =	sdelay $0x4  }
0xb0: {  	[tilespmem:s1], [sflag:$0x2] =	stream.indirect_vreg.gather [hbm4b:s3+s2], $0x80, v4, vm0, $0xb8;
	[tilespmem:$0x10400] =	vst v63  }
0xb1: {  	s11 =	simm.s32 $0x8C00;
	v3 =	vperm.xlane v3, v2  }
0xb2: {  	[tilespmem:s11], [sflag:$0x2] =	stream.indirect_vreg.gather [hbm4b:s4+s2], $0x80, v4, vm0, $0xb8;
	[tilespmem:$0x10400] =	vst v63  }
0xb3: {  	s26 =	simm.s32 $0x9400;
	v3 =	vadd.s32 v1, v3  }
0xb4: {  	[tilespmem:s26], [sflag:$0x2] =	stream.indirect_vreg.gather [hbm4b:s5+s2], $0x80, v4, vm0, $0xb8;
	[tilespmem:$0x10400] =	vst v63  }
0xb5: {  	s0 =	simm.s32 $0x9C00  }
0xb6: {  	[tilespmem:s0], [sflag:$0x2] =	stream.indirect_vreg.gather [hbm4b:s6+s2], $0x80, v4, vm0, $0xb8;
	[tilespmem:$0x10400] =	vst v63  }
0xb7: {  	s15 =	simm.s32 $0xA400  }
0xb8: {  	[tilespmem:s15], [sflag:$0x2] =	stream.indirect_vreg.gather [hbm4b:s3+s2], $0x80, v3, vm0, $0xb8;
	[tilespmem:$0x10400] =	vst v63  }
0xb9: {  	s0 =	simm.s32 $0xAC00  }
0xba: {  	[tilespmem:s0], [sflag:$0x2] =	stream.indirect_vreg.gather [hbm4b:s4+s2], $0x80, v3, vm0, $0xb8;
	[tilespmem:$0x10400] =	vst v63  }
0xbb: {  	s26 =	simm.s32 $0xB400  }
0xbc: {  	[tilespmem:s26], [sflag:$0x2] =	stream.indirect_vreg.gather [hbm4b:s5+s2], $0x80, v3, vm0, $0xb8;
	[tilespmem:$0x10400] =	vst v63  }
0xbd: {  	s8 =	simm.s32 $0xBC00  }
0xbe: {  	[tilespmem:s8], [sflag:$0x2] =	stream.indirect_vreg.gather [hbm4b:s6+s2], $0x80, v3, vm0, $0xb8;
	[tilespmem:$0x10400] =	vst v63  }
0xbf: {  	v3 =	vld [tilespmem:$0x190];
	_ =	sdelay $0x4  }
0xc0: {  	v55 =	vshll.u32 v3, $0x3  }
0xc1: {  	v3 =	vand.u32 $0x7, v3;
	v4 =	vand.u32 $0xFFFFFFC0, v55  }
0xc2: {  	v3 =	vor.u32 v3, v4  }
0xc3: {  	v4 =	vperm.xlane v3, v0;
	_ =	sdelay $0x1  }
0xc4: {  	v4 =	vadd.s32 v1, v4;
	_ =	sdelay $0x3  }
0xc5: {  	s9 =	simm.s32 $0xC400  }
0xc6: {  	[tilespmem:s9], [sflag:$0x2] =	stream.indirect_vreg.gather [hbm4b:s3+s2], $0x80, v4, vm0, $0xb8;
	[tilespmem:$0x10400] =	vst v63  }
0xc7: {  	s10 =	simm.s32 $0xCC00;
	v3 =	vperm.xlane v3, v2  }
0xc8: {  	[tilespmem:s10], [sflag:$0x2] =	stream.indirect_vreg.gather [hbm4b:s4+s2], $0x80, v4, vm0, $0xb8;
	[tilespmem:$0x10400] =	vst v63  }
0xc9: {  	s8 =	simm.s32 $0xD400;
	v3 =	vadd.s32 v1, v3  }
0xca: {  	[tilespmem:s8], [sflag:$0x2] =	stream.indirect_vreg.gather [hbm4b:s5+s2], $0x80, v4, vm0, $0xb8;
	[tilespmem:$0x10400] =	vst v63  }
0xcb: {  	s9 =	simm.s32 $0xDC00  }
0xcc: {  	[tilespmem:s9], [sflag:$0x2] =	stream.indirect_vreg.gather [hbm4b:s6+s2], $0x80, v4, vm0, $0xb8;
	[tilespmem:$0x10400] =	vst v63  }
0xcd: {  	s10 =	simm.s32 $0xE400  }
0xce: {  	[tilespmem:s10], [sflag:$0x2] =	stream.indirect_vreg.gather [hbm4b:s3+s2], $0x80, v3, vm0, $0xb8;
	[tilespmem:$0x10400] =	vst v63  }
0xcf: {  	s11 =	simm.s32 $0xEC00  }
0xd0: {  	[tilespmem:s11], [sflag:$0x2] =	stream.indirect_vreg.gather [hbm4b:s4+s2], $0x80, v3, vm0, $0xb8;
	[tilespmem:$0x10400] =	vst v63  }
0xd1: {  	s12 =	simm.s32 $0xF400  }
0xd2: {  	[tilespmem:s12], [sflag:$0x2] =	stream.indirect_vreg.gather [hbm4b:s5+s2], $0x80, v3, vm0, $0xb8;
	[tilespmem:$0x10400] =	vst v63  }
0xd3: {  	s29 =	simm.s32 $0xFC00  }
0xd4: {  	[tilespmem:s29], [sflag:$0x2] =	stream.indirect_vreg.gather [hbm4b:s6+s2], $0x80, v3, vm0, $0xb8;
	[tilespmem:$0x10400] =	vst v63  }
0xd5: {  	s21 =	rddreg [dreg:$0x5];
	s29 =	simm.s32 $0x400  }
0xd6: {  	[hbm4b:s21+s2] =	stream.linear.scatter [tilespmem:s29], [sflag:$0x3], $0x8000, $0x38;
	[tilespmem:$0x10400] =	vst v63  }
0xd7: {  	_ =	swait.ge [sflag:s18], $0x8000  }
0xd8: {  	[sflag:s18] =	ssyncset.done $0x0  }
0xd9: {  	[sflag:s18] =	ssyncadd.s32 $0xFFFF8000  }
0xda: {  	_ =	swait.ge [sflag:s19], $0x8000  }
0xdb: {  	[sflag:s19] =	ssyncset.done $0x0  }
0xdc: {  	[sflag:s19] =	ssyncadd.s32 $0xFFFF8000  }
0xdd: {  	v3 =	vld [tilespmem:$0x200];
	_ =	sdelay $0x4  }
0xde: {  	v56 =	vshll.u32 v3, $0x3  }
0xdf: {  	v3 =	vand.u32 $0x7, v3;
	v4 =	vand.u32 $0xFFFFFFC0, v56  }
0xe0: {  	v3 =	vor.u32 v3, v4  }
0xe1: {  	v4 =	vperm.xlane v3, v0;
	_ =	sdelay $0x1  }
0xe2: {  	v4 =	vadd.s32 v1, v4;
	_ =	sdelay $0x4  }
0xe3: {  	[tilespmem:s29], [sflag:$0x1] =	stream.indirect_vreg.gather [hbm4b:s3+s2], $0x80, v4, vm0, $0xb8;
	[tilespmem:$0x10400] =	vst v63  }
0xe4: {  	v3 =	vperm.xlane v3, v2  }
0xe5: {  	[tilespmem:s22], [sflag:$0x1] =	stream.indirect_vreg.gather [hbm4b:s4+s2], $0x80, v4, vm0, $0xb8;
	[tilespmem:$0x10400] =	vst v63  }
0xe6: {  	s21 =	simm.s32 $0x1400;
	v3 =	vadd.s32 v1, v3  }
0xe7: {  	[tilespmem:s21], [sflag:$0x1] =	stream.indirect_vreg.gather [hbm4b:s5+s2], $0x80, v4, vm0, $0xb8;
	[tilespmem:$0x10400] =	vst v63  }
0xe8: {  	_ = 	snop  }
0xe9: {  	[tilespmem:s24], [sflag:$0x1] =	stream.indirect_vreg.gather [hbm4b:s6+s2], $0x80, v4, vm0, $0xb8;
	[tilespmem:$0x10400] =	vst v63  }
0xea: {  	_ = 	snop  }
0xeb: {  	[tilespmem:s23], [sflag:$0x1] =	stream.indirect_vreg.gather [hbm4b:s3+s2], $0x80, v3, vm0, $0xb8;
	[tilespmem:$0x10400] =	vst v63  }
0xec: {  	_ = 	snop  }
0xed: {  	[tilespmem:s28], [sflag:$0x1] =	stream.indirect_vreg.gather [hbm4b:s4+s2], $0x80, v3, vm0, $0xb8;
	[tilespmem:$0x10400] =	vst v63  }
0xee: {  	_ = 	snop  }
0xef: {  	[tilespmem:s30], [sflag:$0x1] =	stream.indirect_vreg.gather [hbm4b:s5+s2], $0x80, v3, vm0, $0xb8;
	[tilespmem:$0x10400] =	vst v63  }
0xf0: {  	_ = 	snop  }
0xf1: {  	[tilespmem:s31], [sflag:$0x1] =	stream.indirect_vreg.gather [hbm4b:s6+s2], $0x80, v3, vm0, $0xb8;
	[tilespmem:$0x10400] =	vst v63  }
0xf2: {  	v3 =	vld [tilespmem:$0x210];
	_ =	sdelay $0x4  }
0xf3: {  	v57 =	vshll.u32 v3, $0x3  }
0xf4: {  	v3 =	vand.u32 $0x7, v3;
	v4 =	vand.u32 $0xFFFFFFC0, v57  }
0xf5: {  	v3 =	vor.u32 v3, v4  }
0xf6: {  	v4 =	vperm.xlane v3, v0;
	_ =	sdelay $0x1  }
0xf7: {  	v4 =	vadd.s32 v1, v4;
	_ =	sdelay $0x3  }
0xf8: {  	s21 =	simm.s32 $0x4400  }
0xf9: {  	[tilespmem:s21], [sflag:$0x1] =	stream.indirect_vreg.gather [hbm4b:s3+s2], $0x80, v4, vm0, $0xb8;
	[tilespmem:$0x10400] =	vst v63  }
0xfa: {  	v3 =	vperm.xlane v3, v2;
	s21 =	simm.s32 $0x4C00  }
0xfb: {  	[tilespmem:s21], [sflag:$0x1] =	stream.indirect_vreg.gather [hbm4b:s4+s2], $0x80, v4, vm0, $0xb8;
	[tilespmem:$0x10400] =	vst v63  }
0xfc: {  	v3 =	vadd.s32 v1, v3;
	s21 =	simm.s32 $0x5400  }
0xfd: {  	[tilespmem:s21], [sflag:$0x1] =	stream.indirect_vreg.gather [hbm4b:s5+s2], $0x80, v4, vm0, $0xb8;
	[tilespmem:$0x10400] =	vst v63  }
0xfe: {  	_ = 	snop  }
0xff: {  	[tilespmem:s13], [sflag:$0x1] =	stream.indirect_vreg.gather [hbm4b:s6+s2], $0x80, v4, vm0, $0xb8;
	[tilespmem:$0x10400] =	vst v63  }
0x100: {  	_ = 	snop  }
0x101: {  	[tilespmem:s14], [sflag:$0x1] =	stream.indirect_vreg.gather [hbm4b:s3+s2], $0x80, v3, vm0, $0xb8;
	[tilespmem:$0x10400] =	vst v63  }
0x102: {  	_ = 	snop  }
0x103: {  	[tilespmem:s16], [sflag:$0x1] =	stream.indirect_vreg.gather [hbm4b:s4+s2], $0x80, v3, vm0, $0xb8;
	[tilespmem:$0x10400] =	vst v63  }
0x104: {  	_ = 	snop  }
0x105: {  	[tilespmem:s17], [sflag:$0x1] =	stream.indirect_vreg.gather [hbm4b:s5+s2], $0x80, v3, vm0, $0xb8;
	[tilespmem:$0x10400] =	vst v63  }
0x106: {  	s13 =	simm.s32 $0x7C00  }
0x107: {  	[tilespmem:s13], [sflag:$0x1] =	stream.indirect_vreg.gather [hbm4b:s6+s2], $0x80, v3, vm0, $0xb8;
	[tilespmem:$0x10400] =	vst v63  }
0x108: {  	s21 =	rddreg [dreg:$0x6]  }
0x109: {  	[hbm4b:s21+s2] =	stream.linear.scatter [tilespmem:s1], [sflag:$0x4], $0x8000, $0x38;
	[tilespmem:$0x10400] =	vst v63  }
0x10a: {  	_ =	swait.ge [sflag:s25], $0x8000  }
0x10b: {  	[sflag:s25] =	ssyncset.done $0x0  }
0x10c: {  	[sflag:s25] =	ssyncadd.s32 $0xFFFF8000  }
0x10d: {  	_ =	swait.ge [sflag:s20], $0x8000  }
0x10e: {  	[sflag:s20] =	ssyncset.done $0x0  }
0x10f: {  	[sflag:s20] =	ssyncadd.s32 $0xFFFF8000  }
0x110: {  	v3 =	vld [tilespmem:$0x280];
	_ =	sdelay $0x4  }
0x111: {  	v58 =	vshll.u32 v3, $0x3  }
0x112: {  	v3 =	vand.u32 $0x7, v3;
	v4 =	vand.u32 $0xFFFFFFC0, v58  }
0x113: {  	v3 =	vor.u32 v3, v4  }
0x114: {  	v4 =	vperm.xlane v3, v0;
	_ =	sdelay $0x1  }
0x115: {  	v4 =	vadd.s32 v1, v4;
	_ =	sdelay $0x4  }
0x116: {  	[tilespmem:s1], [sflag:$0x2] =	stream.indirect_vreg.gather [hbm4b:s3+s2], $0x80, v4, vm0, $0xb8;
	[tilespmem:$0x10400] =	vst v63  }
0x117: {  	s13 =	simm.s32 $0x8C00;
	v3 =	vperm.xlane v3, v2  }
0x118: {  	[tilespmem:s13], [sflag:$0x2] =	stream.indirect_vreg.gather [hbm4b:s4+s2], $0x80, v4, vm0, $0xb8;
	[tilespmem:$0x10400] =	vst v63  }
0x119: {  	v3 =	vadd.s32 v1, v3;
	s13 =	simm.s32 $0x9400  }
0x11a: {  	[tilespmem:s13], [sflag:$0x2] =	stream.indirect_vreg.gather [hbm4b:s5+s2], $0x80, v4, vm0, $0xb8;
	[tilespmem:$0x10400] =	vst v63  }
0x11b: {  	s21 =	simm.s32 $0x9C00  }
0x11c: {  	[tilespmem:s21], [sflag:$0x2] =	stream.indirect_vreg.gather [hbm4b:s6+s2], $0x80, v4, vm0, $0xb8;
	[tilespmem:$0x10400] =	vst v63  }
0x11d: {  	_ = 	snop  }
0x11e: {  	[tilespmem:s15], [sflag:$0x2] =	stream.indirect_vreg.gather [hbm4b:s3+s2], $0x80, v3, vm0, $0xb8;
	[tilespmem:$0x10400] =	vst v63  }
0x11f: {  	_ = 	snop  }
0x120: {  	[tilespmem:s0], [sflag:$0x2] =	stream.indirect_vreg.gather [hbm4b:s4+s2], $0x80, v3, vm0, $0xb8;
	[tilespmem:$0x10400] =	vst v63  }
0x121: {  	_ = 	snop  }
0x122: {  	[tilespmem:s26], [sflag:$0x2] =	stream.indirect_vreg.gather [hbm4b:s5+s2], $0x80, v3, vm0, $0xb8;
	[tilespmem:$0x10400] =	vst v63  }
0x123: {  	s0 =	simm.s32 $0xBC00  }
0x124: {  	[tilespmem:s0], [sflag:$0x2] =	stream.indirect_vreg.gather [hbm4b:s6+s2], $0x80, v3, vm0, $0xb8;
	[tilespmem:$0x10400] =	vst v63  }
0x125: {  	v3 =	vld [tilespmem:$0x290];
	_ =	sdelay $0x4  }
0x126: {  	v59 =	vshll.u32 v3, $0x3  }
0x127: {  	v3 =	vand.u32 $0x7, v3;
	v4 =	vand.u32 $0xFFFFFFC0, v59  }
0x128: {  	v3 =	vor.u32 v3, v4  }
0x129: {  	v4 =	vperm.xlane v3, v0;
	_ =	sdelay $0x1  }
0x12a: {  	v4 =	vadd.s32 v1, v4;
	_ =	sdelay $0x3  }
0x12b: {  	s0 =	simm.s32 $0xC400  }
0x12c: {  	[tilespmem:s0], [sflag:$0x2] =	stream.indirect_vreg.gather [hbm4b:s3+s2], $0x80, v4, vm0, $0xb8;
	[tilespmem:$0x10400] =	vst v63  }
0x12d: {  	v3 =	vperm.xlane v3, v2;
	s0 =	simm.s32 $0xCC00  }
0x12e: {  	[tilespmem:s0], [sflag:$0x2] =	stream.indirect_vreg.gather [hbm4b:s4+s2], $0x80, v4, vm0, $0xb8;
	[tilespmem:$0x10400] =	vst v63  }
0x12f: {  	v3 =	vadd.s32 v1, v3  }
0x130: {  	[tilespmem:s8], [sflag:$0x2] =	stream.indirect_vreg.gather [hbm4b:s5+s2], $0x80, v4, vm0, $0xb8;
	[tilespmem:$0x10400] =	vst v63  }
0x131: {  	_ = 	snop  }
0x132: {  	[tilespmem:s9], [sflag:$0x2] =	stream.indirect_vreg.gather [hbm4b:s6+s2], $0x80, v4, vm0, $0xb8;
	[tilespmem:$0x10400] =	vst v63  }
0x133: {  	_ = 	snop  }
0x134: {  	[tilespmem:s10], [sflag:$0x2] =	stream.indirect_vreg.gather [hbm4b:s3+s2], $0x80, v3, vm0, $0xb8;
	[tilespmem:$0x10400] =	vst v63  }
0x135: {  	_ = 	snop  }
0x136: {  	[tilespmem:s11], [sflag:$0x2] =	stream.indirect_vreg.gather [hbm4b:s4+s2], $0x80, v3, vm0, $0xb8;
	[tilespmem:$0x10400] =	vst v63  }
0x137: {  	_ = 	snop  }
0x138: {  	[tilespmem:s12], [sflag:$0x2] =	stream.indirect_vreg.gather [hbm4b:s5+s2], $0x80, v3, vm0, $0xb8;
	[tilespmem:$0x10400] =	vst v63  }
0x139: {  	s0 =	simm.s32 $0xFC00  }
0x13a: {  	[tilespmem:s0], [sflag:$0x2] =	stream.indirect_vreg.gather [hbm4b:s6+s2], $0x80, v3, vm0, $0xb8;
	[tilespmem:$0x10400] =	vst v63  }
0x13b: {  	s29 =	simm.s32 $0x400;
	s21 =	rddreg [dreg:$0x7]  }
0x13c: {  	[hbm4b:s21+s2] =	stream.linear.scatter [tilespmem:s29], [sflag:$0x3], $0x8000, $0x38;
	[tilespmem:$0x10400] =	vst v63  }
0x13d: {  	_ =	swait.ge [sflag:s18], $0x8000  }
0x13e: {  	[sflag:s18] =	ssyncset.done $0x0  }
0x13f: {  	[sflag:s18] =	ssyncadd.s32 $0xFFFF8000  }
0x140: {  	_ =	swait.ge [sflag:s19], $0x8000  }
0x141: {  	[sflag:s19] =	ssyncset.done $0x0  }
0x142: {  	[sflag:s19] =	ssyncadd.s32 $0xFFFF8000  }
0x143: {  	v3 =	vld [tilespmem:$0x300];
	_ =	sdelay $0x4  }
0x144: {  	v60 =	vshll.u32 v3, $0x3  }
0x145: {  	v3 =	vand.u32 $0x7, v3;
	v4 =	vand.u32 $0xFFFFFFC0, v60  }
0x146: {  	v3 =	vor.u32 v3, v4  }
0x147: {  	v4 =	vperm.xlane v3, v0;
	_ =	sdelay $0x1  }
0x148: {  	v4 =	vadd.s32 v1, v4;
	_ =	sdelay $0x4  }
0x149: {  	[tilespmem:s29], [sflag:$0x1] =	stream.indirect_vreg.gather [hbm4b:s3+s2], $0x80, v4, vm0, $0xb8;
	[tilespmem:$0x10400] =	vst v63  }
0x14a: {  	s22 =	simm.s32 $0xC00;
	v3 =	vperm.xlane v3, v2  }
0x14b: {  	[tilespmem:s22], [sflag:$0x1] =	stream.indirect_vreg.gather [hbm4b:s4+s2], $0x80, v4, vm0, $0xb8;
	[tilespmem:$0x10400] =	vst v63  }
0x14c: {  	v3 =	vadd.s32 v1, v3;
	s22 =	simm.s32 $0x1400  }
0x14d: {  	[tilespmem:s22], [sflag:$0x1] =	stream.indirect_vreg.gather [hbm4b:s5+s2], $0x80, v4, vm0, $0xb8;
	[tilespmem:$0x10400] =	vst v63  }
0x14e: {  	s24 =	simm.s32 $0x1C00  }
0x14f: {  	[tilespmem:s24], [sflag:$0x1] =	stream.indirect_vreg.gather [hbm4b:s6+s2], $0x80, v4, vm0, $0xb8;
	[tilespmem:$0x10400] =	vst v63  }
0x150: {  	s23 =	simm.s32 $0x2400  }
0x151: {  	[tilespmem:s23], [sflag:$0x1] =	stream.indirect_vreg.gather [hbm4b:s3+s2], $0x80, v3, vm0, $0xb8;
	[tilespmem:$0x10400] =	vst v63  }
0x152: {  	s28 =	simm.s32 $0x2C00  }
0x153: {  	[tilespmem:s28], [sflag:$0x1] =	stream.indirect_vreg.gather [hbm4b:s4+s2], $0x80, v3, vm0, $0xb8;
	[tilespmem:$0x10400] =	vst v63  }
0x154: {  	s30 =	simm.s32 $0x3400  }
0x155: {  	[tilespmem:s30], [sflag:$0x1] =	stream.indirect_vreg.gather [hbm4b:s5+s2], $0x80, v3, vm0, $0xb8;
	[tilespmem:$0x10400] =	vst v63  }
0x156: {  	s31 =	simm.s32 $0x3C00  }
0x157: {  	[tilespmem:s31], [sflag:$0x1] =	stream.indirect_vreg.gather [hbm4b:s6+s2], $0x80, v3, vm0, $0xb8;
	[tilespmem:$0x10400] =	vst v63  }
0x158: {  	v3 =	vld [tilespmem:$0x310];
	_ =	sdelay $0x4  }
0x159: {  	v61 =	vshll.u32 v3, $0x3  }
0x15a: {  	v3 =	vand.u32 $0x7, v3;
	v4 =	vand.u32 $0xFFFFFFC0, v61  }
0x15b: {  	v3 =	vor.u32 v3, v4  }
0x15c: {  	v4 =	vperm.xlane v3, v0;
	_ =	sdelay $0x1  }
0x15d: {  	v4 =	vadd.s32 v1, v4;
	_ =	sdelay $0x3  }
0x15e: {  	s24 =	simm.s32 $0x4400  }
0x15f: {  	[tilespmem:s24], [sflag:$0x1] =	stream.indirect_vreg.gather [hbm4b:s3+s2], $0x80, v4, vm0, $0xb8;
	[tilespmem:$0x10400] =	vst v63  }
0x160: {  	s28 =	simm.s32 $0x4C00;
	v3 =	vperm.xlane v3, v2  }
0x161: {  	[tilespmem:s28], [sflag:$0x1] =	stream.indirect_vreg.gather [hbm4b:s4+s2], $0x80, v4, vm0, $0xb8;
	[tilespmem:$0x10400] =	vst v63  }
0x162: {  	s30 =	simm.s32 $0x5400;
	v3 =	vadd.s32 v1, v3  }
0x163: {  	[tilespmem:s30], [sflag:$0x1] =	stream.indirect_vreg.gather [hbm4b:s5+s2], $0x80, v4, vm0, $0xb8;
	[tilespmem:$0x10400] =	vst v63  }
0x164: {  	s31 =	simm.s32 $0x5C00  }
0x165: {  	[tilespmem:s31], [sflag:$0x1] =	stream.indirect_vreg.gather [hbm4b:s6+s2], $0x80, v4, vm0, $0xb8;
	[tilespmem:$0x10400] =	vst v63  }
0x166: {  	s14 =	simm.s32 $0x6400  }
0x167: {  	[tilespmem:s14], [sflag:$0x1] =	stream.indirect_vreg.gather [hbm4b:s3+s2], $0x80, v3, vm0, $0xb8;
	[tilespmem:$0x10400] =	vst v63  }
0x168: {  	s16 =	simm.s32 $0x6C00  }
0x169: {  	[tilespmem:s16], [sflag:$0x1] =	stream.indirect_vreg.gather [hbm4b:s4+s2], $0x80, v3, vm0, $0xb8;
	[tilespmem:$0x10400] =	vst v63  }
0x16a: {  	s17 =	simm.s32 $0x7400  }
0x16b: {  	[tilespmem:s17], [sflag:$0x1] =	stream.indirect_vreg.gather [hbm4b:s5+s2], $0x80, v3, vm0, $0xb8;
	[tilespmem:$0x10400] =	vst v63  }
0x16c: {  	s16 =	simm.s32 $0x7C00  }
0x16d: {  	[tilespmem:s16], [sflag:$0x1] =	stream.indirect_vreg.gather [hbm4b:s6+s2], $0x80, v3, vm0, $0xb8;
	[tilespmem:$0x10400] =	vst v63  }
0x16e: {  	s14 =	rddreg [dreg:$0x8]  }
0x16f: {  	[hbm4b:s14+s2] =	stream.linear.scatter [tilespmem:s1], [sflag:$0x4], $0x8000, $0x38;
	[tilespmem:$0x10400] =	vst v63  }
0x170: {  	_ =	swait.ge [sflag:s25], $0x8000  }
0x171: {  	[sflag:s25] =	ssyncset.done $0x0  }
0x172: {  	[sflag:s25] =	ssyncadd.s32 $0xFFFF8000  }
0x173: {  	_ =	swait.ge [sflag:s20], $0x8000  }
0x174: {  	[sflag:s20] =	ssyncset.done $0x0  }
0x175: {  	[sflag:s20] =	ssyncadd.s32 $0xFFFF8000  }
0x176: {  	v3 =	vld [tilespmem:$0x380];
	_ =	sdelay $0x4  }
0x177: {  	v62 =	vshll.u32 v3, $0x3  }
0x178: {  	v3 =	vand.u32 $0x7, v3;
	v4 =	vand.u32 $0xFFFFFFC0, v62  }
0x179: {  	v3 =	vor.u32 v3, v4  }
0x17a: {  	v4 =	vperm.xlane v3, v0;
	_ =	sdelay $0x1  }
0x17b: {  	v4 =	vadd.s32 v1, v4;
	_ =	sdelay $0x4  }
0x17c: {  	[tilespmem:s1], [sflag:$0x2] =	stream.indirect_vreg.gather [hbm4b:s3+s2], $0x80, v4, vm0, $0xb8;
	[tilespmem:$0x10400] =	vst v63  }
0x17d: {  	s17 =	simm.s32 $0x8C00;
	v3 =	vperm.xlane v3, v2  }
0x17e: {  	[tilespmem:s17], [sflag:$0x2] =	stream.indirect_vreg.gather [hbm4b:s4+s2], $0x80, v4, vm0, $0xb8;
	[tilespmem:$0x10400] =	vst v63  }
0x17f: {  	s13 =	simm.s32 $0x9400;
	v3 =	vadd.s32 v1, v3  }
0x180: {  	[tilespmem:s13], [sflag:$0x2] =	stream.indirect_vreg.gather [hbm4b:s5+s2], $0x80, v4, vm0, $0xb8;
	[tilespmem:$0x10400] =	vst v63  }
0x181: {  	s21 =	simm.s32 $0x9C00  }
0x182: {  	[tilespmem:s21], [sflag:$0x2] =	stream.indirect_vreg.gather [hbm4b:s6+s2], $0x80, v4, vm0, $0xb8;
	[tilespmem:$0x10400] =	vst v63  }
0x183: {  	s15 =	simm.s32 $0xA400  }
0x184: {  	[tilespmem:s15], [sflag:$0x2] =	stream.indirect_vreg.gather [hbm4b:s3+s2], $0x80, v3, vm0, $0xb8;
	[tilespmem:$0x10400] =	vst v63  }
0x185: {  	s22 =	simm.s32 $0xAC00  }
0x186: {  	[tilespmem:s22], [sflag:$0x2] =	stream.indirect_vreg.gather [hbm4b:s4+s2], $0x80, v3, vm0, $0xb8;
	[tilespmem:$0x10400] =	vst v63  }
0x187: {  	s26 =	simm.s32 $0xB400  }
0x188: {  	[tilespmem:s26], [sflag:$0x2] =	stream.indirect_vreg.gather [hbm4b:s5+s2], $0x80, v3, vm0, $0xb8;
	[tilespmem:$0x10400] =	vst v63  }
0x189: {  	s23 =	simm.s32 $0xBC00  }
0x18a: {  	[tilespmem:s23], [sflag:$0x2] =	stream.indirect_vreg.gather [hbm4b:s6+s2], $0x80, v3, vm0, $0xb8;
	[tilespmem:$0x10400] =	vst v63  }
0x18b: {  	v3 =	vld [tilespmem:$0x390];
	_ =	sdelay $0x4  }
0x18c: {  	v63 =	vshll.u32 v3, $0x3  }
0x18d: {  	v3 =	vand.u32 $0x7, v3;
	v4 =	vand.u32 $0xFFFFFFC0, v63  }
0x18e: {  	v3 =	vor.u32 v3, v4  }
0x18f: {  	v4 =	vperm.xlane v3, v0;
	_ =	sdelay $0x1  }
0x190: {  	v4 =	vadd.s32 v1, v4;
	_ =	sdelay $0x3  }
0x191: {  	s24 =	simm.s32 $0xC400  }
0x192: {  	[tilespmem:s24], [sflag:$0x2] =	stream.indirect_vreg.gather [hbm4b:s3+s2], $0x80, v4, vm0, $0xb8;
	[tilespmem:$0x10400] =	vst v63  }
0x193: {  	s26 =	simm.s32 $0xCC00;
	v3 =	vperm.xlane v3, v2  }
0x194: {  	[tilespmem:s26], [sflag:$0x2] =	stream.indirect_vreg.gather [hbm4b:s4+s2], $0x80, v4, vm0, $0xb8;
	[tilespmem:$0x10400] =	vst v63  }
0x195: {  	s8 =	simm.s32 $0xD400;
	v3 =	vadd.s32 v1, v3  }
0x196: {  	[tilespmem:s8], [sflag:$0x2] =	stream.indirect_vreg.gather [hbm4b:s5+s2], $0x80, v4, vm0, $0xb8;
	[tilespmem:$0x10400] =	vst v63  }
0x197: {  	s9 =	simm.s32 $0xDC00  }
0x198: {  	[tilespmem:s9], [sflag:$0x2] =	stream.indirect_vreg.gather [hbm4b:s6+s2], $0x80, v4, vm0, $0xb8;
	[tilespmem:$0x10400] =	vst v63  }
0x199: {  	s10 =	simm.s32 $0xE400  }
0x19a: {  	[tilespmem:s10], [sflag:$0x2] =	stream.indirect_vreg.gather [hbm4b:s3+s2], $0x80, v3, vm0, $0xb8;
	[tilespmem:$0x10400] =	vst v63  }
0x19b: {  	s11 =	simm.s32 $0xEC00  }
0x19c: {  	[tilespmem:s11], [sflag:$0x2] =	stream.indirect_vreg.gather [hbm4b:s4+s2], $0x80, v3, vm0, $0xb8;
	[tilespmem:$0x10400] =	vst v63  }
0x19d: {  	s12 =	simm.s32 $0xF400  }
0x19e: {  	[tilespmem:s12], [sflag:$0x2] =	stream.indirect_vreg.gather [hbm4b:s5+s2], $0x80, v3, vm0, $0xb8;
	[tilespmem:$0x10400] =	vst v63  }
0x19f: {  	s30 =	simm.s32 $0xFC00  }
0x1a0: {  	[tilespmem:s30], [sflag:$0x2] =	stream.indirect_vreg.gather [hbm4b:s6+s2], $0x80, v3, vm0, $0xb8;
	[tilespmem:$0x10400] =	vst v63  }
0x1a1: {  	s28 =	rddreg [dreg:$0x9]  }
0x1a2: {  	[hbm4b:s28+s2] =	stream.linear.scatter [tilespmem:s29], [sflag:$0x3], $0x8000, $0x38;
	[tilespmem:$0x10400] =	vst v63  }
0x1a3: {  	_ =	swait.ge [sflag:s18], $0x8000  }
0x1a4: {  	[sflag:s18] =	ssyncset.done $0x0  }
0x1a5: {  	s31 =	rddreg [dreg:$0xa];
	[sflag:s18] =	ssyncadd.s32 $0xFFFF8000  }
0x1a6: {  	[hbm4b:s31+s2] =	stream.linear.scatter [tilespmem:s1], [sflag:$0x4], $0x8000, $0x38;
	[tilespmem:$0x10400] =	vst v63  }
0x1a7: {  	p0 =	sne.s32 s7, $0x1;
	_ =	swait.ge [sflag:s19], $0x8000  }
.Ltmp0:
0x1a8: {  	[sflag:s19] =	ssyncset.done $0x0;
	(pc) =	sbr.rel @p0 .LBB2_1-.Ltmp0, $4  }
0x1a9: {  	[sflag:s19] =	ssyncadd.s32 $0xFFFF8000  }
0x1aa: {  	_ =	swait.ge [sflag:s20], $0x8000  }
0x1ab: {  	[sflag:s20] =	ssyncset.done $0x0  }
0x1ac: {  	s7 =	sadd.s32 $0xFFFFFFFF, s7;
	[sflag:s20] =	ssyncadd.s32 $0xFFFF8000  }
0x1ad: {  	_ =	sfence.sel $0x180000  }
0x1ae: {  	[bflag:$0x0] =	sbarrier.arrive $0xFFFF  }
0x1af: {  	_ =	strace $0x9000004A  }
0x1b0: {  	s0 =	stileid.u32;
	[bflag:$0x2] =	sbarrier.arrive $0xFFFF  }
0x1b1: {  	p0 =	sne.s32 s0, $0x0;
	s0 =	rddreg [dreg:$0x1]  }
0x1b2: {  	s0 =	sadd.s32 @!p0 $0x100000, s0  }
0x1b3: {  	[sflag:s0] =	ssyncadd.tile.s32 @!p0 $0x1;
	_ =	shalt  }
.Lfunc_end2:
_tile_overlayer_lowered:
.L_overlay_start_2:
0x1b4: {  	(tag) =	ssettag $0x2  }
0x1b5: {  	s0 =	rddreg [dreg:$0x0];
	s2 =	stileid.u32  }
0x1b6: {  	s1 =	rddreg [dreg:$0x1];
	p0 =	sne.s32 s2, $0x0  }
0x1b7: {  	s3 =	rddreg [dreg:$0x2];
	[bflag:$0x3] =	sbarrier.arrive $0xFFFF;
	s2 =	simm.s32 @!p0 $0x1C05  }
0x1b8: {  	[timem:s3], [sflag:s2] =	dma.local @!p0 [hbm:s0], s1  }
0x1b9: {  	s0 =	simm.s32 @!p0 $0x5  }
0x1ba: {  	_ =	swait.ge @!p0 [sflag:s0], s1  }
0x1bb: {  	s1 =	ssub.s32 @!p0 $0x0, s1;
	[sflag:s0] =	ssyncset.done @!p0 $0x0  }
0x1bc: {  	[sflag:s0] =	ssyncadd.s32 @!p0 s1  }
0x1bd: {  	[bflag:$0x3] =	sbarrier.arrive $0xFFFF  }
0x1be: {  	_ =	shalt  }

// kernel: kernel.7.cloned.1.call-start
scs
__scs_entry_jumppad:
0x0: {  	(pc) =	sbr.rel $0x88, $3  }
0x1: {  	(tag) =	ssettag $0x0;
	lr =	simm.s32 $0x1  }
0x2: {  	[smem:$0x3F9A] =	sst lr;
	_ =	strace $0xD0000000  }
0x3: {  	_ = 	snop  }
0x4: {  	_ = 	snop  }
0x5: {  	_ = 	snop  }
0x6: {  	_ = 	snop  }
0x7: {  	_ = 	snop  }
__scs_overlays_trampoline_lowered:
0x8: {  	[smem:$0x3FA9] =	sst s0  }
0x9: {  	[smem:$0x3FAA] =	sst s1  }
0xa: {  	[smem:$0x3FAB] =	sst s2  }
0xb: {  	[smem:$0x3FAC] =	sst s3  }
0xc: {  	[smem:$0x3FAD] =	sst s4  }
0xd: {  	[smem:$0x3FAE] =	sst s5  }
0xe: {  	[smem:$0x3FAF] =	sst s6  }
0xf: {  	[smem:$0x3FB0] =	sst s7  }
0x10: {  	[smem:$0x3FB1] =	sst s8  }
0x11: {  	[smem:$0x3FB2] =	sst s9;
	s0 =	simm.s32 @!p0 $0x0  }
0x12: {  	s1 =	sld [smem:$0x3F98];
	s0 =	simm.s32 @p0 $0x1  }
0x13: {  	[smem:$0x3FB3] =	sst s0;
	s0 =	simm.s32 @!p1 $0x0  }
0x14: {  	s2 =	sld [smem:$0x3F97];
	s0 =	simm.s32 @p1 $0x1  }
0x15: {  	[smem:$0x3FB4] =	sst s0;
	s0 =	simm.s32 @!p2 $0x0  }
0x16: {  	s3 =	sld [smem:$0x3FDB];
	s0 =	simm.s32 @p2 $0x1  }
0x17: {  	s4 =	simm.s32 $0x1BF5;
	[smem:$0x3FB6] =	sst s0  }
0x18: {  	s0 =	sld [smem:$0x3F99];
	_ =	swait.ge [sflag:s4], $0x0  }
0x19: {  	s7 =	sld [smem:$0x3F9A]  }
0x1a: {  	s8 =	sadd.s32 $0xFFFFE003, lr  }
0x1b: {  	s9 =	sadd.s32 $0xFFFFFEF7, lr;
	s5 =	simm.s32 $0xFFFFFFFF;
	p2 =	slt.u32 s8, $0xFFFFF086  }
0x1c: {  	p1 =	slt.u32 s9, $0xF7A;
	s5 =	simm.s32 @!p2 $0x0  }
0x1d: {  	s5 =	simm.s32 @p1 $0x1;
	p0 =	seq.s32 s7, s2  }
0x1e: {  	s7 =	smul.u32 @!p0 $0xF7A, s2;
	p2 =	seq.s32 @!p0 s5, $0x0  }
0x1f: {  	s9 =	smul.u32 $0xF7A, s1;
	s8 =	simm.s32 @!p0 $0x1BF5;
	p2 =	por !p2, p0  }
0x20: {  	[sflag:s8] =	ssyncset.s32 @!p0 $0xFFFFF086;
	s6 =	sadd.s32 @!p0 s3, s7;
	s7 =	simm.s32 @!p0 $0x108  }
0x21: {  	s3 =	sadd.s32 s3, s9;
	s6 =	sadd.s32 @!p0 $0x88, s6;
	s7 =	simm.s32 @p2 $0x1082  }
0x22: {  	[simem:s7], [sflag:s8] =	dma.local @!p0 [hbm:s6], $0xF7A  }
0x23: {  	s9 =	sor.u32 $0xD0000000, s2;
	s6 =	simm.s32 $0x108;
	_ =	swait.ge @!p0 [sflag:s8], $0x0  }
0x24: {  	s3 =	sadd.s32 $0x88, s3;
	s6 =	simm.s32 @!p1 $0x1082;
	[sflag:s4] =	ssyncset.s32 $0xFFFFF086  }
0x25: {  	[simem:s6], [sflag:s4] =	dma.local [hbm:s3], $0xF7A  }
0x26: {  	[smem:$0x3F9A] =	sst s1;
	(tag) =	ssettag s2;
	_ =	strace s9  }
0x27: {  	s1 =	sld [smem:$0x3FAA]  }
0x28: {  	s2 =	sld [smem:$0x3FAB]  }
0x29: {  	s4 =	sld [smem:$0x3FAD]  }
0x2a: {  	p0 =	seq.s32 s5, $0x0;
	s5 =	sld [smem:$0x3FAE]  }
0x2b: {  	s6 =	sld [smem:$0x3FAF]  }
0x2c: {  	s7 =	sld [smem:$0x3FB0]  }
0x2d: {  	s3 =	simm.s32 $0x108;
	s8 =	sld [smem:$0x3FB1]  }
0x2e: {  	s3 =	simm.s32 @!p0 $0x1082;
	s9 =	sld [smem:$0x3FB2]  }
0x2f: {  	lr =	sadd.s32 s0, s3;
	s0 =	sld [smem:$0x3FA9]  }
0x30: {  	s3 =	sld [smem:$0x3FAC]  }
0x31: {  	[smem:$0x3FB5] =	sst s10  }
0x32: {  	s10 =	sld [smem:$0x3FB3];
	_ =	sdelay $0x3  }
0x33: {  	p0 =	seq.s32 s10, $0x1;
	s10 =	sld [smem:$0x3FB5];
	_ =	sdelay $0x3  }
0x34: {  	[smem:$0x3FB5] =	sst s10  }
0x35: {  	s10 =	sld [smem:$0x3FB4];
	_ =	sdelay $0x3  }
0x36: {  	p1 =	seq.s32 s10, $0x1;
	s10 =	sld [smem:$0x3FB5];
	_ =	sdelay $0x3  }
0x37: {  	[smem:$0x3FB5] =	sst s10  }
0x38: {  	s10 =	sld [smem:$0x3FB6]  }
0x39: {  	_ = 	snop;
	(pc) =	sbr.ind lr, $3  }
0x3a: {  	_ = 	snop  }
0x3b: {  	_ = 	snop  }
0x3c: {  	p2 =	seq.s32 s10, $0x1;
	s10 =	sld [smem:$0x3FB5]  }
0x3d: {  	_ =	shalt  }
0x3e: {  	_ =	shalt  }
0x3f: {  	_ =	shalt  }
0x40: {  	_ =	shalt  }
0x41: {  	_ =	shalt  }
0x42: {  	_ =	shalt  }
0x43: {  	_ =	shalt  }
0x44: {  	_ =	shalt  }
0x45: {  	_ =	shalt  }
0x46: {  	_ =	shalt  }
0x47: {  	_ =	shalt  }
0x48: {  	_ =	shalt  }
0x49: {  	_ =	shalt  }
0x4a: {  	_ =	shalt  }
0x4b: {  	_ =	shalt  }
0x4c: {  	_ =	shalt  }
0x4d: {  	_ =	shalt  }
0x4e: {  	_ =	shalt  }
0x4f: {  	_ =	shalt  }
0x50: {  	_ =	shalt  }
0x51: {  	_ =	shalt  }
0x52: {  	_ =	shalt  }
0x53: {  	_ =	shalt  }
0x54: {  	_ =	shalt  }
0x55: {  	_ =	shalt  }
0x56: {  	_ =	shalt  }
0x57: {  	_ =	shalt  }
0x58: {  	_ =	shalt  }
0x59: {  	_ =	shalt  }
0x5a: {  	_ =	shalt  }
0x5b: {  	_ =	shalt  }
0x5c: {  	_ =	shalt  }
0x5d: {  	_ =	shalt  }
0x5e: {  	_ =	shalt  }
0x5f: {  	_ =	shalt  }
0x60: {  	_ =	shalt  }
0x61: {  	_ =	shalt  }
0x62: {  	_ =	shalt  }
0x63: {  	_ =	shalt  }
0x64: {  	_ =	shalt  }
0x65: {  	_ =	shalt  }
0x66: {  	_ =	shalt  }
0x67: {  	_ =	shalt  }
0x68: {  	_ =	shalt  }
0x69: {  	_ =	shalt  }
0x6a: {  	_ =	shalt  }
0x6b: {  	_ =	shalt  }
0x6c: {  	_ =	shalt  }
0x6d: {  	_ =	shalt  }
0x6e: {  	_ =	shalt  }
0x6f: {  	_ =	shalt  }
0x70: {  	_ =	shalt  }
0x71: {  	_ =	shalt  }
0x72: {  	_ =	shalt  }
0x73: {  	_ =	shalt  }
0x74: {  	_ =	shalt  }
0x75: {  	_ =	shalt  }
0x76: {  	_ =	shalt  }
0x77: {  	_ =	shalt  }
0x78: {  	_ =	shalt  }
0x79: {  	_ =	shalt  }
0x7a: {  	_ =	shalt  }
0x7b: {  	_ =	shalt  }
0x7c: {  	_ =	shalt  }
0x7d: {  	_ =	shalt  }
0x7e: {  	_ =	shalt  }
0x7f: {  	_ =	shalt  }
0x80: {  	_ =	shalt  }
0x81: {  	_ =	shalt  }
0x82: {  	_ =	shalt  }
0x83: {  	_ =	shalt  }
0x84: {  	_ =	shalt  }
0x85: {  	_ =	shalt  }
0x86: {  	_ =	shalt  }
0x87: {  	_ =	shalt  }
.Lfunc_end0:
.L_simem_size_0:
called_computation_lowered:
.L_overlay_start_0:
0x88: {  	s2 =	sld [smem:$0x3FD9]  }
0x89: {  	s3 =	sld [smem:$0x3FFE];
	_ =	sdelay $0x1  }
0x8a: {  	s1 =	srdreg.scid  }
0x8b: {  	s0 =	sand.u32 $0x1, s1  }
0x8c: {  	s17 =	sshll.u32 s0, $0xA;
	s2 =	sadd.s32 s3, s2  }
0x8d: {  	s2 =	sadd.s32 s2, s17  }
0x8e: {  	[smem:$0x3FC1] =	sst s2  }
0x8f: {  	_ = 	snop  }
0x90: {  	s2 =	sld [smem:$0x3FC9];
	(tm) =	ssettm $0x1  }
0x91: {  	s18 =	sld [smem:$0x3FFB];
	_ =	sdelay $0x3  }
0x92: {  	_ =	strace s18  }
0x93: {  	s3 =	sld [smem:$0x3FFC];
	_ =	sdelay $0x3  }
0x94: {  	_ =	strace s3  }
0x95: {  	s3 =	sld [smem:$0x3FFD];
	_ =	sdelay $0x3  }
0x96: {  	_ =	strace s3  }
0x97: {  	_ =	strace $0x8FFFFFFF  }
0x98: {  	s19 =	sld [smem:$0x3FDB];
	_ =	sdelay $0x1  }
0x99: {  	s4 =	simm.s32 $_scs_section_size  }
0x9a: {  	s5 =	simm.s32 $_size__tile_overlayer_lowered;
	s6 =	simm.s32 $_tile_overlayer_lowered  }
0x9b: {  	s22 =	simm.s32 $0x1BFF;
	s21 =	sshll.u32 s6, $0x1;
	s3 =	sadd.s32 s4, s19  }
0x9c: {  	s7 =	simm.s32 $0x0;
	s20 =	sshll.u32 s5, $0x1;
	s5 =	sadd.s32 s21, s3  }
0x9d: {  	[timem:s7], [sflag:s22] =	dma.local [hbm:s5], s20  }
0x9e: {  	_ =	swait.ge [sflag:s22], s20  }
0x9f: {  	s4 =	ssub.s32 $0x0, s20;
	[sflag:s22] =	ssyncset.done $0x0  }
0xa0: {  	[sflag:s22] =	ssyncadd.s32 s4;
	_ =	sdelay $0x1  }
0xa1: {  	s23 =	simm.s32 $0x1B8B  }
0xa2: {  	_ =	swait.ge [sflag:s23], $0x1  }
0xa3: {  	[sflag:s23] =	ssyncset.done $0x0  }
0xa4: {  	s25 =	simm.s32 $0x1B8E;
	s24 =	sld [smem:$0x3FFE];
	[sflag:s23] =	ssyncadd.s32 $0xFFFFFFFF  }
0xa5: {  	s26 =	simm.s32 $execute0_lowered;
	[smem:$0x3FD2] =	sst s25  }
0xa6: {  	s5 =	sshll.u32 s26, $0x1;
	_ =	strace $0x80000046;
	[dreg:$0x1] =	wrdreg $0xFFFFFFFF  }
0xa7: {  	s28 =	simm.s32 $_size_execute0_lowered;
	s3 =	sadd.s32 s3, s5;
	[dreg:$0x0] =	wrdreg $0x0  }
0xa8: {  	s5 =	sshll.u32 s28, $0x1;
	[dreg:$0x2] =	wrdreg s3  }
0xa9: {  	[dreg:$0x3] =	wrdreg s5  }
0xaa: {  	[dreg:$0x4] =	wrdreg $0xC0  }
0xab: {  	_ =	task [dreg:s7], $0x5FFFF  }
0xac: {  	[dreg:$0x1] =	wrdreg $0xFFFFFFFF  }
0xad: {  	[dreg:$0x0] =	wrdreg $0x60  }
0xae: {  	[dreg:$0x2] =	wrdreg s2  }
0xaf: {  	[dreg:$0x3] =	wrdreg s24  }
0xb0: {  	[dreg:$0x4] =	wrdreg $0x9  }
0xb1: {  	_ =	task.clear_ibuf [dreg:s7], $0x5FFFF;
	_ =	strace $0x90000046  }
0xb2: {  	s29 =	simm.s32 $0x9;
	_ =	strace $0x80000048  }
0xb3: {  	_ =	swait.ge [sflag:s29], $0x1  }
0xb4: {  	[sflag:s29] =	ssyncadd.s32 $0xFFFFFFFF  }
0xb5: {  	_ =	strace $0x90000048  }
0xb6: {  	_ =	sfence  }
0xb7: {  	s30 =	sld [smem:$0x0];
	_ =	sdelay $0x2  }
0xb8: {  	s31 =	sshll.u32 s1, $0xD;
	s1 =	sshrl.u32 s1, $0x2  }
0xb9: {  	s3 =	sand.u32 $0x4000, s31;
	s1 =	sadd.s32 s1, s30  }
0xba: {  	s0 =	sor.u32 s3, s0;
	s1 =	sshll.u32 s1, $0x11  }
0xbb: {  	s0 =	sor.u32 s1, s0  }
0xbc: {  	s0 =	sadd.s32 $0x8F2B, s0  }
0xbd: {  	[sflag:s0] =	ssyncadd.remote.s32 $0x1  }
0xbe: {  	_ =	sfence.sel $0xFFFF  }
0xbf: {  	[dreg:$0x0] =	wrdreg $0xFFFFFFFF;
	(pc) =	sbr.abs _section_cstart, $3  }
0xc0: {  	[dreg:$0x1] =	wrdreg $0xFFFFFFFF  }
0xc1: {  	_ =	task.clear_ibuf [dreg:s7], $0x2FFFF;
	_ =	strace $0x9FFFFFFF  }
0xc2: {  	(tm) =	ssettm $0x7FFFFFFF  }
0xc3: {  	_ =	shalt  }
tec
execute0_lowered:
.L_overlay_start_1:
0x0: {  	(tag) =	ssettag $0x1  }
0x1: {  	s0 =	rddreg [dreg:$0x0]  }
0x2: {  	s1 =	srdreg.scid;
	s2 =	stileid.u32  }
0x3: {  	s3 =	rddreg [dreg:$0x1];
	s1 =	sand.u32 $0x1, s1;
	s2 =	sshll.u32 s2, $0x1  }
0x4: {  	s11 =	simm.s32 $0x1;
	s29 =	simm.s32 $0x2;
	s4 =	sor.u32 s1, s2  }
0x5: {  	s30 =	simm.s32 $0x3;
	s10 =	simm.s32 $0x8400;
	s5 =	sshll.u32 s4, $0x7  }
0x6: {  	s2 =	simm.s32 $0x0;
	s4 =	sshll.u32 s4, $0xF;
	s5 =	sadd.s32 s5, s3  }
0x7: {  	[smem:$0x7FF] =	sst s2;
	s4 =	sand.u32 $0x78000, s4;
	s5 =	sadd.s32 $0x1400, s5  }
0x8: {  	_ =	strace $0x80000047;
	s8 =	sadd.s32 s0, s4;
	[dreg:$0x3] =	wrdreg s5  }
0x9: {  	s6 =	sadd.s32 $0x2600, s3;
	s0 =	sadd.s32 $0x1000, s8;
	[dreg:$0xb] =	wrdreg s8  }
0xa: {  	s7 =	sadd.s32 $0x2700, s3;
	s22 =	sadd.s32 $0x2000, s8;
	[dreg:$0x4] =	wrdreg s0  }
0xb: {  	s1 =	ssub.s32 $0x2, s1;
	s24 =	sadd.s32 $0x3000, s8;
	[dreg:$0x5] =	wrdreg s22  }
0xc: {  	s23 =	sshrl.u32 s1, $0x1;
	s25 =	sadd.s32 $0x4000, s8;
	[dreg:$0x6] =	wrdreg s24  }
0xd: {  	s1 =	ssub.s32 s1, s23;
	s26 =	sadd.s32 $0x5000, s8;
	[dreg:$0x7] =	wrdreg s25  }
0xe: {  	v2 =	vlaneseq.u32;
	s23 =	simm.s32 $0x4;
	s28 =	sadd.s32 $0x6000, s8;
	[dreg:$0x8] =	wrdreg s26  }
0xf: {  	vm0 =	vmmov $0xffff;
	v1 =	vshrl.u32 v2, $0x3;
	s4 =	sadd.s32 $0x2400, s3;
	s31 =	sadd.s32 $0x7000, s8;
	[dreg:$0x9] =	wrdreg s28  }
0x10: {  	v0 =	vand.u32 $0x7, v2;
	v2 =	vor.u32 $0x8, v2;
	v1 =	vmul.u32 $0x8, v1;
	s5 =	sadd.s32 $0x2500, s3;
	s8 =	smax.u32 s1, $0x1;
	[dreg:$0xa] =	wrdreg s31  }
.LBB2_1:
0x11: {  	s24 =	rddreg [dreg:$0x3];
	s16 =	simm.s32 $0x5  }
0x12: {  	[tilespmem:s2], [sflag:$0x5] =	stream.linear.gather [hbm4b:s24+s2], $0x400, $0x38;
	[tilespmem:$0x10400] =	vst v63  }
0x13: {  	_ =	swait.ge [sflag:s16], $0x400  }
0x14: {  	[sflag:s16] =	ssyncset.done $0x0  }
0x15: {  	s12 =	simm.s32 $0x400;
	s17 =	rddreg [dreg:$0xb];
	[sflag:s16] =	ssyncadd.s32 $0xFFFFFC00  }
0x16: {  	[tilespmem:s12], [sflag:$0x1] =	stream.linear.gather [hbm4b:s17+s2], $0x8000, $0x38;
	[tilespmem:$0x10400] =	vst v63  }
0x17: {  	_ =	swait.ge [sflag:s11], $0x8000  }
0x18: {  	[sflag:s11] =	ssyncset.done $0x0  }
0x19: {  	s18 =	rddreg [dreg:$0x4];
	[sflag:s11] =	ssyncadd.s32 $0xFFFF8000  }
0x1a: {  	[tilespmem:s10], [sflag:$0x2] =	stream.linear.gather [hbm4b:s18+s2], $0x8000, $0x38;
	[tilespmem:$0x10400] =	vst v63  }
0x1b: {  	v3 =	vld [tilespmem:$0x0];
	_ =	sdelay $0x4  }
0x1c: {  	v4 =	vshll.u32 v3, $0x3  }
0x1d: {  	v3 =	vand.u32 $0x7, v3;
	v4 =	vand.u32 $0xFFFFFFC0, v4  }
0x1e: {  	v3 =	vor.u32 v3, v4  }
0x1f: {  	v4 =	vperm.xlane v3, v0;
	_ =	sdelay $0x1  }
0x20: {  	v4 =	vadd.s32 v1, v4;
	_ =	sdelay $0x4  }
0x21: {  	[hbm4b:s4+s2] =	stream.indirect_vreg.scatter [tilespmem:s12], [sflag:$0x3], $0x80, v4, vm0, $0xb8;
	[tilespmem:$0x10400] =	vst v63  }
0x22: {  	s0 =	simm.s32 $0xC00;
	v3 =	vperm.xlane v3, v2  }
0x23: {  	[hbm4b:s5+s2] =	stream.indirect_vreg.scatter [tilespmem:s0], [sflag:$0x3], $0x80, v4, vm0, $0xb8;
	[tilespmem:$0x10400] =	vst v63  }
0x24: {  	s19 =	simm.s32 $0x1400;
	v3 =	vadd.s32 v1, v3  }
0x25: {  	[hbm4b:s6+s2] =	stream.indirect_vreg.scatter [tilespmem:s19], [sflag:$0x3], $0x80, v4, vm0, $0xb8;
	[tilespmem:$0x10400] =	vst v63  }
0x26: {  	s20 =	simm.s32 $0x1C00  }
0x27: {  	[hbm4b:s7+s2] =	stream.indirect_vreg.scatter [tilespmem:s20], [sflag:$0x3], $0x80, v4, vm0, $0xb8;
	[tilespmem:$0x10400] =	vst v63  }
0x28: {  	s21 =	simm.s32 $0x2400  }
0x29: {  	[hbm4b:s4+s2] =	stream.indirect_vreg.scatter [tilespmem:s21], [sflag:$0x3], $0x80, v3, vm0, $0xb8;
	[tilespmem:$0x10400] =	vst v63  }
0x2a: {  	s22 =	simm.s32 $0x2C00  }
0x2b: {  	[hbm4b:s5+s2] =	stream.indirect_vreg.scatter [tilespmem:s22], [sflag:$0x3], $0x80, v3, vm0, $0xb8;
	[tilespmem:$0x10400] =	vst v63  }
0x2c: {  	s24 =	simm.s32 $0x3400  }
0x2d: {  	[hbm4b:s6+s2] =	stream.indirect_vreg.scatter [tilespmem:s24], [sflag:$0x3], $0x80, v3, vm0, $0xb8;
	[tilespmem:$0x10400] =	vst v63  }
0x2e: {  	s25 =	simm.s32 $0x3C00  }
0x2f: {  	[hbm4b:s7+s2] =	stream.indirect_vreg.scatter [tilespmem:s25], [sflag:$0x3], $0x80, v3, vm0, $0xb8;
	[tilespmem:$0x10400] =	vst v63  }
0x30: {  	v3 =	vld [tilespmem:$0x10];
	_ =	sdelay $0x4  }
0x31: {  	v49 =	vshll.u32 v3, $0x3  }
0x32: {  	v3 =	vand.u32 $0x7, v3;
	v4 =	vand.u32 $0xFFFFFFC0, v49  }
0x33: {  	v3 =	vor.u32 v3, v4  }
0x34: {  	v4 =	vperm.xlane v3, v0;
	_ =	sdelay $0x1  }
0x35: {  	v4 =	vadd.s32 v1, v4;
	_ =	sdelay $0x3  }
0x36: {  	s26 =	simm.s32 $0x4400  }
0x37: {  	[hbm4b:s4+s2] =	stream.indirect_vreg.scatter [tilespmem:s26], [sflag:$0x3], $0x80, v4, vm0, $0xb8;
	[tilespmem:$0x10400] =	vst v63  }
0x38: {  	s28 =	simm.s32 $0x4C00;
	v3 =	vperm.xlane v3, v2  }
0x39: {  	[hbm4b:s5+s2] =	stream.indirect_vreg.scatter [tilespmem:s28], [sflag:$0x3], $0x80, v4, vm0, $0xb8;
	[tilespmem:$0x10400] =	vst v63  }
0x3a: {  	s31 =	simm.s32 $0x5400;
	v3 =	vadd.s32 v1, v3  }
0x3b: {  	[hbm4b:s6+s2] =	stream.indirect_vreg.scatter [tilespmem:s31], [sflag:$0x3], $0x80, v4, vm0, $0xb8;
	[tilespmem:$0x10400] =	vst v63  }
0x3c: {  	s16 =	simm.s32 $0x5C00  }
0x3d: {  	[hbm4b:s7+s2] =	stream.indirect_vreg.scatter [tilespmem:s16], [sflag:$0x3], $0x80, v4, vm0, $0xb8;
	[tilespmem:$0x10400] =	vst v63  }
0x3e: {  	s17 =	simm.s32 $0x6400  }
0x3f: {  	[hbm4b:s4+s2] =	stream.indirect_vreg.scatter [tilespmem:s17], [sflag:$0x3], $0x80, v3, vm0, $0xb8;
	[tilespmem:$0x10400] =	vst v63  }
0x40: {  	s18 =	simm.s32 $0x6C00  }
0x41: {  	[hbm4b:s5+s2] =	stream.indirect_vreg.scatter [tilespmem:s18], [sflag:$0x3], $0x80, v3, vm0, $0xb8;
	[tilespmem:$0x10400] =	vst v63  }
0x42: {  	s19 =	simm.s32 $0x7400  }
0x43: {  	[hbm4b:s6+s2] =	stream.indirect_vreg.scatter [tilespmem:s19], [sflag:$0x3], $0x80, v3, vm0, $0xb8;
	[tilespmem:$0x10400] =	vst v63  }
0x44: {  	s20 =	simm.s32 $0x7C00  }
0x45: {  	[hbm4b:s7+s2] =	stream.indirect_vreg.scatter [tilespmem:s20], [sflag:$0x3], $0x80, v3, vm0, $0xb8;
	[tilespmem:$0x10400] =	vst v63  }
0x46: {  	_ =	swait.ge [sflag:s29], $0x8000  }
0x47: {  	[sflag:s29] =	ssyncset.done $0x0  }
0x48: {  	[sflag:s29] =	ssyncadd.s32 $0xFFFF8000  }
0x49: {  	_ =	swait.ge [sflag:s30], $0x8000  }
0x4a: {  	[sflag:s30] =	ssyncset.done $0x0  }
0x4b: {  	s21 =	rddreg [dreg:$0x5];
	[sflag:s30] =	ssyncadd.s32 $0xFFFF8000  }
0x4c: {  	[tilespmem:s12], [sflag:$0x1] =	stream.linear.gather [hbm4b:s21+s2], $0x8000, $0x38;
	[tilespmem:$0x10400] =	vst v63  }
0x4d: {  	v3 =	vld [tilespmem:$0x80];
	_ =	sdelay $0x4  }
0x4e: {  	v50 =	vshll.u32 v3, $0x3  }
0x4f: {  	v3 =	vand.u32 $0x7, v3;
	v4 =	vand.u32 $0xFFFFFFC0, v50  }
0x50: {  	v3 =	vor.u32 v3, v4  }
0x51: {  	v4 =	vperm.xlane v3, v0;
	_ =	sdelay $0x1  }
0x52: {  	v4 =	vadd.s32 v1, v4;
	_ =	sdelay $0x4  }
0x53: {  	[hbm4b:s4+s2] =	stream.indirect_vreg.scatter [tilespmem:s10], [sflag:$0x4], $0x80, v4, vm0, $0xb8;
	[tilespmem:$0x10400] =	vst v63  }
0x54: {  	s22 =	simm.s32 $0x8C00;
	v3 =	vperm.xlane v3, v2  }
0x55: {  	[hbm4b:s5+s2] =	stream.indirect_vreg.scatter [tilespmem:s22], [sflag:$0x4], $0x80, v4, vm0, $0xb8;
	[tilespmem:$0x10400] =	vst v63  }
0x56: {  	s24 =	simm.s32 $0x9400;
	v3 =	vadd.s32 v1, v3  }
0x57: {  	[hbm4b:s6+s2] =	stream.indirect_vreg.scatter [tilespmem:s24], [sflag:$0x4], $0x80, v4, vm0, $0xb8;
	[tilespmem:$0x10400] =	vst v63  }
0x58: {  	s25 =	simm.s32 $0x9C00  }
0x59: {  	[hbm4b:s7+s2] =	stream.indirect_vreg.scatter [tilespmem:s25], [sflag:$0x4], $0x80, v4, vm0, $0xb8;
	[tilespmem:$0x10400] =	vst v63  }
0x5a: {  	s26 =	simm.s32 $0xA400  }
0x5b: {  	[hbm4b:s4+s2] =	stream.indirect_vreg.scatter [tilespmem:s26], [sflag:$0x4], $0x80, v3, vm0, $0xb8;
	[tilespmem:$0x10400] =	vst v63  }
0x5c: {  	s28 =	simm.s32 $0xAC00  }
0x5d: {  	[hbm4b:s5+s2] =	stream.indirect_vreg.scatter [tilespmem:s28], [sflag:$0x4], $0x80, v3, vm0, $0xb8;
	[tilespmem:$0x10400] =	vst v63  }
0x5e: {  	s31 =	simm.s32 $0xB400  }
0x5f: {  	[hbm4b:s6+s2] =	stream.indirect_vreg.scatter [tilespmem:s31], [sflag:$0x4], $0x80, v3, vm0, $0xb8;
	[tilespmem:$0x10400] =	vst v63  }
0x60: {  	s18 =	simm.s32 $0xBC00  }
0x61: {  	[hbm4b:s7+s2] =	stream.indirect_vreg.scatter [tilespmem:s18], [sflag:$0x4], $0x80, v3, vm0, $0xb8;
	[tilespmem:$0x10400] =	vst v63  }
0x62: {  	v3 =	vld [tilespmem:$0x90];
	_ =	sdelay $0x4  }
0x63: {  	v51 =	vshll.u32 v3, $0x3  }
0x64: {  	v3 =	vand.u32 $0x7, v3;
	v4 =	vand.u32 $0xFFFFFFC0, v51  }
0x65: {  	v3 =	vor.u32 v3, v4  }
0x66: {  	v4 =	vperm.xlane v3, v0;
	_ =	sdelay $0x1  }
0x67: {  	v4 =	vadd.s32 v1, v4;
	_ =	sdelay $0x3  }
0x68: {  	s19 =	simm.s32 $0xC400  }
0x69: {  	[hbm4b:s4+s2] =	stream.indirect_vreg.scatter [tilespmem:s19], [sflag:$0x4], $0x80, v4, vm0, $0xb8;
	[tilespmem:$0x10400] =	vst v63  }
0x6a: {  	s21 =	simm.s32 $0xCC00;
	v3 =	vperm.xlane v3, v2  }
0x6b: {  	[hbm4b:s5+s2] =	stream.indirect_vreg.scatter [tilespmem:s21], [sflag:$0x4], $0x80, v4, vm0, $0xb8;
	[tilespmem:$0x10400] =	vst v63  }
0x6c: {  	s22 =	simm.s32 $0xD400;
	v3 =	vadd.s32 v1, v3  }
0x6d: {  	[hbm4b:s6+s2] =	stream.indirect_vreg.scatter [tilespmem:s22], [sflag:$0x4], $0x80, v4, vm0, $0xb8;
	[tilespmem:$0x10400] =	vst v63  }
0x6e: {  	s24 =	simm.s32 $0xDC00  }
0x6f: {  	[hbm4b:s7+s2] =	stream.indirect_vreg.scatter [tilespmem:s24], [sflag:$0x4], $0x80, v4, vm0, $0xb8;
	[tilespmem:$0x10400] =	vst v63  }
0x70: {  	s25 =	simm.s32 $0xE400  }
0x71: {  	[hbm4b:s4+s2] =	stream.indirect_vreg.scatter [tilespmem:s25], [sflag:$0x4], $0x80, v3, vm0, $0xb8;
	[tilespmem:$0x10400] =	vst v63  }
0x72: {  	s26 =	simm.s32 $0xEC00  }
0x73: {  	[hbm4b:s5+s2] =	stream.indirect_vreg.scatter [tilespmem:s26], [sflag:$0x4], $0x80, v3, vm0, $0xb8;
	[tilespmem:$0x10400] =	vst v63  }
0x74: {  	s28 =	simm.s32 $0xF400  }
0x75: {  	[hbm4b:s6+s2] =	stream.indirect_vreg.scatter [tilespmem:s28], [sflag:$0x4], $0x80, v3, vm0, $0xb8;
	[tilespmem:$0x10400] =	vst v63  }
0x76: {  	s31 =	simm.s32 $0xFC00  }
0x77: {  	[hbm4b:s7+s2] =	stream.indirect_vreg.scatter [tilespmem:s31], [sflag:$0x4], $0x80, v3, vm0, $0xb8;
	[tilespmem:$0x10400] =	vst v63  }
0x78: {  	_ =	swait.ge [sflag:s11], $0x8000  }
0x79: {  	[sflag:s11] =	ssyncset.done $0x0  }
0x7a: {  	[sflag:s11] =	ssyncadd.s32 $0xFFFF8000  }
0x7b: {  	_ =	swait.ge [sflag:s23], $0x8000  }
0x7c: {  	[sflag:s23] =	ssyncset.done $0x0  }
0x7d: {  	s0 =	rddreg [dreg:$0x6];
	[sflag:s23] =	ssyncadd.s32 $0xFFFF8000  }
0x7e: {  	[tilespmem:s10], [sflag:$0x2] =	stream.linear.gather [hbm4b:s0+s2], $0x8000, $0x38;
	[tilespmem:$0x10400] =	vst v63  }
0x7f: {  	v3 =	vld [tilespmem:$0x100];
	_ =	sdelay $0x4  }
0x80: {  	v52 =	vshll.u32 v3, $0x3  }
0x81: {  	v3 =	vand.u32 $0x7, v3;
	v4 =	vand.u32 $0xFFFFFFC0, v52  }
0x82: {  	v3 =	vor.u32 v3, v4  }
0x83: {  	v4 =	vperm.xlane v3, v0;
	_ =	sdelay $0x1  }
0x84: {  	v4 =	vadd.s32 v1, v4;
	_ =	sdelay $0x4  }
0x85: {  	[hbm4b:s4+s2] =	stream.indirect_vreg.scatter [tilespmem:s12], [sflag:$0x3], $0x80, v4, vm0, $0xb8;
	[tilespmem:$0x10400] =	vst v63  }
0x86: {  	s9 =	simm.s32 $0xC00;
	v3 =	vperm.xlane v3, v2  }
0x87: {  	[hbm4b:s5+s2] =	stream.indirect_vreg.scatter [tilespmem:s9], [sflag:$0x3], $0x80, v4, vm0, $0xb8;
	[tilespmem:$0x10400] =	vst v63  }
0x88: {  	s15 =	simm.s32 $0x1400;
	v3 =	vadd.s32 v1, v3  }
0x89: {  	[hbm4b:s6+s2] =	stream.indirect_vreg.scatter [tilespmem:s15], [sflag:$0x3], $0x80, v4, vm0, $0xb8;
	[tilespmem:$0x10400] =	vst v63  }
0x8a: {  	s1 =	simm.s32 $0x1C00  }
0x8b: {  	[hbm4b:s7+s2] =	stream.indirect_vreg.scatter [tilespmem:s1], [sflag:$0x3], $0x80, v4, vm0, $0xb8;
	[tilespmem:$0x10400] =	vst v63  }
0x8c: {  	s3 =	simm.s32 $0x2400  }
0x8d: {  	[hbm4b:s4+s2] =	stream.indirect_vreg.scatter [tilespmem:s3], [sflag:$0x3], $0x80, v3, vm0, $0xb8;
	[tilespmem:$0x10400] =	vst v63  }
0x8e: {  	s0 =	simm.s32 $0x2C00  }
0x8f: {  	[hbm4b:s5+s2] =	stream.indirect_vreg.scatter [tilespmem:s0], [sflag:$0x3], $0x80, v3, vm0, $0xb8;
	[tilespmem:$0x10400] =	vst v63  }
0x90: {  	s26 =	simm.s32 $0x3400  }
0x91: {  	[hbm4b:s6+s2] =	stream.indirect_vreg.scatter [tilespmem:s26], [sflag:$0x3], $0x80, v3, vm0, $0xb8;
	[tilespmem:$0x10400] =	vst v63  }
0x92: {  	s13 =	simm.s32 $0x3C00  }
0x93: {  	[hbm4b:s7+s2] =	stream.indirect_vreg.scatter [tilespmem:s13], [sflag:$0x3], $0x80, v3, vm0, $0xb8;
	[tilespmem:$0x10400] =	vst v63  }
0x94: {  	v3 =	vld [tilespmem:$0x110];
	_ =	sdelay $0x4  }
0x95: {  	v53 =	vshll.u32 v3, $0x3  }
0x96: {  	v3 =	vand.u32 $0x7, v3;
	v4 =	vand.u32 $0xFFFFFFC0, v53  }
0x97: {  	v3 =	vor.u32 v3, v4  }
0x98: {  	v4 =	vperm.xlane v3, v0;
	_ =	sdelay $0x1  }
0x99: {  	v4 =	vadd.s32 v1, v4;
	_ =	sdelay $0x3  }
0x9a: {  	s14 =	simm.s32 $0x4400  }
0x9b: {  	[hbm4b:s4+s2] =	stream.indirect_vreg.scatter [tilespmem:s14], [sflag:$0x3], $0x80, v4, vm0, $0xb8;
	[tilespmem:$0x10400] =	vst v63  }
0x9c: {  	s15 =	simm.s32 $0x4C00;
	v3 =	vperm.xlane v3, v2  }
0x9d: {  	[hbm4b:s5+s2] =	stream.indirect_vreg.scatter [tilespmem:s15], [sflag:$0x3], $0x80, v4, vm0, $0xb8;
	[tilespmem:$0x10400] =	vst v63  }
0x9e: {  	s1 =	simm.s32 $0x5400;
	v3 =	vadd.s32 v1, v3  }
0x9f: {  	[hbm4b:s6+s2] =	stream.indirect_vreg.scatter [tilespmem:s1], [sflag:$0x3], $0x80, v4, vm0, $0xb8;
	[tilespmem:$0x10400] =	vst v63  }
0xa0: {  	s3 =	simm.s32 $0x5C00  }
0xa1: {  	[hbm4b:s7+s2] =	stream.indirect_vreg.scatter [tilespmem:s3], [sflag:$0x3], $0x80, v4, vm0, $0xb8;
	[tilespmem:$0x10400] =	vst v63  }
0xa2: {  	s9 =	simm.s32 $0x6400  }
0xa3: {  	[hbm4b:s4+s2] =	stream.indirect_vreg.scatter [tilespmem:s9], [sflag:$0x3], $0x80, v3, vm0, $0xb8;
	[tilespmem:$0x10400] =	vst v63  }
0xa4: {  	s13 =	simm.s32 $0x6C00  }
0xa5: {  	[hbm4b:s5+s2] =	stream.indirect_vreg.scatter [tilespmem:s13], [sflag:$0x3], $0x80, v3, vm0, $0xb8;
	[tilespmem:$0x10400] =	vst v63  }
0xa6: {  	s14 =	simm.s32 $0x7400  }
0xa7: {  	[hbm4b:s6+s2] =	stream.indirect_vreg.scatter [tilespmem:s14], [sflag:$0x3], $0x80, v3, vm0, $0xb8;
	[tilespmem:$0x10400] =	vst v63  }
0xa8: {  	s17 =	simm.s32 $0x7C00  }
0xa9: {  	[hbm4b:s7+s2] =	stream.indirect_vreg.scatter [tilespmem:s17], [sflag:$0x3], $0x80, v3, vm0, $0xb8;
	[tilespmem:$0x10400] =	vst v63  }
0xaa: {  	_ =	swait.ge [sflag:s29], $0x8000  }
0xab: {  	[sflag:s29] =	ssyncset.done $0x0  }
0xac: {  	[sflag:s29] =	ssyncadd.s32 $0xFFFF8000  }
0xad: {  	_ =	swait.ge [sflag:s30], $0x8000  }
0xae: {  	[sflag:s30] =	ssyncset.done $0x0  }
0xaf: {  	s17 =	rddreg [dreg:$0x7];
	[sflag:s30] =	ssyncadd.s32 $0xFFFF8000  }
0xb0: {  	[tilespmem:s12], [sflag:$0x1] =	stream.linear.gather [hbm4b:s17+s2], $0x8000, $0x38;
	[tilespmem:$0x10400] =	vst v63  }
0xb1: {  	v3 =	vld [tilespmem:$0x180];
	_ =	sdelay $0x4  }
0xb2: {  	v54 =	vshll.u32 v3, $0x3  }
0xb3: {  	v3 =	vand.u32 $0x7, v3;
	v4 =	vand.u32 $0xFFFFFFC0, v54  }
0xb4: {  	v3 =	vor.u32 v3, v4  }
0xb5: {  	v4 =	vperm.xlane v3, v0;
	_ =	sdelay $0x1  }
0xb6: {  	v4 =	vadd.s32 v1, v4;
	_ =	sdelay $0x4  }
0xb7: {  	[hbm4b:s4+s2] =	stream.indirect_vreg.scatter [tilespmem:s10], [sflag:$0x4], $0x80, v4, vm0, $0xb8;
	[tilespmem:$0x10400] =	vst v63  }
0xb8: {  	s22 =	simm.s32 $0x8C00;
	v3 =	vperm.xlane v3, v2  }
0xb9: {  	[hbm4b:s5+s2] =	stream.indirect_vreg.scatter [tilespmem:s22], [sflag:$0x4], $0x80, v4, vm0, $0xb8;
	[tilespmem:$0x10400] =	vst v63  }
0xba: {  	s16 =	simm.s32 $0x9400;
	v3 =	vadd.s32 v1, v3  }
0xbb: {  	[hbm4b:s6+s2] =	stream.indirect_vreg.scatter [tilespmem:s16], [sflag:$0x4], $0x80, v4, vm0, $0xb8;
	[tilespmem:$0x10400] =	vst v63  }
0xbc: {  	s20 =	simm.s32 $0x9C00  }
0xbd: {  	[hbm4b:s7+s2] =	stream.indirect_vreg.scatter [tilespmem:s20], [sflag:$0x4], $0x80, v4, vm0, $0xb8;
	[tilespmem:$0x10400] =	vst v63  }
0xbe: {  	s25 =	simm.s32 $0xA400  }
0xbf: {  	[hbm4b:s4+s2] =	stream.indirect_vreg.scatter [tilespmem:s25], [sflag:$0x4], $0x80, v3, vm0, $0xb8;
	[tilespmem:$0x10400] =	vst v63  }
0xc0: {  	s28 =	simm.s32 $0xAC00  }
0xc1: {  	[hbm4b:s5+s2] =	stream.indirect_vreg.scatter [tilespmem:s28], [sflag:$0x4], $0x80, v3, vm0, $0xb8;
	[tilespmem:$0x10400] =	vst v63  }
0xc2: {  	s31 =	simm.s32 $0xB400  }
0xc3: {  	[hbm4b:s6+s2] =	stream.indirect_vreg.scatter [tilespmem:s31], [sflag:$0x4], $0x80, v3, vm0, $0xb8;
	[tilespmem:$0x10400] =	vst v63  }
0xc4: {  	s18 =	simm.s32 $0xBC00  }
0xc5: {  	[hbm4b:s7+s2] =	stream.indirect_vreg.scatter [tilespmem:s18], [sflag:$0x4], $0x80, v3, vm0, $0xb8;
	[tilespmem:$0x10400] =	vst v63  }
0xc6: {  	v3 =	vld [tilespmem:$0x190];
	_ =	sdelay $0x4  }
0xc7: {  	v55 =	vshll.u32 v3, $0x3  }
0xc8: {  	v3 =	vand.u32 $0x7, v3;
	v4 =	vand.u32 $0xFFFFFFC0, v55  }
0xc9: {  	v3 =	vor.u32 v3, v4  }
0xca: {  	v4 =	vperm.xlane v3, v0;
	_ =	sdelay $0x1  }
0xcb: {  	v4 =	vadd.s32 v1, v4;
	_ =	sdelay $0x3  }
0xcc: {  	s19 =	simm.s32 $0xC400  }
0xcd: {  	[hbm4b:s4+s2] =	stream.indirect_vreg.scatter [tilespmem:s19], [sflag:$0x4], $0x80, v4, vm0, $0xb8;
	[tilespmem:$0x10400] =	vst v63  }
0xce: {  	s20 =	simm.s32 $0xCC00;
	v3 =	vperm.xlane v3, v2  }
0xcf: {  	[hbm4b:s5+s2] =	stream.indirect_vreg.scatter [tilespmem:s20], [sflag:$0x4], $0x80, v4, vm0, $0xb8;
	[tilespmem:$0x10400] =	vst v63  }
0xd0: {  	s17 =	simm.s32 $0xD400;
	v3 =	vadd.s32 v1, v3  }
0xd1: {  	[hbm4b:s6+s2] =	stream.indirect_vreg.scatter [tilespmem:s17], [sflag:$0x4], $0x80, v4, vm0, $0xb8;
	[tilespmem:$0x10400] =	vst v63  }
0xd2: {  	s16 =	simm.s32 $0xDC00  }
0xd3: {  	[hbm4b:s7+s2] =	stream.indirect_vreg.scatter [tilespmem:s16], [sflag:$0x4], $0x80, v4, vm0, $0xb8;
	[tilespmem:$0x10400] =	vst v63  }
0xd4: {  	s18 =	simm.s32 $0xE400  }
0xd5: {  	[hbm4b:s4+s2] =	stream.indirect_vreg.scatter [tilespmem:s18], [sflag:$0x4], $0x80, v3, vm0, $0xb8;
	[tilespmem:$0x10400] =	vst v63  }
0xd6: {  	s19 =	simm.s32 $0xEC00  }
0xd7: {  	[hbm4b:s5+s2] =	stream.indirect_vreg.scatter [tilespmem:s19], [sflag:$0x4], $0x80, v3, vm0, $0xb8;
	[tilespmem:$0x10400] =	vst v63  }
0xd8: {  	s24 =	simm.s32 $0xF400  }
0xd9: {  	[hbm4b:s6+s2] =	stream.indirect_vreg.scatter [tilespmem:s24], [sflag:$0x4], $0x80, v3, vm0, $0xb8;
	[tilespmem:$0x10400] =	vst v63  }
0xda: {  	s21 =	simm.s32 $0xFC00  }
0xdb: {  	[hbm4b:s7+s2] =	stream.indirect_vreg.scatter [tilespmem:s21], [sflag:$0x4], $0x80, v3, vm0, $0xb8;
	[tilespmem:$0x10400] =	vst v63  }
0xdc: {  	_ =	swait.ge [sflag:s11], $0x8000  }
0xdd: {  	[sflag:s11] =	ssyncset.done $0x0  }
0xde: {  	[sflag:s11] =	ssyncadd.s32 $0xFFFF8000  }
0xdf: {  	_ =	swait.ge [sflag:s23], $0x8000  }
0xe0: {  	[sflag:s23] =	ssyncset.done $0x0  }
0xe1: {  	s21 =	rddreg [dreg:$0x8];
	[sflag:s23] =	ssyncadd.s32 $0xFFFF8000  }
0xe2: {  	[tilespmem:s10], [sflag:$0x2] =	stream.linear.gather [hbm4b:s21+s2], $0x8000, $0x38;
	[tilespmem:$0x10400] =	vst v63  }
0xe3: {  	v3 =	vld [tilespmem:$0x200];
	_ =	sdelay $0x4  }
0xe4: {  	v56 =	vshll.u32 v3, $0x3  }
0xe5: {  	v3 =	vand.u32 $0x7, v3;
	v4 =	vand.u32 $0xFFFFFFC0, v56  }
0xe6: {  	v3 =	vor.u32 v3, v4  }
0xe7: {  	v4 =	vperm.xlane v3, v0;
	_ =	sdelay $0x1  }
0xe8: {  	v4 =	vadd.s32 v1, v4;
	_ =	sdelay $0x4  }
0xe9: {  	[hbm4b:s4+s2] =	stream.indirect_vreg.scatter [tilespmem:s12], [sflag:$0x3], $0x80, v4, vm0, $0xb8;
	[tilespmem:$0x10400] =	vst v63  }
0xea: {  	s24 =	simm.s32 $0xC00;
	v3 =	vperm.xlane v3, v2  }
0xeb: {  	[hbm4b:s5+s2] =	stream.indirect_vreg.scatter [tilespmem:s24], [sflag:$0x3], $0x80, v4, vm0, $0xb8;
	[tilespmem:$0x10400] =	vst v63  }
0xec: {  	v3 =	vadd.s32 v1, v3;
	s24 =	simm.s32 $0x1400  }
0xed: {  	[hbm4b:s6+s2] =	stream.indirect_vreg.scatter [tilespmem:s24], [sflag:$0x3], $0x80, v4, vm0, $0xb8;
	[tilespmem:$0x10400] =	vst v63  }
0xee: {  	s24 =	simm.s32 $0x1C00  }
0xef: {  	[hbm4b:s7+s2] =	stream.indirect_vreg.scatter [tilespmem:s24], [sflag:$0x3], $0x80, v4, vm0, $0xb8;
	[tilespmem:$0x10400] =	vst v63  }
0xf0: {  	s24 =	simm.s32 $0x2400  }
0xf1: {  	[hbm4b:s4+s2] =	stream.indirect_vreg.scatter [tilespmem:s24], [sflag:$0x3], $0x80, v3, vm0, $0xb8;
	[tilespmem:$0x10400] =	vst v63  }
0xf2: {  	_ = 	snop  }
0xf3: {  	[hbm4b:s5+s2] =	stream.indirect_vreg.scatter [tilespmem:s0], [sflag:$0x3], $0x80, v3, vm0, $0xb8;
	[tilespmem:$0x10400] =	vst v63  }
0xf4: {  	_ = 	snop  }
0xf5: {  	[hbm4b:s6+s2] =	stream.indirect_vreg.scatter [tilespmem:s26], [sflag:$0x3], $0x80, v3, vm0, $0xb8;
	[tilespmem:$0x10400] =	vst v63  }
0xf6: {  	s26 =	simm.s32 $0x3C00  }
0xf7: {  	[hbm4b:s7+s2] =	stream.indirect_vreg.scatter [tilespmem:s26], [sflag:$0x3], $0x80, v3, vm0, $0xb8;
	[tilespmem:$0x10400] =	vst v63  }
0xf8: {  	v3 =	vld [tilespmem:$0x210];
	_ =	sdelay $0x4  }
0xf9: {  	v57 =	vshll.u32 v3, $0x3  }
0xfa: {  	v3 =	vand.u32 $0x7, v3;
	v4 =	vand.u32 $0xFFFFFFC0, v57  }
0xfb: {  	v3 =	vor.u32 v3, v4  }
0xfc: {  	v4 =	vperm.xlane v3, v0;
	_ =	sdelay $0x1  }
0xfd: {  	v4 =	vadd.s32 v1, v4;
	_ =	sdelay $0x3  }
0xfe: {  	s0 =	simm.s32 $0x4400  }
0xff: {  	[hbm4b:s4+s2] =	stream.indirect_vreg.scatter [tilespmem:s0], [sflag:$0x3], $0x80, v4, vm0, $0xb8;
	[tilespmem:$0x10400] =	vst v63  }
0x100: {  	v3 =	vperm.xlane v3, v2  }
0x101: {  	[hbm4b:s5+s2] =	stream.indirect_vreg.scatter [tilespmem:s15], [sflag:$0x3], $0x80, v4, vm0, $0xb8;
	[tilespmem:$0x10400] =	vst v63  }
0x102: {  	v3 =	vadd.s32 v1, v3  }
0x103: {  	[hbm4b:s6+s2] =	stream.indirect_vreg.scatter [tilespmem:s1], [sflag:$0x3], $0x80, v4, vm0, $0xb8;
	[tilespmem:$0x10400] =	vst v63  }
0x104: {  	_ = 	snop  }
0x105: {  	[hbm4b:s7+s2] =	stream.indirect_vreg.scatter [tilespmem:s3], [sflag:$0x3], $0x80, v4, vm0, $0xb8;
	[tilespmem:$0x10400] =	vst v63  }
0x106: {  	_ = 	snop  }
0x107: {  	[hbm4b:s4+s2] =	stream.indirect_vreg.scatter [tilespmem:s9], [sflag:$0x3], $0x80, v3, vm0, $0xb8;
	[tilespmem:$0x10400] =	vst v63  }
0x108: {  	_ = 	snop  }
0x109: {  	[hbm4b:s5+s2] =	stream.indirect_vreg.scatter [tilespmem:s13], [sflag:$0x3], $0x80, v3, vm0, $0xb8;
	[tilespmem:$0x10400] =	vst v63  }
0x10a: {  	_ = 	snop  }
0x10b: {  	[hbm4b:s6+s2] =	stream.indirect_vreg.scatter [tilespmem:s14], [sflag:$0x3], $0x80, v3, vm0, $0xb8;
	[tilespmem:$0x10400] =	vst v63  }
0x10c: {  	s9 =	simm.s32 $0x7C00  }
0x10d: {  	[hbm4b:s7+s2] =	stream.indirect_vreg.scatter [tilespmem:s9], [sflag:$0x3], $0x80, v3, vm0, $0xb8;
	[tilespmem:$0x10400] =	vst v63  }
0x10e: {  	_ =	swait.ge [sflag:s29], $0x8000  }
0x10f: {  	[sflag:s29] =	ssyncset.done $0x0  }
0x110: {  	[sflag:s29] =	ssyncadd.s32 $0xFFFF8000  }
0x111: {  	_ =	swait.ge [sflag:s30], $0x8000  }
0x112: {  	[sflag:s30] =	ssyncset.done $0x0  }
0x113: {  	s21 =	rddreg [dreg:$0x9];
	[sflag:s30] =	ssyncadd.s32 $0xFFFF8000  }
0x114: {  	[tilespmem:s12], [sflag:$0x1] =	stream.linear.gather [hbm4b:s21+s2], $0x8000, $0x38;
	[tilespmem:$0x10400] =	vst v63  }
0x115: {  	v3 =	vld [tilespmem:$0x280];
	_ =	sdelay $0x4  }
0x116: {  	v58 =	vshll.u32 v3, $0x3  }
0x117: {  	v3 =	vand.u32 $0x7, v3;
	v4 =	vand.u32 $0xFFFFFFC0, v58  }
0x118: {  	v3 =	vor.u32 v3, v4  }
0x119: {  	v4 =	vperm.xlane v3, v0;
	_ =	sdelay $0x1  }
0x11a: {  	v4 =	vadd.s32 v1, v4;
	_ =	sdelay $0x4  }
0x11b: {  	[hbm4b:s4+s2] =	stream.indirect_vreg.scatter [tilespmem:s10], [sflag:$0x4], $0x80, v4, vm0, $0xb8;
	[tilespmem:$0x10400] =	vst v63  }
0x11c: {  	v3 =	vperm.xlane v3, v2  }
0x11d: {  	[hbm4b:s5+s2] =	stream.indirect_vreg.scatter [tilespmem:s22], [sflag:$0x4], $0x80, v4, vm0, $0xb8;
	[tilespmem:$0x10400] =	vst v63  }
0x11e: {  	s0 =	simm.s32 $0x9400;
	v3 =	vadd.s32 v1, v3  }
0x11f: {  	[hbm4b:s6+s2] =	stream.indirect_vreg.scatter [tilespmem:s0], [sflag:$0x4], $0x80, v4, vm0, $0xb8;
	[tilespmem:$0x10400] =	vst v63  }
0x120: {  	s3 =	simm.s32 $0x9C00  }
0x121: {  	[hbm4b:s7+s2] =	stream.indirect_vreg.scatter [tilespmem:s3], [sflag:$0x4], $0x80, v4, vm0, $0xb8;
	[tilespmem:$0x10400] =	vst v63  }
0x122: {  	_ = 	snop  }
0x123: {  	[hbm4b:s4+s2] =	stream.indirect_vreg.scatter [tilespmem:s25], [sflag:$0x4], $0x80, v3, vm0, $0xb8;
	[tilespmem:$0x10400] =	vst v63  }
0x124: {  	_ = 	snop  }
0x125: {  	[hbm4b:s5+s2] =	stream.indirect_vreg.scatter [tilespmem:s28], [sflag:$0x4], $0x80, v3, vm0, $0xb8;
	[tilespmem:$0x10400] =	vst v63  }
0x126: {  	_ = 	snop  }
0x127: {  	[hbm4b:s6+s2] =	stream.indirect_vreg.scatter [tilespmem:s31], [sflag:$0x4], $0x80, v3, vm0, $0xb8;
	[tilespmem:$0x10400] =	vst v63  }
0x128: {  	s26 =	simm.s32 $0xBC00  }
0x129: {  	[hbm4b:s7+s2] =	stream.indirect_vreg.scatter [tilespmem:s26], [sflag:$0x4], $0x80, v3, vm0, $0xb8;
	[tilespmem:$0x10400] =	vst v63  }
0x12a: {  	v3 =	vld [tilespmem:$0x290];
	_ =	sdelay $0x4  }
0x12b: {  	v59 =	vshll.u32 v3, $0x3  }
0x12c: {  	v3 =	vand.u32 $0x7, v3;
	v4 =	vand.u32 $0xFFFFFFC0, v59  }
0x12d: {  	v3 =	vor.u32 v3, v4  }
0x12e: {  	v4 =	vperm.xlane v3, v0;
	_ =	sdelay $0x1  }
0x12f: {  	v4 =	vadd.s32 v1, v4;
	_ =	sdelay $0x3  }
0x130: {  	s1 =	simm.s32 $0xC400  }
0x131: {  	[hbm4b:s4+s2] =	stream.indirect_vreg.scatter [tilespmem:s1], [sflag:$0x4], $0x80, v4, vm0, $0xb8;
	[tilespmem:$0x10400] =	vst v63  }
0x132: {  	v3 =	vperm.xlane v3, v2  }
0x133: {  	[hbm4b:s5+s2] =	stream.indirect_vreg.scatter [tilespmem:s20], [sflag:$0x4], $0x80, v4, vm0, $0xb8;
	[tilespmem:$0x10400] =	vst v63  }
0x134: {  	v3 =	vadd.s32 v1, v3  }
0x135: {  	[hbm4b:s6+s2] =	stream.indirect_vreg.scatter [tilespmem:s17], [sflag:$0x4], $0x80, v4, vm0, $0xb8;
	[tilespmem:$0x10400] =	vst v63  }
0x136: {  	_ = 	snop  }
0x137: {  	[hbm4b:s7+s2] =	stream.indirect_vreg.scatter [tilespmem:s16], [sflag:$0x4], $0x80, v4, vm0, $0xb8;
	[tilespmem:$0x10400] =	vst v63  }
0x138: {  	_ = 	snop  }
0x139: {  	[hbm4b:s4+s2] =	stream.indirect_vreg.scatter [tilespmem:s18], [sflag:$0x4], $0x80, v3, vm0, $0xb8;
	[tilespmem:$0x10400] =	vst v63  }
0x13a: {  	_ = 	snop  }
0x13b: {  	[hbm4b:s5+s2] =	stream.indirect_vreg.scatter [tilespmem:s19], [sflag:$0x4], $0x80, v3, vm0, $0xb8;
	[tilespmem:$0x10400] =	vst v63  }
0x13c: {  	s31 =	simm.s32 $0xF400  }
0x13d: {  	[hbm4b:s6+s2] =	stream.indirect_vreg.scatter [tilespmem:s31], [sflag:$0x4], $0x80, v3, vm0, $0xb8;
	[tilespmem:$0x10400] =	vst v63  }
0x13e: {  	s9 =	simm.s32 $0xFC00  }
0x13f: {  	[hbm4b:s7+s2] =	stream.indirect_vreg.scatter [tilespmem:s9], [sflag:$0x4], $0x80, v3, vm0, $0xb8;
	[tilespmem:$0x10400] =	vst v63  }
0x140: {  	_ =	swait.ge [sflag:s11], $0x8000  }
0x141: {  	[sflag:s11] =	ssyncset.done $0x0  }
0x142: {  	[sflag:s11] =	ssyncadd.s32 $0xFFFF8000  }
0x143: {  	_ =	swait.ge [sflag:s23], $0x8000  }
0x144: {  	[sflag:s23] =	ssyncset.done $0x0  }
0x145: {  	s24 =	rddreg [dreg:$0xa];
	[sflag:s23] =	ssyncadd.s32 $0xFFFF8000  }
0x146: {  	[tilespmem:s10], [sflag:$0x2] =	stream.linear.gather [hbm4b:s24+s2], $0x8000, $0x38;
	[tilespmem:$0x10400] =	vst v63  }
0x147: {  	v3 =	vld [tilespmem:$0x300];
	_ =	sdelay $0x4  }
0x148: {  	v60 =	vshll.u32 v3, $0x3  }
0x149: {  	v3 =	vand.u32 $0x7, v3;
	v4 =	vand.u32 $0xFFFFFFC0, v60  }
0x14a: {  	v3 =	vor.u32 v3, v4  }
0x14b: {  	v4 =	vperm.xlane v3, v0;
	_ =	sdelay $0x1  }
0x14c: {  	v4 =	vadd.s32 v1, v4;
	_ =	sdelay $0x4  }
0x14d: {  	[hbm4b:s4+s2] =	stream.indirect_vreg.scatter [tilespmem:s12], [sflag:$0x3], $0x80, v4, vm0, $0xb8;
	[tilespmem:$0x10400] =	vst v63  }
0x14e: {  	s24 =	simm.s32 $0xC00;
	v3 =	vperm.xlane v3, v2  }
0x14f: {  	[hbm4b:s5+s2] =	stream.indirect_vreg.scatter [tilespmem:s24], [sflag:$0x3], $0x80, v4, vm0, $0xb8;
	[tilespmem:$0x10400] =	vst v63  }
0x150: {  	v3 =	vadd.s32 v1, v3;
	s24 =	simm.s32 $0x1400  }
0x151: {  	[hbm4b:s6+s2] =	stream.indirect_vreg.scatter [tilespmem:s24], [sflag:$0x3], $0x80, v4, vm0, $0xb8;
	[tilespmem:$0x10400] =	vst v63  }
0x152: {  	s24 =	simm.s32 $0x1C00  }
0x153: {  	[hbm4b:s7+s2] =	stream.indirect_vreg.scatter [tilespmem:s24], [sflag:$0x3], $0x80, v4, vm0, $0xb8;
	[tilespmem:$0x10400] =	vst v63  }
0x154: {  	s24 =	simm.s32 $0x2400  }
0x155: {  	[hbm4b:s4+s2] =	stream.indirect_vreg.scatter [tilespmem:s24], [sflag:$0x3], $0x80, v3, vm0, $0xb8;
	[tilespmem:$0x10400] =	vst v63  }
0x156: {  	s24 =	simm.s32 $0x2C00  }
0x157: {  	[hbm4b:s5+s2] =	stream.indirect_vreg.scatter [tilespmem:s24], [sflag:$0x3], $0x80, v3, vm0, $0xb8;
	[tilespmem:$0x10400] =	vst v63  }
0x158: {  	s24 =	simm.s32 $0x3400  }
0x159: {  	[hbm4b:s6+s2] =	stream.indirect_vreg.scatter [tilespmem:s24], [sflag:$0x3], $0x80, v3, vm0, $0xb8;
	[tilespmem:$0x10400] =	vst v63  }
0x15a: {  	s24 =	simm.s32 $0x3C00  }
0x15b: {  	[hbm4b:s7+s2] =	stream.indirect_vreg.scatter [tilespmem:s24], [sflag:$0x3], $0x80, v3, vm0, $0xb8;
	[tilespmem:$0x10400] =	vst v63  }
0x15c: {  	v3 =	vld [tilespmem:$0x310];
	_ =	sdelay $0x4  }
0x15d: {  	v61 =	vshll.u32 v3, $0x3  }
0x15e: {  	v3 =	vand.u32 $0x7, v3;
	v4 =	vand.u32 $0xFFFFFFC0, v61  }
0x15f: {  	v3 =	vor.u32 v3, v4  }
0x160: {  	v4 =	vperm.xlane v3, v0;
	_ =	sdelay $0x1  }
0x161: {  	v4 =	vadd.s32 v1, v4;
	_ =	sdelay $0x3  }
0x162: {  	s24 =	simm.s32 $0x4400  }
0x163: {  	[hbm4b:s4+s2] =	stream.indirect_vreg.scatter [tilespmem:s24], [sflag:$0x3], $0x80, v4, vm0, $0xb8;
	[tilespmem:$0x10400] =	vst v63  }
0x164: {  	s15 =	simm.s32 $0x4C00;
	v3 =	vperm.xlane v3, v2  }
0x165: {  	[hbm4b:s5+s2] =	stream.indirect_vreg.scatter [tilespmem:s15], [sflag:$0x3], $0x80, v4, vm0, $0xb8;
	[tilespmem:$0x10400] =	vst v63  }
0x166: {  	v3 =	vadd.s32 v1, v3;
	s15 =	simm.s32 $0x5400  }
0x167: {  	[hbm4b:s6+s2] =	stream.indirect_vreg.scatter [tilespmem:s15], [sflag:$0x3], $0x80, v4, vm0, $0xb8;
	[tilespmem:$0x10400] =	vst v63  }
0x168: {  	s24 =	simm.s32 $0x5C00  }
0x169: {  	[hbm4b:s7+s2] =	stream.indirect_vreg.scatter [tilespmem:s24], [sflag:$0x3], $0x80, v4, vm0, $0xb8;
	[tilespmem:$0x10400] =	vst v63  }
0x16a: {  	s15 =	simm.s32 $0x6400  }
0x16b: {  	[hbm4b:s4+s2] =	stream.indirect_vreg.scatter [tilespmem:s15], [sflag:$0x3], $0x80, v3, vm0, $0xb8;
	[tilespmem:$0x10400] =	vst v63  }
0x16c: {  	s13 =	simm.s32 $0x6C00  }
0x16d: {  	[hbm4b:s5+s2] =	stream.indirect_vreg.scatter [tilespmem:s13], [sflag:$0x3], $0x80, v3, vm0, $0xb8;
	[tilespmem:$0x10400] =	vst v63  }
0x16e: {  	s14 =	simm.s32 $0x7400  }
0x16f: {  	[hbm4b:s6+s2] =	stream.indirect_vreg.scatter [tilespmem:s14], [sflag:$0x3], $0x80, v3, vm0, $0xb8;
	[tilespmem:$0x10400] =	vst v63  }
0x170: {  	s24 =	simm.s32 $0x7C00  }
0x171: {  	[hbm4b:s7+s2] =	stream.indirect_vreg.scatter [tilespmem:s24], [sflag:$0x3], $0x80, v3, vm0, $0xb8;
	[tilespmem:$0x10400] =	vst v63  }
0x172: {  	_ =	swait.ge [sflag:s29], $0x8000  }
0x173: {  	[sflag:s29] =	ssyncset.done $0x0  }
0x174: {  	[sflag:s29] =	ssyncadd.s32 $0xFFFF8000  }
0x175: {  	v3 =	vld [tilespmem:$0x380];
	_ =	sdelay $0x4  }
0x176: {  	v62 =	vshll.u32 v3, $0x3  }
0x177: {  	v3 =	vand.u32 $0x7, v3;
	v4 =	vand.u32 $0xFFFFFFC0, v62  }
0x178: {  	v3 =	vor.u32 v3, v4  }
0x179: {  	v4 =	vperm.xlane v3, v0;
	_ =	sdelay $0x1  }
0x17a: {  	v4 =	vadd.s32 v1, v4;
	_ =	sdelay $0x4  }
0x17b: {  	[hbm4b:s4+s2] =	stream.indirect_vreg.scatter [tilespmem:s10], [sflag:$0x4], $0x80, v4, vm0, $0xb8;
	[tilespmem:$0x10400] =	vst v63  }
0x17c: {  	s21 =	simm.s32 $0x8C00;
	v3 =	vperm.xlane v3, v2  }
0x17d: {  	[hbm4b:s5+s2] =	stream.indirect_vreg.scatter [tilespmem:s21], [sflag:$0x4], $0x80, v4, vm0, $0xb8;
	[tilespmem:$0x10400] =	vst v63  }
0x17e: {  	v3 =	vadd.s32 v1, v3  }
0x17f: {  	[hbm4b:s6+s2] =	stream.indirect_vreg.scatter [tilespmem:s0], [sflag:$0x4], $0x80, v4, vm0, $0xb8;
	[tilespmem:$0x10400] =	vst v63  }
0x180: {  	_ = 	snop  }
0x181: {  	[hbm4b:s7+s2] =	stream.indirect_vreg.scatter [tilespmem:s3], [sflag:$0x4], $0x80, v4, vm0, $0xb8;
	[tilespmem:$0x10400] =	vst v63  }
0x182: {  	s22 =	simm.s32 $0xA400  }
0x183: {  	[hbm4b:s4+s2] =	stream.indirect_vreg.scatter [tilespmem:s22], [sflag:$0x4], $0x80, v3, vm0, $0xb8;
	[tilespmem:$0x10400] =	vst v63  }
0x184: {  	s25 =	simm.s32 $0xAC00  }
0x185: {  	[hbm4b:s5+s2] =	stream.indirect_vreg.scatter [tilespmem:s25], [sflag:$0x4], $0x80, v3, vm0, $0xb8;
	[tilespmem:$0x10400] =	vst v63  }
0x186: {  	s28 =	simm.s32 $0xB400  }
0x187: {  	[hbm4b:s6+s2] =	stream.indirect_vreg.scatter [tilespmem:s28], [sflag:$0x4], $0x80, v3, vm0, $0xb8;
	[tilespmem:$0x10400] =	vst v63  }
0x188: {  	_ = 	snop  }
0x189: {  	[hbm4b:s7+s2] =	stream.indirect_vreg.scatter [tilespmem:s26], [sflag:$0x4], $0x80, v3, vm0, $0xb8;
	[tilespmem:$0x10400] =	vst v63  }
0x18a: {  	v3 =	vld [tilespmem:$0x390];
	_ =	sdelay $0x4  }
0x18b: {  	v63 =	vshll.u32 v3, $0x3  }
0x18c: {  	v3 =	vand.u32 $0x7, v3;
	v4 =	vand.u32 $0xFFFFFFC0, v63  }
0x18d: {  	v3 =	vor.u32 v3, v4  }
0x18e: {  	v4 =	vperm.xlane v3, v0;
	_ =	sdelay $0x1  }
0x18f: {  	v4 =	vadd.s32 v1, v4;
	_ =	sdelay $0x4  }
0x190: {  	[hbm4b:s4+s2] =	stream.indirect_vreg.scatter [tilespmem:s1], [sflag:$0x4], $0x80, v4, vm0, $0xb8;
	[tilespmem:$0x10400] =	vst v63  }
0x191: {  	s20 =	simm.s32 $0xCC00;
	v3 =	vperm.xlane v3, v2  }
0x192: {  	[hbm4b:s5+s2] =	stream.indirect_vreg.scatter [tilespmem:s20], [sflag:$0x4], $0x80, v4, vm0, $0xb8;
	[tilespmem:$0x10400] =	vst v63  }
0x193: {  	s17 =	simm.s32 $0xD400;
	v3 =	vadd.s32 v1, v3  }
0x194: {  	[hbm4b:s6+s2] =	stream.indirect_vreg.scatter [tilespmem:s17], [sflag:$0x4], $0x80, v4, vm0, $0xb8;
	[tilespmem:$0x10400] =	vst v63  }
0x195: {  	s16 =	simm.s32 $0xDC00  }
0x196: {  	[hbm4b:s7+s2] =	stream.indirect_vreg.scatter [tilespmem:s16], [sflag:$0x4], $0x80, v4, vm0, $0xb8;
	[tilespmem:$0x10400] =	vst v63  }
0x197: {  	s18 =	simm.s32 $0xE400  }
0x198: {  	[hbm4b:s4+s2] =	stream.indirect_vreg.scatter [tilespmem:s18], [sflag:$0x4], $0x80, v3, vm0, $0xb8;
	[tilespmem:$0x10400] =	vst v63  }
0x199: {  	s19 =	simm.s32 $0xEC00  }
0x19a: {  	[hbm4b:s5+s2] =	stream.indirect_vreg.scatter [tilespmem:s19], [sflag:$0x4], $0x80, v3, vm0, $0xb8;
	[tilespmem:$0x10400] =	vst v63  }
0x19b: {  	_ = 	snop  }
0x19c: {  	[hbm4b:s6+s2] =	stream.indirect_vreg.scatter [tilespmem:s31], [sflag:$0x4], $0x80, v3, vm0, $0xb8;
	[tilespmem:$0x10400] =	vst v63  }
0x19d: {  	_ = 	snop  }
0x19e: {  	[hbm4b:s7+s2] =	stream.indirect_vreg.scatter [tilespmem:s9], [sflag:$0x4], $0x80, v3, vm0, $0xb8;
	[tilespmem:$0x10400] =	vst v63  }
0x19f: {  	p0 =	sne.s32 s8, $0x1;
	_ =	swait.ge [sflag:s30], $0x8000  }
.Ltmp0:
0x1a0: {  	[sflag:s30] =	ssyncset.done $0x0;
	(pc) =	sbr.rel @p0 .LBB2_1-.Ltmp0, $4  }
0x1a1: {  	[sflag:s30] =	ssyncadd.s32 $0xFFFF8000  }
0x1a2: {  	_ =	swait.ge [sflag:s23], $0x8000  }
0x1a3: {  	[sflag:s23] =	ssyncset.done $0x0  }
0x1a4: {  	s8 =	sadd.s32 $0xFFFFFFFF, s8;
	[sflag:s23] =	ssyncadd.s32 $0xFFFF8000  }
0x1a5: {  	_ =	sfence.sel $0x180000  }
0x1a6: {  	[bflag:$0x0] =	sbarrier.arrive $0xFFFF  }
0x1a7: {  	_ =	strace $0x90000047  }
0x1a8: {  	s0 =	stileid.u32;
	[bflag:$0x2] =	sbarrier.arrive $0xFFFF  }
0x1a9: {  	p0 =	sne.s32 s0, $0x0;
	s0 =	rddreg [dreg:$0x2]  }
0x1aa: {  	s0 =	sadd.s32 @!p0 $0x100000, s0  }
0x1ab: {  	[sflag:s0] =	ssyncadd.tile.s32 @!p0 $0x1;
	_ =	shalt  }
.Lfunc_end2:
_tile_overlayer_lowered:
.L_overlay_start_2:
0x1ac: {  	(tag) =	ssettag $0x2  }
0x1ad: {  	s0 =	rddreg [dreg:$0x0];
	s2 =	stileid.u32  }
0x1ae: {  	s1 =	rddreg [dreg:$0x1];
	p0 =	sne.s32 s2, $0x0  }
0x1af: {  	s3 =	rddreg [dreg:$0x2];
	[bflag:$0x3] =	sbarrier.arrive $0xFFFF;
	s2 =	simm.s32 @!p0 $0x1C05  }
0x1b0: {  	[timem:s3], [sflag:s2] =	dma.local @!p0 [hbm:s0], s1  }
0x1b1: {  	s0 =	simm.s32 @!p0 $0x5  }
0x1b2: {  	_ =	swait.ge @!p0 [sflag:s0], s1  }
0x1b3: {  	s1 =	ssub.s32 @!p0 $0x0, s1;
	[sflag:s0] =	ssyncset.done @!p0 $0x0  }
0x1b4: {  	[sflag:s0] =	ssyncadd.s32 @!p0 s1  }
0x1b5: {  	[bflag:$0x3] =	sbarrier.arrive $0xFFFF  }
0x1b6: {  	_ =	shalt  }

</sc_bundles>
